<compile_context>
chip_gen: v7x
topology: tpu7x:2x2x1
jax: 0.10.2.dev20260603
libtpu: 0.0.44.dev20260713+nightly
codegen_flags: <defaults>
</compile_context>

<pallas_src>
import functools

import jax
import jax.numpy as jnp
from jax import lax
from jax.experimental import pallas as pl
from jax.experimental.pallas import tpu as pltpu
from jax.experimental.pallas import tpu_sc as plsc

N = 10000
E = 320000
D_IN = 128
D_H = 128
D_OUT = 64

NC = 2
NS = 16
NW = NC * NS
EPW = E // NW

CHUNK = 80
NCHUNK = EPW // CHUNK

N_PAD = 10240
RPT = N_PAD // NS

DEG_GRP = 5

_F32 = jnp.float32


def _mesh():
    return plsc.VectorSubcoreMesh(core_axis_name="c", subcore_axis_name="s")


def _sc_degree(ei4):
    @functools.partial(
        pl.kernel,
        out_type=jax.ShapeDtypeStruct((NC, N_PAD), _F32),
        mesh=_mesh(),
        compiler_params=pltpu.CompilerParams(use_tc_tiling_on_sc=False),
        scratch_types=[
            pltpu.VMEM((NCHUNK, CHUNK), jnp.int32),
            pltpu.VMEM((CHUNK,), _F32),
            pltpu.VMEM((RPT,), _F32),
            pltpu.VMEM_SHARED((N_PAD,), _F32),
            pltpu.SemaphoreType.DMA,
        ],
    )
    def k(ei_hbm, out_hbm, didx2, ones, zbuf, acc, sem):
        c = lax.axis_index("c")
        s = lax.axis_index("s")
        wid = c * NS + s

        pltpu.sync_copy(ei_hbm.at[1, wid], didx2)

        @pl.loop(0, RPT // 16)
        def _(i):
            zbuf[pl.ds(i * 16, 16)] = jnp.zeros((16,), _F32)

        @pl.loop(0, CHUNK // 16)
        def _(i):
            ones[pl.ds(i * 16, 16)] = jnp.ones((16,), _F32)

        pltpu.sync_copy(zbuf, acc.at[pl.ds(s * RPT, RPT)])
        plsc.subcore_barrier()

        @pl.loop(0, NCHUNK // DEG_GRP)
        def _(j):
            i0 = j * DEG_GRP
            for b in range(DEG_GRP):
                pltpu.async_copy(ones, acc.at[didx2.at[i0 + b]], sem, add=True)
            for b in range(DEG_GRP):
                pltpu.make_async_copy(ones, acc.at[didx2.at[i0 + b]], sem).wait()

        plsc.subcore_barrier()
        pltpu.sync_copy(acc.at[pl.ds(s * RPT, RPT)],
                        out_hbm.at[c, pl.ds(s * RPT, RPT)])

    return k(ei4)


def _sc_aggregate(hp, zeros, ei4, d):
    ch = CHUNK
    nch = NCHUNK
    nbuf = 3 if d == D_H else 5
    nacc = N
    rpa = nacc // NS

    @functools.partial(
        pl.kernel,
        out_type=jax.ShapeDtypeStruct((NC, nacc, d), _F32),
        mesh=_mesh(),
        compiler_params=pltpu.CompilerParams(use_tc_tiling_on_sc=False),
        scratch_types=[
            pltpu.VMEM((nch, ch), jnp.int32),
            pltpu.VMEM((nch, ch), jnp.int32),
        ]
        + [pltpu.VMEM((ch, d), _F32) for _ in range(nbuf)]
        + [pltpu.VMEM_SHARED((nacc, d), _F32)]
        + [pltpu.SemaphoreType.DMA for _ in range(nbuf)],
    )
    def k(hp_hbm, z_hbm, ei_hbm, out_hbm, sidx2, didx2, *rest):
        rows = rest[:nbuf]
        acc = rest[nbuf]
        gsem = rest[nbuf + 1:]
        c = lax.axis_index("c")
        s = lax.axis_index("s")
        wid = c * NS + s

        pltpu.sync_copy(ei_hbm.at[0, wid], sidx2)
        pltpu.sync_copy(ei_hbm.at[1, wid], didx2)

        @pl.when(c == 0)
        def _():
            pltpu.sync_copy(hp_hbm.at[pl.ds(s * rpa, rpa)],
                            acc.at[pl.ds(s * rpa, rpa)])

        @pl.when(c == 1)
        def _():
            pltpu.sync_copy(z_hbm.at[pl.ds(s * rpa, rpa)],
                            acc.at[pl.ds(s * rpa, rpa)])

        plsc.subcore_barrier()

        def wait_gather(i, b):
            pltpu.make_async_copy(
                hp_hbm.at[sidx2.at[i]], rows[b], gsem[b]).wait()

        def scatter(i, b):
            pltpu.sync_copy(rows[b], acc.at[didx2.at[i]], add=True)

        def gather(i, b):
            pltpu.async_copy(hp_hbm.at[sidx2.at[i]], rows[b], gsem[b])

        for b in range(nbuf):
            gather(b, b)

        main_rounds = (nch - nbuf) // nbuf
        rem = (nch - nbuf) - main_rounds * nbuf

        @pl.loop(0, main_rounds)
        def _(j):
            i0 = j * nbuf
            for b in range(nbuf):
                wait_gather(i0 + b, b)
                scatter(i0 + b, b)
                gather(i0 + nbuf + b, b)

        base = main_rounds * nbuf
        for t in range(rem):
            i = base + t
            b = i % nbuf
            wait_gather(i, b)
            scatter(i, b)
            gather(i + nbuf, b)
        for t in range(nbuf):
            i = base + rem + t
            b = i % nbuf
            wait_gather(i, b)
            scatter(i, b)

        plsc.subcore_barrier()
        pltpu.sync_copy(acc.at[pl.ds(s * rpa, rpa)],
                        out_hbm.at[c, pl.ds(s * rpa, rpa)])

    return k(hp, zeros, ei4)


def _dinv_col(degp):
    return lax.rsqrt(degp[0, :N] + degp[1, :N] + 1.0)[:, None]


def _tc_first(x, w, degp):
    def body(x_ref, w_ref, degp_ref, out_ref):
        dinv = _dinv_col(degp_ref[...])
        h = jnp.dot(x_ref[...], w_ref[...], preferred_element_type=_F32)
        out_ref[...] = h * dinv

    return pl.pallas_call(
        body, out_shape=jax.ShapeDtypeStruct((N, D_H), _F32)
    )(x, w, degp)


def _tc_mid(degp, aggp, b, g, be, w):
    def body(degp_ref, aggp_ref, b_ref, g_ref, be_ref, w_ref, out_ref):
        dinv = _dinv_col(degp_ref[...])
        t = (aggp_ref[0, :N] + aggp_ref[1, :N]) * dinv
        t = t + b_ref[...]
        mu = jnp.mean(t, axis=0, keepdims=True)
        var = jnp.mean((t - mu) ** 2, axis=0, keepdims=True)
        t = (t - mu) * lax.rsqrt(var + 1e-5) * g_ref[...] + be_ref[...]
        t = jnp.maximum(t, 0.0)
        out_ref[...] = jnp.dot(t, w_ref[...], preferred_element_type=_F32) * dinv

    d_next = w.shape[1]
    return pl.pallas_call(
        body, out_shape=jax.ShapeDtypeStruct((N, d_next), _F32)
    )(degp, aggp, b, g, be, w)


def _tc_final(degp, aggp, b):
    def body(degp_ref, aggp_ref, b_ref, out_ref):
        dinv = _dinv_col(degp_ref[...])
        t = (aggp_ref[0, :N] + aggp_ref[1, :N]) * dinv
        t = t + b_ref[...]
        m = jnp.max(t, axis=1, keepdims=True)
        e = jnp.exp(t - m)
        out_ref[...] = e / jnp.sum(e, axis=1, keepdims=True)

    return pl.pallas_call(
        body, out_shape=jax.ShapeDtypeStruct((N, D_OUT), _F32)
    )(degp, aggp, b)


def kernel(x, edge_index, W1, b1, W2, b2, W3, b3, g1, be1, g2, be2):
    ei4 = edge_index.reshape(2, NW, NCHUNK, CHUNK)
    zeros_h = jnp.zeros((N, D_H), _F32)
    zeros_o = jnp.zeros((N, D_OUT), _F32)

    degp = _sc_degree(ei4)
    h1p = _tc_first(x, W1, degp)
    agg1 = _sc_aggregate(h1p, zeros_h, ei4, D_H)
    h2p = _tc_mid(degp, agg1, b1, g1, be1, W2)
    agg2 = _sc_aggregate(h2p, zeros_h, ei4, D_H)
    h3p = _tc_mid(degp, agg2, b2, g2, be2, W3)
    agg3 = _sc_aggregate(h3p, zeros_o, ei4, D_OUT)
    return _tc_final(degp, agg3, b3)

# --- scband reference (transcript-rebuilt; emitter-appended) ---
"""Pipeline reference for scband-gcn-53927609368950 (READ-ONLY COPY).

The authoritative reference and input builder live on the scoring server;
editing this copy changes nothing except your own understanding.
"""

import jax, jax.numpy as jnp
import numpy as np

N = 10000
E = 320000
D_IN = 128
D_H = 128
D_OUT = 64


def _glorot(key, fan_in, fan_out):
    limit = np.sqrt(6.0 / (fan_in + fan_out))
    return jax.random.uniform(key, (fan_in, fan_out), dtype=jnp.float32, minval=-limit, maxval=limit)


def setup_inputs(seed: int = 0) -> dict:
    key = jax.random.key(seed)
    ks = jax.random.split(key, 12)
    x = jax.random.normal(ks[0], (N, D_IN), dtype=jnp.float32)
    edge_index = jax.random.randint(ks[1], (2, E), 0, N, dtype=jnp.int32)
    W1 = _glorot(ks[2], D_IN, D_H)
    b1 = jnp.zeros((D_H,), jnp.float32)
    W2 = _glorot(ks[3], D_H, D_H)
    b2 = jnp.zeros((D_H,), jnp.float32)
    W3 = _glorot(ks[4], D_H, D_OUT)
    b3 = jnp.zeros((D_OUT,), jnp.float32)
    g1 = jnp.ones((D_H,), jnp.float32)
    be1 = jnp.zeros((D_H,), jnp.float32)
    g2 = jnp.ones((D_H,), jnp.float32)
    be2 = jnp.zeros((D_H,), jnp.float32)
    return {"x": x, "edge_index": edge_index, "W1": W1, "b1": b1, "W2": W2, "b2": b2, "W3": W3, "b3": b3, "g1": g1, "be1": be1, "g2": g2, "be2": be2}


def gcn_conv(x, src, dst, W, b):
    n = x.shape[0]
    loop = jnp.arange(n, dtype=src.dtype)
    s = jnp.concatenate([src, loop])
    d = jnp.concatenate([dst, loop])
    deg = jnp.zeros((n,), x.dtype).at[d].add(1.0)
    dinv = jnp.where(deg > 0, deg ** -0.5, 0.0)
    norm = dinv[s] * dinv[d]
    h = x @ W
    msg = h[s] * norm[:, None]
    out = jnp.zeros((n, h.shape[1]), x.dtype).at[d].add(msg)
    return out + b


def batchnorm(x, gamma, beta):
    mu = jnp.mean(x, axis=0)
    var = jnp.var(x, axis=0)
    return (x - mu) / jnp.sqrt(var + 1e-5) * gamma + beta


def reference(x, edge_index, W1, b1, W2, b2, W3, b3, g1, be1, g2, be2):
    src = edge_index[0]
    dst = edge_index[1]
    h = gcn_conv(x, src, dst, W1, b1)
    h = jax.nn.relu(batchnorm(h, g1, be1))
    # dropout is identity in eval mode
    h = gcn_conv(h, src, dst, W2, b2)
    h = jax.nn.relu(batchnorm(h, g2, be2))
    h = gcn_conv(h, src, dst, W3, b3)
    return jax.nn.softmax(h, axis=1)

if __name__ == "__main__":
    import jax
    _d = setup_inputs()
    print(jax.jit(kernel)(*tuple(_d.values())))

</pallas_src>

<mosaic_0001>
#map = affine_map<(d0, d1) -> (0, 0)>
#map1 = affine_map<(d0, d1) -> (0, 0, 0, 0)>
#map2 = affine_map<(d0, d1) -> (0, 0, 0)>
module attributes {stable_mosaic.version = 14 : i64} {
  func.func @k(%arg0: i32, %arg1: i32, %arg2: memref<10000x128xf32, #tpu.memory_space<hbm>>, %arg3: memref<10000x128xf32, #tpu.memory_space<hbm>>, %arg4: memref<2x32x125x80xi32, #tpu.memory_space<hbm>>, %arg5: memref<2x10000x128xf32, #tpu.memory_space<hbm>>, %arg6: memref<125x80xi32, #tpu.memory_space<vmem>>, %arg7: memref<125x80xi32, #tpu.memory_space<vmem>>, %arg8: memref<80x128xf32, #tpu.memory_space<vmem>>, %arg9: memref<80x128xf32, #tpu.memory_space<vmem>>, %arg10: memref<80x128xf32, #tpu.memory_space<vmem>>, %arg11: memref<10000x128xf32, #tpu.memory_space<vmem_shared>>, %arg12: memref<!tpu.dma_semaphore, #tpu.memory_space<semaphore_mem>>, %arg13: memref<!tpu.dma_semaphore, #tpu.memory_space<semaphore_mem>>, %arg14: memref<!tpu.dma_semaphore, #tpu.memory_space<semaphore_mem>>) attributes {dimension_semantics = [#tpu.dimension_semantics<core_parallel>, #tpu.dimension_semantics<subcore_parallel>], iteration_bounds = array<i64: 2, 16>, scalar_prefetch = 0 : i64, scratch_operands = 9 : i64, tpu.core_type = #tpu.core_type<sc_vector_subcore>, window_params = [{transform_indices = #map}, {transform_indices = #map}, {transform_indices = #map1}, {transform_indices = #map2}]} {
    %mul3A = arith.constant 16 : i32
    %mul3A_0 = arith.muli %arg0, %mul3A : i32
    %add3A = arith.addi %mul3A_0, %arg1 : i32
    %run_scoped3A = arith.constant 0 : i32
    "tpu.region"() ({
      %run_scoped3A_91 = tpu.sem_alloc : memref<!tpu.dma_semaphore, #tpu.memory_space<semaphore_mem>>
      %dma_start3A_92 = arith.constant 0 : i32
      %dma_start3A_93 = arith.constant 0 : i32
      %dma_start3A_94 = tpu.memref_slice %arg4[%run_scoped3A, %add3A, %dma_start3A_92, %dma_start3A_93] : memref<2x32x125x80xi32, #tpu.memory_space<hbm>> -> memref<1x1x125x80xi32, #tpu.memory_space<hbm>>
      %dma_start3A_95 = tpu.memref_squeeze %dma_start3A_94 : memref<1x1x125x80xi32, #tpu.memory_space<hbm>> -> memref<125x80xi32, #tpu.memory_space<hbm>>
      %dma_start3A_96 = arith.constant 0 : i32
      %dma_start3A_97 = arith.constant 0 : i32
      %dma_start3A_98 = tpu.memref_slice %arg4[%run_scoped3A, %add3A, %dma_start3A_96, %dma_start3A_97] : memref<2x32x125x80xi32, #tpu.memory_space<hbm>> -> memref<1x1x125x80xi32, #tpu.memory_space<hbm>>
      %dma_start3A_99 = tpu.memref_squeeze %dma_start3A_98 : memref<1x1x125x80xi32, #tpu.memory_space<hbm>> -> memref<125x80xi32, #tpu.memory_space<hbm>>
      tpu.enqueue_dma source(%dma_start3A_99 : memref<125x80xi32, #tpu.memory_space<hbm>>) target(%arg6 : memref<125x80xi32, #tpu.memory_space<vmem>>) target_semaphore(%run_scoped3A_91 : memref<!tpu.dma_semaphore, #tpu.memory_space<semaphore_mem>>)
      %dma_wait3A_100 = arith.constant 0 : i32
      %dma_wait3A_101 = arith.constant 0 : i32
      %dma_wait3A_102 = tpu.memref_slice %arg4[%run_scoped3A, %add3A, %dma_wait3A_100, %dma_wait3A_101] : memref<2x32x125x80xi32, #tpu.memory_space<hbm>> -> memref<1x1x125x80xi32, #tpu.memory_space<hbm>>
      %dma_wait3A_103 = tpu.memref_squeeze %dma_wait3A_102 : memref<1x1x125x80xi32, #tpu.memory_space<hbm>> -> memref<125x80xi32, #tpu.memory_space<hbm>>
      %dma_wait3A_104 = arith.constant 0 : i32
      %dma_wait3A_105 = arith.constant 0 : i32
      %dma_wait3A_106 = tpu.memref_slice %arg4[%run_scoped3A, %add3A, %dma_wait3A_104, %dma_wait3A_105] : memref<2x32x125x80xi32, #tpu.memory_space<hbm>> -> memref<1x1x125x80xi32, #tpu.memory_space<hbm>>
      %dma_wait3A_107 = tpu.memref_squeeze %dma_wait3A_106 : memref<1x1x125x80xi32, #tpu.memory_space<hbm>> -> memref<125x80xi32, #tpu.memory_space<hbm>>
      tpu.wait_dma2 semaphore(%run_scoped3A_91 : memref<!tpu.dma_semaphore, #tpu.memory_space<semaphore_mem>>) src(%dma_wait3A_107 : memref<125x80xi32, #tpu.memory_space<hbm>>) dst(%arg6 : memref<125x80xi32, #tpu.memory_space<vmem>>)
      tpu.yield
    }) : () -> ()
    %run_scoped3A_1 = arith.constant 1 : i32
    "tpu.region"() ({
      %run_scoped3A_91 = tpu.sem_alloc : memref<!tpu.dma_semaphore, #tpu.memory_space<semaphore_mem>>
      %dma_start3A_92 = arith.constant 0 : i32
      %dma_start3A_93 = arith.constant 0 : i32
      %dma_start3A_94 = tpu.memref_slice %arg4[%run_scoped3A_1, %add3A, %dma_start3A_92, %dma_start3A_93] : memref<2x32x125x80xi32, #tpu.memory_space<hbm>> -> memref<1x1x125x80xi32, #tpu.memory_space<hbm>>
      %dma_start3A_95 = tpu.memref_squeeze %dma_start3A_94 : memref<1x1x125x80xi32, #tpu.memory_space<hbm>> -> memref<125x80xi32, #tpu.memory_space<hbm>>
      %dma_start3A_96 = arith.constant 0 : i32
      %dma_start3A_97 = arith.constant 0 : i32
      %dma_start3A_98 = tpu.memref_slice %arg4[%run_scoped3A_1, %add3A, %dma_start3A_96, %dma_start3A_97] : memref<2x32x125x80xi32, #tpu.memory_space<hbm>> -> memref<1x1x125x80xi32, #tpu.memory_space<hbm>>
      %dma_start3A_99 = tpu.memref_squeeze %dma_start3A_98 : memref<1x1x125x80xi32, #tpu.memory_space<hbm>> -> memref<125x80xi32, #tpu.memory_space<hbm>>
      tpu.enqueue_dma source(%dma_start3A_99 : memref<125x80xi32, #tpu.memory_space<hbm>>) target(%arg7 : memref<125x80xi32, #tpu.memory_space<vmem>>) target_semaphore(%run_scoped3A_91 : memref<!tpu.dma_semaphore, #tpu.memory_space<semaphore_mem>>)
      %dma_wait3A_100 = arith.constant 0 : i32
      %dma_wait3A_101 = arith.constant 0 : i32
      %dma_wait3A_102 = tpu.memref_slice %arg4[%run_scoped3A_1, %add3A, %dma_wait3A_100, %dma_wait3A_101] : memref<2x32x125x80xi32, #tpu.memory_space<hbm>> -> memref<1x1x125x80xi32, #tpu.memory_space<hbm>>
      %dma_wait3A_103 = tpu.memref_squeeze %dma_wait3A_102 : memref<1x1x125x80xi32, #tpu.memory_space<hbm>> -> memref<125x80xi32, #tpu.memory_space<hbm>>
      %dma_wait3A_104 = arith.constant 0 : i32
      %dma_wait3A_105 = arith.constant 0 : i32
      %dma_wait3A_106 = tpu.memref_slice %arg4[%run_scoped3A_1, %add3A, %dma_wait3A_104, %dma_wait3A_105] : memref<2x32x125x80xi32, #tpu.memory_space<hbm>> -> memref<1x1x125x80xi32, #tpu.memory_space<hbm>>
      %dma_wait3A_107 = tpu.memref_squeeze %dma_wait3A_106 : memref<1x1x125x80xi32, #tpu.memory_space<hbm>> -> memref<125x80xi32, #tpu.memory_space<hbm>>
      tpu.wait_dma2 semaphore(%run_scoped3A_91 : memref<!tpu.dma_semaphore, #tpu.memory_space<semaphore_mem>>) src(%dma_wait3A_107 : memref<125x80xi32, #tpu.memory_space<hbm>>) dst(%arg7 : memref<125x80xi32, #tpu.memory_space<vmem>>)
      tpu.yield
    }) : () -> ()
    %eq3A = arith.constant 0 : i32
    %eq3A_2 = arith.cmpi eq, %arg0, %eq3A : i32
    %convert_element_type3A = arith.extui %eq3A_2 : i1 to i32
    %cond3A = arith.constant 0 : i32
    %cond3A_3 = arith.cmpi ne, %convert_element_type3A, %cond3A : i32
    scf.if %cond3A_3 {
      %mul3A_91 = arith.constant 625 : i32
      %mul3A_92 = arith.muli %arg1, %mul3A_91 : i32
      %mul3A_93 = arith.constant 625 : i32
      %mul3A_94 = arith.muli %arg1, %mul3A_93 : i32
      "tpu.region"() ({
        %run_scoped3A_95 = tpu.sem_alloc : memref<!tpu.dma_semaphore, #tpu.memory_space<semaphore_mem>>
        %dma_start3A_96 = arith.constant 0 : i32
        %dma_start3A_97 = tpu.memref_slice %arg11[%mul3A_94, %dma_start3A_96] : memref<10000x128xf32, #tpu.memory_space<vmem_shared>> -> memref<625x128xf32, #tpu.memory_space<vmem_shared>>
        %dma_start3A_98 = arith.constant 0 : i32
        %dma_start3A_99 = tpu.memref_slice %arg2[%mul3A_92, %dma_start3A_98] : memref<10000x128xf32, #tpu.memory_space<hbm>> -> memref<625x128xf32, #tpu.memory_space<hbm>>
        tpu.enqueue_dma source(%dma_start3A_99 : memref<625x128xf32, #tpu.memory_space<hbm>>) target(%dma_start3A_97 : memref<625x128xf32, #tpu.memory_space<vmem_shared>>) target_semaphore(%run_scoped3A_95 : memref<!tpu.dma_semaphore, #tpu.memory_space<semaphore_mem>>)
        %dma_wait3A_100 = arith.constant 0 : i32
        %dma_wait3A_101 = tpu.memref_slice %arg11[%mul3A_94, %dma_wait3A_100] : memref<10000x128xf32, #tpu.memory_space<vmem_shared>> -> memref<625x128xf32, #tpu.memory_space<vmem_shared>>
        %dma_wait3A_102 = arith.constant 0 : i32
        %dma_wait3A_103 = tpu.memref_slice %arg2[%mul3A_92, %dma_wait3A_102] : memref<10000x128xf32, #tpu.memory_space<hbm>> -> memref<625x128xf32, #tpu.memory_space<hbm>>
        tpu.wait_dma2 semaphore(%run_scoped3A_95 : memref<!tpu.dma_semaphore, #tpu.memory_space<semaphore_mem>>) src(%dma_wait3A_103 : memref<625x128xf32, #tpu.memory_space<hbm>>) dst(%dma_wait3A_101 : memref<625x128xf32, #tpu.memory_space<vmem_shared>>)
        tpu.yield
      }) : () -> ()
    } else {
    }
    %eq3A_4 = arith.constant 1 : i32
    %eq3A_5 = arith.cmpi eq, %arg0, %eq3A_4 : i32
    %convert_element_type3A_6 = arith.extui %eq3A_5 : i1 to i32
    %cond3A_7 = arith.constant 0 : i32
    %cond3A_8 = arith.cmpi ne, %convert_element_type3A_6, %cond3A_7 : i32
    scf.if %cond3A_8 {
      %mul3A_91 = arith.constant 625 : i32
      %mul3A_92 = arith.muli %arg1, %mul3A_91 : i32
      %mul3A_93 = arith.constant 625 : i32
      %mul3A_94 = arith.muli %arg1, %mul3A_93 : i32
      "tpu.region"() ({
        %run_scoped3A_95 = tpu.sem_alloc : memref<!tpu.dma_semaphore, #tpu.memory_space<semaphore_mem>>
        %dma_start3A_96 = arith.constant 0 : i32
        %dma_start3A_97 = tpu.memref_slice %arg11[%mul3A_94, %dma_start3A_96] : memref<10000x128xf32, #tpu.memory_space<vmem_shared>> -> memref<625x128xf32, #tpu.memory_space<vmem_shared>>
        %dma_start3A_98 = arith.constant 0 : i32
        %dma_start3A_99 = tpu.memref_slice %arg3[%mul3A_92, %dma_start3A_98] : memref<10000x128xf32, #tpu.memory_space<hbm>> -> memref<625x128xf32, #tpu.memory_space<hbm>>
        tpu.enqueue_dma source(%dma_start3A_99 : memref<625x128xf32, #tpu.memory_space<hbm>>) target(%dma_start3A_97 : memref<625x128xf32, #tpu.memory_space<vmem_shared>>) target_semaphore(%run_scoped3A_95 : memref<!tpu.dma_semaphore, #tpu.memory_space<semaphore_mem>>)
        %dma_wait3A_100 = arith.constant 0 : i32
        %dma_wait3A_101 = tpu.memref_slice %arg11[%mul3A_94, %dma_wait3A_100] : memref<10000x128xf32, #tpu.memory_space<vmem_shared>> -> memref<625x128xf32, #tpu.memory_space<vmem_shared>>
        %dma_wait3A_102 = arith.constant 0 : i32
        %dma_wait3A_103 = tpu.memref_slice %arg3[%mul3A_92, %dma_wait3A_102] : memref<10000x128xf32, #tpu.memory_space<hbm>> -> memref<625x128xf32, #tpu.memory_space<hbm>>
        tpu.wait_dma2 semaphore(%run_scoped3A_95 : memref<!tpu.dma_semaphore, #tpu.memory_space<semaphore_mem>>) src(%dma_wait3A_103 : memref<625x128xf32, #tpu.memory_space<hbm>>) dst(%dma_wait3A_101 : memref<625x128xf32, #tpu.memory_space<vmem_shared>>)
        tpu.yield
      }) : () -> ()
    } else {
    }
    %barrier3A = arith.constant 0 : index
    tpu.barrier barrier_id(%barrier3A)
    %dma_start3A = arith.constant 0 : i32
    %dma_start3A_9 = arith.constant 0 : i32
    %dma_start3A_10 = tpu.memref_slice %arg6[%dma_start3A, %dma_start3A_9] : memref<125x80xi32, #tpu.memory_space<vmem>> -> memref<1x80xi32, #tpu.memory_space<vmem>>
    %dma_start3A_11 = tpu.memref_squeeze %dma_start3A_10 : memref<1x80xi32, #tpu.memory_space<vmem>> -> memref<80xi32, #tpu.memory_space<vmem>>
    %dma_start3A_12 = arith.constant 0 : i32
    %dma_start3A_13 = arith.constant 0 : i32
    %dma_start3A_14 = tpu.memref_slice %arg2[%dma_start3A_12, %dma_start3A_13] : memref<10000x128xf32, #tpu.memory_space<hbm>> -> memref<10000x128xf32, #tpu.memory_space<hbm>>
    tpu.enqueue_indirect_dma source(%dma_start3A_14 : memref<10000x128xf32, #tpu.memory_space<hbm>>) target(%arg8 : memref<80x128xf32, #tpu.memory_space<vmem>>) offsets(%dma_start3A_11 : memref<80xi32, #tpu.memory_space<vmem>>) semaphore(%arg12 : memref<!tpu.dma_semaphore, #tpu.memory_space<semaphore_mem>>)
    %dma_start3A_15 = arith.constant 1 : i32
    %dma_start3A_16 = arith.constant 0 : i32
    %dma_start3A_17 = tpu.memref_slice %arg6[%dma_start3A_15, %dma_start3A_16] : memref<125x80xi32, #tpu.memory_space<vmem>> -> memref<1x80xi32, #tpu.memory_space<vmem>>
    %dma_start3A_18 = tpu.memref_squeeze %dma_start3A_17 : memref<1x80xi32, #tpu.memory_space<vmem>> -> memref<80xi32, #tpu.memory_space<vmem>>
    %dma_start3A_19 = arith.constant 0 : i32
    %dma_start3A_20 = arith.constant 0 : i32
    %dma_start3A_21 = tpu.memref_slice %arg2[%dma_start3A_19, %dma_start3A_20] : memref<10000x128xf32, #tpu.memory_space<hbm>> -> memref<10000x128xf32, #tpu.memory_space<hbm>>
    tpu.enqueue_indirect_dma source(%dma_start3A_21 : memref<10000x128xf32, #tpu.memory_space<hbm>>) target(%arg9 : memref<80x128xf32, #tpu.memory_space<vmem>>) offsets(%dma_start3A_18 : memref<80xi32, #tpu.memory_space<vmem>>) semaphore(%arg13 : memref<!tpu.dma_semaphore, #tpu.memory_space<semaphore_mem>>)
    %dma_start3A_22 = arith.constant 2 : i32
    %dma_start3A_23 = arith.constant 0 : i32
    %dma_start3A_24 = tpu.memref_slice %arg6[%dma_start3A_22, %dma_start3A_23] : memref<125x80xi32, #tpu.memory_space<vmem>> -> memref<1x80xi32, #tpu.memory_space<vmem>>
    %dma_start3A_25 = tpu.memref_squeeze %dma_start3A_24 : memref<1x80xi32, #tpu.memory_space<vmem>> -> memref<80xi32, #tpu.memory_space<vmem>>
    %dma_start3A_26 = arith.constant 0 : i32
    %dma_start3A_27 = arith.constant 0 : i32
    %dma_start3A_28 = tpu.memref_slice %arg2[%dma_start3A_26, %dma_start3A_27] : memref<10000x128xf32, #tpu.memory_space<hbm>> -> memref<10000x128xf32, #tpu.memory_space<hbm>>
    tpu.enqueue_indirect_dma source(%dma_start3A_28 : memref<10000x128xf32, #tpu.memory_space<hbm>>) target(%arg10 : memref<80x128xf32, #tpu.memory_space<vmem>>) offsets(%dma_start3A_25 : memref<80xi32, #tpu.memory_space<vmem>>) semaphore(%arg14 : memref<!tpu.dma_semaphore, #tpu.memory_space<semaphore_mem>>)
    %scan3A = arith.constant 0 : i32
    %scan3A_29 = arith.constant 40 : i32
    %scan3A_30 = arith.addi %scan3A, %scan3A_29 : i32
    %scan3A_31 = arith.constant 1 : i32
    scf.for %scan3A_91 = %scan3A to %scan3A_30 step %scan3A_31  : i32 {
      %mul3A_92 = arith.constant 1 : i32
      %mul3A_93 = arith.muli %scan3A_91, %mul3A_92 : i32
      %add3A_94 = arith.constant 0 : i32
      %add3A_95 = arith.addi %add3A_94, %mul3A_93 : i32
      %mul3A_96 = arith.constant 3 : i32
      %mul3A_97 = arith.muli %add3A_95, %mul3A_96 : i32
      %add3A_98 = arith.constant 0 : i32
      %add3A_99 = arith.addi %mul3A_97, %add3A_98 : i32
      %dma_wait3A_100 = arith.constant 0 : i32
      %dma_wait3A_101 = tpu.memref_slice %arg6[%add3A_99, %dma_wait3A_100] : memref<125x80xi32, #tpu.memory_space<vmem>> -> memref<1x80xi32, #tpu.memory_space<vmem>>
      %dma_wait3A_102 = tpu.memref_squeeze %dma_wait3A_101 : memref<1x80xi32, #tpu.memory_space<vmem>> -> memref<80xi32, #tpu.memory_space<vmem>>
      %dma_wait3A_103 = arith.constant 0 : i32
      %dma_wait3A_104 = arith.constant 0 : i32
      %dma_wait3A_105 = tpu.memref_slice %arg2[%dma_wait3A_103, %dma_wait3A_104] : memref<10000x128xf32, #tpu.memory_space<hbm>> -> memref<10000x128xf32, #tpu.memory_space<hbm>>
      tpu.wait_indirect_dma semaphore(%arg12 : memref<!tpu.dma_semaphore, #tpu.memory_space<semaphore_mem>>) src(%dma_wait3A_105 : memref<10000x128xf32, #tpu.memory_space<hbm>>) dst(%arg8 : memref<80x128xf32, #tpu.memory_space<vmem>>)
      %add3A_106 = arith.constant 0 : i32
      %add3A_107 = arith.addi %mul3A_97, %add3A_106 : i32
      "tpu.region"() ({
        %run_scoped3A_158 = tpu.sem_alloc : memref<!tpu.dma_semaphore, #tpu.memory_space<semaphore_mem>>
        %dma_start3A_159 = arith.constant 0 : i32
        %dma_start3A_160 = tpu.memref_slice %arg7[%add3A_107, %dma_start3A_159] : memref<125x80xi32, #tpu.memory_space<vmem>> -> memref<1x80xi32, #tpu.memory_space<vmem>>
        %dma_start3A_161 = tpu.memref_squeeze %dma_start3A_160 : memref<1x80xi32, #tpu.memory_space<vmem>> -> memref<80xi32, #tpu.memory_space<vmem>>
        %dma_start3A_162 = arith.constant 0 : i32
        %dma_start3A_163 = arith.constant 0 : i32
        %dma_start3A_164 = tpu.memref_slice %arg11[%dma_start3A_162, %dma_start3A_163] : memref<10000x128xf32, #tpu.memory_space<vmem_shared>> -> memref<10000x128xf32, #tpu.memory_space<vmem_shared>>
        tpu.enqueue_indirect_dma source(%arg8 : memref<80x128xf32, #tpu.memory_space<vmem>>) target(%dma_start3A_164 : memref<10000x128xf32, #tpu.memory_space<vmem_shared>>) offsets(%dma_start3A_161 : memref<80xi32, #tpu.memory_space<vmem>>) semaphore(%run_scoped3A_158 : memref<!tpu.dma_semaphore, #tpu.memory_space<semaphore_mem>>) {add = true}
        %dma_wait3A_165 = arith.constant 0 : i32
        %dma_wait3A_166 = tpu.memref_slice %arg7[%add3A_107, %dma_wait3A_165] : memref<125x80xi32, #tpu.memory_space<vmem>> -> memref<1x80xi32, #tpu.memory_space<vmem>>
        %dma_wait3A_167 = tpu.memref_squeeze %dma_wait3A_166 : memref<1x80xi32, #tpu.memory_space<vmem>> -> memref<80xi32, #tpu.memory_space<vmem>>
        %dma_wait3A_168 = arith.constant 0 : i32
        %dma_wait3A_169 = arith.constant 0 : i32
        %dma_wait3A_170 = tpu.memref_slice %arg11[%dma_wait3A_168, %dma_wait3A_169] : memref<10000x128xf32, #tpu.memory_space<vmem_shared>> -> memref<10000x128xf32, #tpu.memory_space<vmem_shared>>
        tpu.wait_indirect_dma semaphore(%run_scoped3A_158 : memref<!tpu.dma_semaphore, #tpu.memory_space<semaphore_mem>>) src(%arg8 : memref<80x128xf32, #tpu.memory_space<vmem>>) dst(%dma_wait3A_170 : memref<10000x128xf32, #tpu.memory_space<vmem_shared>>)
        tpu.yield
      }) : () -> ()
      %add3A_108 = arith.constant 3 : i32
      %add3A_109 = arith.addi %mul3A_97, %add3A_108 : i32
      %add3A_110 = arith.constant 0 : i32
      %add3A_111 = arith.addi %add3A_109, %add3A_110 : i32
      %dma_start3A_112 = arith.constant 0 : i32
      %dma_start3A_113 = tpu.memref_slice %arg6[%add3A_111, %dma_start3A_112] : memref<125x80xi32, #tpu.memory_space<vmem>> -> memref<1x80xi32, #tpu.memory_space<vmem>>
      %dma_start3A_114 = tpu.memref_squeeze %dma_start3A_113 : memref<1x80xi32, #tpu.memory_space<vmem>> -> memref<80xi32, #tpu.memory_space<vmem>>
      %dma_start3A_115 = arith.constant 0 : i32
      %dma_start3A_116 = arith.constant 0 : i32
      %dma_start3A_117 = tpu.memref_slice %arg2[%dma_start3A_115, %dma_start3A_116] : memref<10000x128xf32, #tpu.memory_space<hbm>> -> memref<10000x128xf32, #tpu.memory_space<hbm>>
      tpu.enqueue_indirect_dma source(%dma_start3A_117 : memref<10000x128xf32, #tpu.memory_space<hbm>>) target(%arg8 : memref<80x128xf32, #tpu.memory_space<vmem>>) offsets(%dma_start3A_114 : memref<80xi32, #tpu.memory_space<vmem>>) semaphore(%arg12 : memref<!tpu.dma_semaphore, #tpu.memory_space<semaphore_mem>>)
      %add3A_118 = arith.constant 1 : i32
      %add3A_119 = arith.addi %mul3A_97, %add3A_118 : i32
      %dma_wait3A_120 = arith.constant 0 : i32
      %dma_wait3A_121 = tpu.memref_slice %arg6[%add3A_119, %dma_wait3A_120] : memref<125x80xi32, #tpu.memory_space<vmem>> -> memref<1x80xi32, #tpu.memory_space<vmem>>
      %dma_wait3A_122 = tpu.memref_squeeze %dma_wait3A_121 : memref<1x80xi32, #tpu.memory_space<vmem>> -> memref<80xi32, #tpu.memory_space<vmem>>
      %dma_wait3A_123 = arith.constant 0 : i32
      %dma_wait3A_124 = arith.constant 0 : i32
      %dma_wait3A_125 = tpu.memref_slice %arg2[%dma_wait3A_123, %dma_wait3A_124] : memref<10000x128xf32, #tpu.memory_space<hbm>> -> memref<10000x128xf32, #tpu.memory_space<hbm>>
      tpu.wait_indirect_dma semaphore(%arg13 : memref<!tpu.dma_semaphore, #tpu.memory_space<semaphore_mem>>) src(%dma_wait3A_125 : memref<10000x128xf32, #tpu.memory_space<hbm>>) dst(%arg9 : memref<80x128xf32, #tpu.memory_space<vmem>>)
      %add3A_126 = arith.constant 1 : i32
      %add3A_127 = arith.addi %mul3A_97, %add3A_126 : i32
      "tpu.region"() ({
        %run_scoped3A_158 = tpu.sem_alloc : memref<!tpu.dma_semaphore, #tpu.memory_space<semaphore_mem>>
        %dma_start3A_159 = arith.constant 0 : i32
        %dma_start3A_160 = tpu.memref_slice %arg7[%add3A_127, %dma_start3A_159] : memref<125x80xi32, #tpu.memory_space<vmem>> -> memref<1x80xi32, #tpu.memory_space<vmem>>
        %dma_start3A_161 = tpu.memref_squeeze %dma_start3A_160 : memref<1x80xi32, #tpu.memory_space<vmem>> -> memref<80xi32, #tpu.memory_space<vmem>>
        %dma_start3A_162 = arith.constant 0 : i32
        %dma_start3A_163 = arith.constant 0 : i32
        %dma_start3A_164 = tpu.memref_slice %arg11[%dma_start3A_162, %dma_start3A_163] : memref<10000x128xf32, #tpu.memory_space<vmem_shared>> -> memref<10000x128xf32, #tpu.memory_space<vmem_shared>>
        tpu.enqueue_indirect_dma source(%arg9 : memref<80x128xf32, #tpu.memory_space<vmem>>) target(%dma_start3A_164 : memref<10000x128xf32, #tpu.memory_space<vmem_shared>>) offsets(%dma_start3A_161 : memref<80xi32, #tpu.memory_space<vmem>>) semaphore(%run_scoped3A_158 : memref<!tpu.dma_semaphore, #tpu.memory_space<semaphore_mem>>) {add = true}
        %dma_wait3A_165 = arith.constant 0 : i32
        %dma_wait3A_166 = tpu.memref_slice %arg7[%add3A_127, %dma_wait3A_165] : memref<125x80xi32, #tpu.memory_space<vmem>> -> memref<1x80xi32, #tpu.memory_space<vmem>>
        %dma_wait3A_167 = tpu.memref_squeeze %dma_wait3A_166 : memref<1x80xi32, #tpu.memory_space<vmem>> -> memref<80xi32, #tpu.memory_space<vmem>>
        %dma_wait3A_168 = arith.constant 0 : i32
        %dma_wait3A_169 = arith.constant 0 : i32
        %dma_wait3A_170 = tpu.memref_slice %arg11[%dma_wait3A_168, %dma_wait3A_169] : memref<10000x128xf32, #tpu.memory_space<vmem_shared>> -> memref<10000x128xf32, #tpu.memory_space<vmem_shared>>
        tpu.wait_indirect_dma semaphore(%run_scoped3A_158 : memref<!tpu.dma_semaphore, #tpu.memory_space<semaphore_mem>>) src(%arg9 : memref<80x128xf32, #tpu.memory_space<vmem>>) dst(%dma_wait3A_170 : memref<10000x128xf32, #tpu.memory_space<vmem_shared>>)
        tpu.yield
      }) : () -> ()
      %add3A_128 = arith.constant 3 : i32
      %add3A_129 = arith.addi %mul3A_97, %add3A_128 : i32
      %add3A_130 = arith.constant 1 : i32
      %add3A_131 = arith.addi %add3A_129, %add3A_130 : i32
      %dma_start3A_132 = arith.constant 0 : i32
      %dma_start3A_133 = tpu.memref_slice %arg6[%add3A_131, %dma_start3A_132] : memref<125x80xi32, #tpu.memory_space<vmem>> -> memref<1x80xi32, #tpu.memory_space<vmem>>
      %dma_start3A_134 = tpu.memref_squeeze %dma_start3A_133 : memref<1x80xi32, #tpu.memory_space<vmem>> -> memref<80xi32, #tpu.memory_space<vmem>>
      %dma_start3A_135 = arith.constant 0 : i32
      %dma_start3A_136 = arith.constant 0 : i32
      %dma_start3A_137 = tpu.memref_slice %arg2[%dma_start3A_135, %dma_start3A_136] : memref<10000x128xf32, #tpu.memory_space<hbm>> -> memref<10000x128xf32, #tpu.memory_space<hbm>>
      tpu.enqueue_indirect_dma source(%dma_start3A_137 : memref<10000x128xf32, #tpu.memory_space<hbm>>) target(%arg9 : memref<80x128xf32, #tpu.memory_space<vmem>>) offsets(%dma_start3A_134 : memref<80xi32, #tpu.memory_space<vmem>>) semaphore(%arg13 : memref<!tpu.dma_semaphore, #tpu.memory_space<semaphore_mem>>)
      %add3A_138 = arith.constant 2 : i32
      %add3A_139 = arith.addi %mul3A_97, %add3A_138 : i32
      %dma_wait3A_140 = arith.constant 0 : i32
      %dma_wait3A_141 = tpu.memref_slice %arg6[%add3A_139, %dma_wait3A_140] : memref<125x80xi32, #tpu.memory_space<vmem>> -> memref<1x80xi32, #tpu.memory_space<vmem>>
      %dma_wait3A_142 = tpu.memref_squeeze %dma_wait3A_141 : memref<1x80xi32, #tpu.memory_space<vmem>> -> memref<80xi32, #tpu.memory_space<vmem>>
      %dma_wait3A_143 = arith.constant 0 : i32
      %dma_wait3A_144 = arith.constant 0 : i32
      %dma_wait3A_145 = tpu.memref_slice %arg2[%dma_wait3A_143, %dma_wait3A_144] : memref<10000x128xf32, #tpu.memory_space<hbm>> -> memref<10000x128xf32, #tpu.memory_space<hbm>>
      tpu.wait_indirect_dma semaphore(%arg14 : memref<!tpu.dma_semaphore, #tpu.memory_space<semaphore_mem>>) src(%dma_wait3A_145 : memref<10000x128xf32, #tpu.memory_space<hbm>>) dst(%arg10 : memref<80x128xf32, #tpu.memory_space<vmem>>)
      %add3A_146 = arith.constant 2 : i32
      %add3A_147 = arith.addi %mul3A_97, %add3A_146 : i32
      "tpu.region"() ({
        %run_scoped3A_158 = tpu.sem_alloc : memref<!tpu.dma_semaphore, #tpu.memory_space<semaphore_mem>>
        %dma_start3A_159 = arith.constant 0 : i32
        %dma_start3A_160 = tpu.memref_slice %arg7[%add3A_147, %dma_start3A_159] : memref<125x80xi32, #tpu.memory_space<vmem>> -> memref<1x80xi32, #tpu.memory_space<vmem>>
        %dma_start3A_161 = tpu.memref_squeeze %dma_start3A_160 : memref<1x80xi32, #tpu.memory_space<vmem>> -> memref<80xi32, #tpu.memory_space<vmem>>
        %dma_start3A_162 = arith.constant 0 : i32
        %dma_start3A_163 = arith.constant 0 : i32
        %dma_start3A_164 = tpu.memref_slice %arg11[%dma_start3A_162, %dma_start3A_163] : memref<10000x128xf32, #tpu.memory_space<vmem_shared>> -> memref<10000x128xf32, #tpu.memory_space<vmem_shared>>
        tpu.enqueue_indirect_dma source(%arg10 : memref<80x128xf32, #tpu.memory_space<vmem>>) target(%dma_start3A_164 : memref<10000x128xf32, #tpu.memory_space<vmem_shared>>) offsets(%dma_start3A_161 : memref<80xi32, #tpu.memory_space<vmem>>) semaphore(%run_scoped3A_158 : memref<!tpu.dma_semaphore, #tpu.memory_space<semaphore_mem>>) {add = true}
        %dma_wait3A_165 = arith.constant 0 : i32
        %dma_wait3A_166 = tpu.memref_slice %arg7[%add3A_147, %dma_wait3A_165] : memref<125x80xi32, #tpu.memory_space<vmem>> -> memref<1x80xi32, #tpu.memory_space<vmem>>
        %dma_wait3A_167 = tpu.memref_squeeze %dma_wait3A_166 : memref<1x80xi32, #tpu.memory_space<vmem>> -> memref<80xi32, #tpu.memory_space<vmem>>
        %dma_wait3A_168 = arith.constant 0 : i32
        %dma_wait3A_169 = arith.constant 0 : i32
        %dma_wait3A_170 = tpu.memref_slice %arg11[%dma_wait3A_168, %dma_wait3A_169] : memref<10000x128xf32, #tpu.memory_space<vmem_shared>> -> memref<10000x128xf32, #tpu.memory_space<vmem_shared>>
        tpu.wait_indirect_dma semaphore(%run_scoped3A_158 : memref<!tpu.dma_semaphore, #tpu.memory_space<semaphore_mem>>) src(%arg10 : memref<80x128xf32, #tpu.memory_space<vmem>>) dst(%dma_wait3A_170 : memref<10000x128xf32, #tpu.memory_space<vmem_shared>>)
        tpu.yield
      }) : () -> ()
      %add3A_148 = arith.constant 3 : i32
      %add3A_149 = arith.addi %mul3A_97, %add3A_148 : i32
      %add3A_150 = arith.constant 2 : i32
      %add3A_151 = arith.addi %add3A_149, %add3A_150 : i32
      %dma_start3A_152 = arith.constant 0 : i32
      %dma_start3A_153 = tpu.memref_slice %arg6[%add3A_151, %dma_start3A_152] : memref<125x80xi32, #tpu.memory_space<vmem>> -> memref<1x80xi32, #tpu.memory_space<vmem>>
      %dma_start3A_154 = tpu.memref_squeeze %dma_start3A_153 : memref<1x80xi32, #tpu.memory_space<vmem>> -> memref<80xi32, #tpu.memory_space<vmem>>
      %dma_start3A_155 = arith.constant 0 : i32
      %dma_start3A_156 = arith.constant 0 : i32
      %dma_start3A_157 = tpu.memref_slice %arg2[%dma_start3A_155, %dma_start3A_156] : memref<10000x128xf32, #tpu.memory_space<hbm>> -> memref<10000x128xf32, #tpu.memory_space<hbm>>
      tpu.enqueue_indirect_dma source(%dma_start3A_157 : memref<10000x128xf32, #tpu.memory_space<hbm>>) target(%arg10 : memref<80x128xf32, #tpu.memory_space<vmem>>) offsets(%dma_start3A_154 : memref<80xi32, #tpu.memory_space<vmem>>) semaphore(%arg14 : memref<!tpu.dma_semaphore, #tpu.memory_space<semaphore_mem>>)
    }
    %scan3A_32 = arith.constant 40 : i32
    %dma_wait3A = arith.constant 120 : i32
    %dma_wait3A_33 = arith.constant 0 : i32
    %dma_wait3A_34 = tpu.memref_slice %arg6[%dma_wait3A, %dma_wait3A_33] : memref<125x80xi32, #tpu.memory_space<vmem>> -> memref<1x80xi32, #tpu.memory_space<vmem>>
    %dma_wait3A_35 = tpu.memref_squeeze %dma_wait3A_34 : memref<1x80xi32, #tpu.memory_space<vmem>> -> memref<80xi32, #tpu.memory_space<vmem>>
    %dma_wait3A_36 = arith.constant 0 : i32
    %dma_wait3A_37 = arith.constant 0 : i32
    %dma_wait3A_38 = tpu.memref_slice %arg2[%dma_wait3A_36, %dma_wait3A_37] : memref<10000x128xf32, #tpu.memory_space<hbm>> -> memref<10000x128xf32, #tpu.memory_space<hbm>>
    tpu.wait_indirect_dma semaphore(%arg12 : memref<!tpu.dma_semaphore, #tpu.memory_space<semaphore_mem>>) src(%dma_wait3A_38 : memref<10000x128xf32, #tpu.memory_space<hbm>>) dst(%arg8 : memref<80x128xf32, #tpu.memory_space<vmem>>)
    %run_scoped3A_39 = arith.constant 120 : i32
    "tpu.region"() ({
      %run_scoped3A_91 = tpu.sem_alloc : memref<!tpu.dma_semaphore, #tpu.memory_space<semaphore_mem>>
      %dma_start3A_92 = arith.constant 0 : i32
      %dma_start3A_93 = tpu.memref_slice %arg7[%run_scoped3A_39, %dma_start3A_92] : memref<125x80xi32, #tpu.memory_space<vmem>> -> memref<1x80xi32, #tpu.memory_space<vmem>>
      %dma_start3A_94 = tpu.memref_squeeze %dma_start3A_93 : memref<1x80xi32, #tpu.memory_space<vmem>> -> memref<80xi32, #tpu.memory_space<vmem>>
      %dma_start3A_95 = arith.constant 0 : i32
      %dma_start3A_96 = arith.constant 0 : i32
      %dma_start3A_97 = tpu.memref_slice %arg11[%dma_start3A_95, %dma_start3A_96] : memref<10000x128xf32, #tpu.memory_space<vmem_shared>> -> memref<10000x128xf32, #tpu.memory_space<vmem_shared>>
      tpu.enqueue_indirect_dma source(%arg8 : memref<80x128xf32, #tpu.memory_space<vmem>>) target(%dma_start3A_97 : memref<10000x128xf32, #tpu.memory_space<vmem_shared>>) offsets(%dma_start3A_94 : memref<80xi32, #tpu.memory_space<vmem>>) semaphore(%run_scoped3A_91 : memref<!tpu.dma_semaphore, #tpu.memory_space<semaphore_mem>>) {add = true}
      %dma_wait3A_98 = arith.constant 0 : i32
      %dma_wait3A_99 = tpu.memref_slice %arg7[%run_scoped3A_39, %dma_wait3A_98] : memref<125x80xi32, #tpu.memory_space<vmem>> -> memref<1x80xi32, #tpu.memory_space<vmem>>
      %dma_wait3A_100 = tpu.memref_squeeze %dma_wait3A_99 : memref<1x80xi32, #tpu.memory_space<vmem>> -> memref<80xi32, #tpu.memory_space<vmem>>
      %dma_wait3A_101 = arith.constant 0 : i32
      %dma_wait3A_102 = arith.constant 0 : i32
      %dma_wait3A_103 = tpu.memref_slice %arg11[%dma_wait3A_101, %dma_wait3A_102] : memref<10000x128xf32, #tpu.memory_space<vmem_shared>> -> memref<10000x128xf32, #tpu.memory_space<vmem_shared>>
      tpu.wait_indirect_dma semaphore(%run_scoped3A_91 : memref<!tpu.dma_semaphore, #tpu.memory_space<semaphore_mem>>) src(%arg8 : memref<80x128xf32, #tpu.memory_space<vmem>>) dst(%dma_wait3A_103 : memref<10000x128xf32, #tpu.memory_space<vmem_shared>>)
      tpu.yield
    }) : () -> ()
    %dma_start3A_40 = arith.constant 123 : i32
    %dma_start3A_41 = arith.constant 0 : i32
    %dma_start3A_42 = tpu.memref_slice %arg6[%dma_start3A_40, %dma_start3A_41] : memref<125x80xi32, #tpu.memory_space<vmem>> -> memref<1x80xi32, #tpu.memory_space<vmem>>
    %dma_start3A_43 = tpu.memref_squeeze %dma_start3A_42 : memref<1x80xi32, #tpu.memory_space<vmem>> -> memref<80xi32, #tpu.memory_space<vmem>>
    %dma_start3A_44 = arith.constant 0 : i32
    %dma_start3A_45 = arith.constant 0 : i32
    %dma_start3A_46 = tpu.memref_slice %arg2[%dma_start3A_44, %dma_start3A_45] : memref<10000x128xf32, #tpu.memory_space<hbm>> -> memref<10000x128xf32, #tpu.memory_space<hbm>>
    tpu.enqueue_indirect_dma source(%dma_start3A_46 : memref<10000x128xf32, #tpu.memory_space<hbm>>) target(%arg8 : memref<80x128xf32, #tpu.memory_space<vmem>>) offsets(%dma_start3A_43 : memref<80xi32, #tpu.memory_space<vmem>>) semaphore(%arg12 : memref<!tpu.dma_semaphore, #tpu.memory_space<semaphore_mem>>)
    %dma_wait3A_47 = arith.constant 121 : i32
    %dma_wait3A_48 = arith.constant 0 : i32
    %dma_wait3A_49 = tpu.memref_slice %arg6[%dma_wait3A_47, %dma_wait3A_48] : memref<125x80xi32, #tpu.memory_space<vmem>> -> memref<1x80xi32, #tpu.memory_space<vmem>>
    %dma_wait3A_50 = tpu.memref_squeeze %dma_wait3A_49 : memref<1x80xi32, #tpu.memory_space<vmem>> -> memref<80xi32, #tpu.memory_space<vmem>>
    %dma_wait3A_51 = arith.constant 0 : i32
    %dma_wait3A_52 = arith.constant 0 : i32
    %dma_wait3A_53 = tpu.memref_slice %arg2[%dma_wait3A_51, %dma_wait3A_52] : memref<10000x128xf32, #tpu.memory_space<hbm>> -> memref<10000x128xf32, #tpu.memory_space<hbm>>
    tpu.wait_indirect_dma semaphore(%arg13 : memref<!tpu.dma_semaphore, #tpu.memory_space<semaphore_mem>>) src(%dma_wait3A_53 : memref<10000x128xf32, #tpu.memory_space<hbm>>) dst(%arg9 : memref<80x128xf32, #tpu.memory_space<vmem>>)
    %run_scoped3A_54 = arith.constant 121 : i32
    "tpu.region"() ({
      %run_scoped3A_91 = tpu.sem_alloc : memref<!tpu.dma_semaphore, #tpu.memory_space<semaphore_mem>>
      %dma_start3A_92 = arith.constant 0 : i32
      %dma_start3A_93 = tpu.memref_slice %arg7[%run_scoped3A_54, %dma_start3A_92] : memref<125x80xi32, #tpu.memory_space<vmem>> -> memref<1x80xi32, #tpu.memory_space<vmem>>
      %dma_start3A_94 = tpu.memref_squeeze %dma_start3A_93 : memref<1x80xi32, #tpu.memory_space<vmem>> -> memref<80xi32, #tpu.memory_space<vmem>>
      %dma_start3A_95 = arith.constant 0 : i32
      %dma_start3A_96 = arith.constant 0 : i32
      %dma_start3A_97 = tpu.memref_slice %arg11[%dma_start3A_95, %dma_start3A_96] : memref<10000x128xf32, #tpu.memory_space<vmem_shared>> -> memref<10000x128xf32, #tpu.memory_space<vmem_shared>>
      tpu.enqueue_indirect_dma source(%arg9 : memref<80x128xf32, #tpu.memory_space<vmem>>) target(%dma_start3A_97 : memref<10000x128xf32, #tpu.memory_space<vmem_shared>>) offsets(%dma_start3A_94 : memref<80xi32, #tpu.memory_space<vmem>>) semaphore(%run_scoped3A_91 : memref<!tpu.dma_semaphore, #tpu.memory_space<semaphore_mem>>) {add = true}
      %dma_wait3A_98 = arith.constant 0 : i32
      %dma_wait3A_99 = tpu.memref_slice %arg7[%run_scoped3A_54, %dma_wait3A_98] : memref<125x80xi32, #tpu.memory_space<vmem>> -> memref<1x80xi32, #tpu.memory_space<vmem>>
      %dma_wait3A_100 = tpu.memref_squeeze %dma_wait3A_99 : memref<1x80xi32, #tpu.memory_space<vmem>> -> memref<80xi32, #tpu.memory_space<vmem>>
      %dma_wait3A_101 = arith.constant 0 : i32
      %dma_wait3A_102 = arith.constant 0 : i32
      %dma_wait3A_103 = tpu.memref_slice %arg11[%dma_wait3A_101, %dma_wait3A_102] : memref<10000x128xf32, #tpu.memory_space<vmem_shared>> -> memref<10000x128xf32, #tpu.memory_space<vmem_shared>>
      tpu.wait_indirect_dma semaphore(%run_scoped3A_91 : memref<!tpu.dma_semaphore, #tpu.memory_space<semaphore_mem>>) src(%arg9 : memref<80x128xf32, #tpu.memory_space<vmem>>) dst(%dma_wait3A_103 : memref<10000x128xf32, #tpu.memory_space<vmem_shared>>)
      tpu.yield
    }) : () -> ()
    %dma_start3A_55 = arith.constant 124 : i32
    %dma_start3A_56 = arith.constant 0 : i32
    %dma_start3A_57 = tpu.memref_slice %arg6[%dma_start3A_55, %dma_start3A_56] : memref<125x80xi32, #tpu.memory_space<vmem>> -> memref<1x80xi32, #tpu.memory_space<vmem>>
    %dma_start3A_58 = tpu.memref_squeeze %dma_start3A_57 : memref<1x80xi32, #tpu.memory_space<vmem>> -> memref<80xi32, #tpu.memory_space<vmem>>
    %dma_start3A_59 = arith.constant 0 : i32
    %dma_start3A_60 = arith.constant 0 : i32
    %dma_start3A_61 = tpu.memref_slice %arg2[%dma_start3A_59, %dma_start3A_60] : memref<10000x128xf32, #tpu.memory_space<hbm>> -> memref<10000x128xf32, #tpu.memory_space<hbm>>
    tpu.enqueue_indirect_dma source(%dma_start3A_61 : memref<10000x128xf32, #tpu.memory_space<hbm>>) target(%arg9 : memref<80x128xf32, #tpu.memory_space<vmem>>) offsets(%dma_start3A_58 : memref<80xi32, #tpu.memory_space<vmem>>) semaphore(%arg13 : memref<!tpu.dma_semaphore, #tpu.memory_space<semaphore_mem>>)
    %dma_wait3A_62 = arith.constant 122 : i32
    %dma_wait3A_63 = arith.constant 0 : i32
    %dma_wait3A_64 = tpu.memref_slice %arg6[%dma_wait3A_62, %dma_wait3A_63] : memref<125x80xi32, #tpu.memory_space<vmem>> -> memref<1x80xi32, #tpu.memory_space<vmem>>
    %dma_wait3A_65 = tpu.memref_squeeze %dma_wait3A_64 : memref<1x80xi32, #tpu.memory_space<vmem>> -> memref<80xi32, #tpu.memory_space<vmem>>
    %dma_wait3A_66 = arith.constant 0 : i32
    %dma_wait3A_67 = arith.constant 0 : i32
    %dma_wait3A_68 = tpu.memref_slice %arg2[%dma_wait3A_66, %dma_wait3A_67] : memref<10000x128xf32, #tpu.memory_space<hbm>> -> memref<10000x128xf32, #tpu.memory_space<hbm>>
    tpu.wait_indirect_dma semaphore(%arg14 : memref<!tpu.dma_semaphore, #tpu.memory_space<semaphore_mem>>) src(%dma_wait3A_68 : memref<10000x128xf32, #tpu.memory_space<hbm>>) dst(%arg10 : memref<80x128xf32, #tpu.memory_space<vmem>>)
    %run_scoped3A_69 = arith.constant 122 : i32
    "tpu.region"() ({
      %run_scoped3A_91 = tpu.sem_alloc : memref<!tpu.dma_semaphore, #tpu.memory_space<semaphore_mem>>
      %dma_start3A_92 = arith.constant 0 : i32
      %dma_start3A_93 = tpu.memref_slice %arg7[%run_scoped3A_69, %dma_start3A_92] : memref<125x80xi32, #tpu.memory_space<vmem>> -> memref<1x80xi32, #tpu.memory_space<vmem>>
      %dma_start3A_94 = tpu.memref_squeeze %dma_start3A_93 : memref<1x80xi32, #tpu.memory_space<vmem>> -> memref<80xi32, #tpu.memory_space<vmem>>
      %dma_start3A_95 = arith.constant 0 : i32
      %dma_start3A_96 = arith.constant 0 : i32
      %dma_start3A_97 = tpu.memref_slice %arg11[%dma_start3A_95, %dma_start3A_96] : memref<10000x128xf32, #tpu.memory_space<vmem_shared>> -> memref<10000x128xf32, #tpu.memory_space<vmem_shared>>
      tpu.enqueue_indirect_dma source(%arg10 : memref<80x128xf32, #tpu.memory_space<vmem>>) target(%dma_start3A_97 : memref<10000x128xf32, #tpu.memory_space<vmem_shared>>) offsets(%dma_start3A_94 : memref<80xi32, #tpu.memory_space<vmem>>) semaphore(%run_scoped3A_91 : memref<!tpu.dma_semaphore, #tpu.memory_space<semaphore_mem>>) {add = true}
      %dma_wait3A_98 = arith.constant 0 : i32
      %dma_wait3A_99 = tpu.memref_slice %arg7[%run_scoped3A_69, %dma_wait3A_98] : memref<125x80xi32, #tpu.memory_space<vmem>> -> memref<1x80xi32, #tpu.memory_space<vmem>>
      %dma_wait3A_100 = tpu.memref_squeeze %dma_wait3A_99 : memref<1x80xi32, #tpu.memory_space<vmem>> -> memref<80xi32, #tpu.memory_space<vmem>>
      %dma_wait3A_101 = arith.constant 0 : i32
      %dma_wait3A_102 = arith.constant 0 : i32
      %dma_wait3A_103 = tpu.memref_slice %arg11[%dma_wait3A_101, %dma_wait3A_102] : memref<10000x128xf32, #tpu.memory_space<vmem_shared>> -> memref<10000x128xf32, #tpu.memory_space<vmem_shared>>
      tpu.wait_indirect_dma semaphore(%run_scoped3A_91 : memref<!tpu.dma_semaphore, #tpu.memory_space<semaphore_mem>>) src(%arg10 : memref<80x128xf32, #tpu.memory_space<vmem>>) dst(%dma_wait3A_103 : memref<10000x128xf32, #tpu.memory_space<vmem_shared>>)
      tpu.yield
    }) : () -> ()
    %dma_wait3A_70 = arith.constant 123 : i32
    %dma_wait3A_71 = arith.constant 0 : i32
    %dma_wait3A_72 = tpu.memref_slice %arg6[%dma_wait3A_70, %dma_wait3A_71] : memref<125x80xi32, #tpu.memory_space<vmem>> -> memref<1x80xi32, #tpu.memory_space<vmem>>
    %dma_wait3A_73 = tpu.memref_squeeze %dma_wait3A_72 : memref<1x80xi32, #tpu.memory_space<vmem>> -> memref<80xi32, #tpu.memory_space<vmem>>
    %dma_wait3A_74 = arith.constant 0 : i32
    %dma_wait3A_75 = arith.constant 0 : i32
    %dma_wait3A_76 = tpu.memref_slice %arg2[%dma_wait3A_74, %dma_wait3A_75] : memref<10000x128xf32, #tpu.memory_space<hbm>> -> memref<10000x128xf32, #tpu.memory_space<hbm>>
    tpu.wait_indirect_dma semaphore(%arg12 : memref<!tpu.dma_semaphore, #tpu.memory_space<semaphore_mem>>) src(%dma_wait3A_76 : memref<10000x128xf32, #tpu.memory_space<hbm>>) dst(%arg8 : memref<80x128xf32, #tpu.memory_space<vmem>>)
    %run_scoped3A_77 = arith.constant 123 : i32
    "tpu.region"() ({
      %run_scoped3A_91 = tpu.sem_alloc : memref<!tpu.dma_semaphore, #tpu.memory_space<semaphore_mem>>
      %dma_start3A_92 = arith.constant 0 : i32
      %dma_start3A_93 = tpu.memref_slice %arg7[%run_scoped3A_77, %dma_start3A_92] : memref<125x80xi32, #tpu.memory_space<vmem>> -> memref<1x80xi32, #tpu.memory_space<vmem>>
      %dma_start3A_94 = tpu.memref_squeeze %dma_start3A_93 : memref<1x80xi32, #tpu.memory_space<vmem>> -> memref<80xi32, #tpu.memory_space<vmem>>
      %dma_start3A_95 = arith.constant 0 : i32
      %dma_start3A_96 = arith.constant 0 : i32
      %dma_start3A_97 = tpu.memref_slice %arg11[%dma_start3A_95, %dma_start3A_96] : memref<10000x128xf32, #tpu.memory_space<vmem_shared>> -> memref<10000x128xf32, #tpu.memory_space<vmem_shared>>
      tpu.enqueue_indirect_dma source(%arg8 : memref<80x128xf32, #tpu.memory_space<vmem>>) target(%dma_start3A_97 : memref<10000x128xf32, #tpu.memory_space<vmem_shared>>) offsets(%dma_start3A_94 : memref<80xi32, #tpu.memory_space<vmem>>) semaphore(%run_scoped3A_91 : memref<!tpu.dma_semaphore, #tpu.memory_space<semaphore_mem>>) {add = true}
      %dma_wait3A_98 = arith.constant 0 : i32
      %dma_wait3A_99 = tpu.memref_slice %arg7[%run_scoped3A_77, %dma_wait3A_98] : memref<125x80xi32, #tpu.memory_space<vmem>> -> memref<1x80xi32, #tpu.memory_space<vmem>>
      %dma_wait3A_100 = tpu.memref_squeeze %dma_wait3A_99 : memref<1x80xi32, #tpu.memory_space<vmem>> -> memref<80xi32, #tpu.memory_space<vmem>>
      %dma_wait3A_101 = arith.constant 0 : i32
      %dma_wait3A_102 = arith.constant 0 : i32
      %dma_wait3A_103 = tpu.memref_slice %arg11[%dma_wait3A_101, %dma_wait3A_102] : memref<10000x128xf32, #tpu.memory_space<vmem_shared>> -> memref<10000x128xf32, #tpu.memory_space<vmem_shared>>
      tpu.wait_indirect_dma semaphore(%run_scoped3A_91 : memref<!tpu.dma_semaphore, #tpu.memory_space<semaphore_mem>>) src(%arg8 : memref<80x128xf32, #tpu.memory_space<vmem>>) dst(%dma_wait3A_103 : memref<10000x128xf32, #tpu.memory_space<vmem_shared>>)
      tpu.yield
    }) : () -> ()
    %dma_wait3A_78 = arith.constant 124 : i32
    %dma_wait3A_79 = arith.constant 0 : i32
    %dma_wait3A_80 = tpu.memref_slice %arg6[%dma_wait3A_78, %dma_wait3A_79] : memref<125x80xi32, #tpu.memory_space<vmem>> -> memref<1x80xi32, #tpu.memory_space<vmem>>
    %dma_wait3A_81 = tpu.memref_squeeze %dma_wait3A_80 : memref<1x80xi32, #tpu.memory_space<vmem>> -> memref<80xi32, #tpu.memory_space<vmem>>
    %dma_wait3A_82 = arith.constant 0 : i32
    %dma_wait3A_83 = arith.constant 0 : i32
    %dma_wait3A_84 = tpu.memref_slice %arg2[%dma_wait3A_82, %dma_wait3A_83] : memref<10000x128xf32, #tpu.memory_space<hbm>> -> memref<10000x128xf32, #tpu.memory_space<hbm>>
    tpu.wait_indirect_dma semaphore(%arg13 : memref<!tpu.dma_semaphore, #tpu.memory_space<semaphore_mem>>) src(%dma_wait3A_84 : memref<10000x128xf32, #tpu.memory_space<hbm>>) dst(%arg9 : memref<80x128xf32, #tpu.memory_space<vmem>>)
    %run_scoped3A_85 = arith.constant 124 : i32
    "tpu.region"() ({
      %run_scoped3A_91 = tpu.sem_alloc : memref<!tpu.dma_semaphore, #tpu.memory_space<semaphore_mem>>
      %dma_start3A_92 = arith.constant 0 : i32
      %dma_start3A_93 = tpu.memref_slice %arg7[%run_scoped3A_85, %dma_start3A_92] : memref<125x80xi32, #tpu.memory_space<vmem>> -> memref<1x80xi32, #tpu.memory_space<vmem>>
      %dma_start3A_94 = tpu.memref_squeeze %dma_start3A_93 : memref<1x80xi32, #tpu.memory_space<vmem>> -> memref<80xi32, #tpu.memory_space<vmem>>
      %dma_start3A_95 = arith.constant 0 : i32
      %dma_start3A_96 = arith.constant 0 : i32
      %dma_start3A_97 = tpu.memref_slice %arg11[%dma_start3A_95, %dma_start3A_96] : memref<10000x128xf32, #tpu.memory_space<vmem_shared>> -> memref<10000x128xf32, #tpu.memory_space<vmem_shared>>
      tpu.enqueue_indirect_dma source(%arg9 : memref<80x128xf32, #tpu.memory_space<vmem>>) target(%dma_start3A_97 : memref<10000x128xf32, #tpu.memory_space<vmem_shared>>) offsets(%dma_start3A_94 : memref<80xi32, #tpu.memory_space<vmem>>) semaphore(%run_scoped3A_91 : memref<!tpu.dma_semaphore, #tpu.memory_space<semaphore_mem>>) {add = true}
      %dma_wait3A_98 = arith.constant 0 : i32
      %dma_wait3A_99 = tpu.memref_slice %arg7[%run_scoped3A_85, %dma_wait3A_98] : memref<125x80xi32, #tpu.memory_space<vmem>> -> memref<1x80xi32, #tpu.memory_space<vmem>>
      %dma_wait3A_100 = tpu.memref_squeeze %dma_wait3A_99 : memref<1x80xi32, #tpu.memory_space<vmem>> -> memref<80xi32, #tpu.memory_space<vmem>>
      %dma_wait3A_101 = arith.constant 0 : i32
      %dma_wait3A_102 = arith.constant 0 : i32
      %dma_wait3A_103 = tpu.memref_slice %arg11[%dma_wait3A_101, %dma_wait3A_102] : memref<10000x128xf32, #tpu.memory_space<vmem_shared>> -> memref<10000x128xf32, #tpu.memory_space<vmem_shared>>
      tpu.wait_indirect_dma semaphore(%run_scoped3A_91 : memref<!tpu.dma_semaphore, #tpu.memory_space<semaphore_mem>>) src(%arg9 : memref<80x128xf32, #tpu.memory_space<vmem>>) dst(%dma_wait3A_103 : memref<10000x128xf32, #tpu.memory_space<vmem_shared>>)
      tpu.yield
    }) : () -> ()
    %barrier3A_86 = arith.constant 0 : index
    tpu.barrier barrier_id(%barrier3A_86)
    %mul3A_87 = arith.constant 625 : i32
    %mul3A_88 = arith.muli %arg1, %mul3A_87 : i32
    %mul3A_89 = arith.constant 625 : i32
    %mul3A_90 = arith.muli %arg1, %mul3A_89 : i32
    "tpu.region"() ({
      %run_scoped3A_91 = tpu.sem_alloc : memref<!tpu.dma_semaphore, #tpu.memory_space<semaphore_mem>>
      %dma_start3A_92 = arith.constant 0 : i32
      %dma_start3A_93 = tpu.memref_slice %arg5[%arg0, %mul3A_90, %dma_start3A_92] : memref<2x10000x128xf32, #tpu.memory_space<hbm>> -> memref<1x625x128xf32, #tpu.memory_space<hbm>>
      %dma_start3A_94 = tpu.memref_squeeze %dma_start3A_93 : memref<1x625x128xf32, #tpu.memory_space<hbm>> -> memref<625x128xf32, #tpu.memory_space<hbm>>
      %dma_start3A_95 = arith.constant 0 : i32
      %dma_start3A_96 = tpu.memref_slice %arg11[%mul3A_88, %dma_start3A_95] : memref<10000x128xf32, #tpu.memory_space<vmem_shared>> -> memref<625x128xf32, #tpu.memory_space<vmem_shared>>
      tpu.enqueue_dma source(%dma_start3A_96 : memref<625x128xf32, #tpu.memory_space<vmem_shared>>) target(%dma_start3A_94 : memref<625x128xf32, #tpu.memory_space<hbm>>) target_semaphore(%run_scoped3A_91 : memref<!tpu.dma_semaphore, #tpu.memory_space<semaphore_mem>>)
      %dma_wait3A_97 = arith.constant 0 : i32
      %dma_wait3A_98 = tpu.memref_slice %arg5[%arg0, %mul3A_90, %dma_wait3A_97] : memref<2x10000x128xf32, #tpu.memory_space<hbm>> -> memref<1x625x128xf32, #tpu.memory_space<hbm>>
      %dma_wait3A_99 = tpu.memref_squeeze %dma_wait3A_98 : memref<1x625x128xf32, #tpu.memory_space<hbm>> -> memref<625x128xf32, #tpu.memory_space<hbm>>
      %dma_wait3A_100 = arith.constant 0 : i32
      %dma_wait3A_101 = tpu.memref_slice %arg11[%mul3A_88, %dma_wait3A_100] : memref<10000x128xf32, #tpu.memory_space<vmem_shared>> -> memref<625x128xf32, #tpu.memory_space<vmem_shared>>
      tpu.wait_dma2 semaphore(%run_scoped3A_91 : memref<!tpu.dma_semaphore, #tpu.memory_space<semaphore_mem>>) src(%dma_wait3A_101 : memref<625x128xf32, #tpu.memory_space<vmem_shared>>) dst(%dma_wait3A_99 : memref<625x128xf32, #tpu.memory_space<hbm>>)
      tpu.yield
    }) : () -> ()
    return
  }
}

#map = affine_map<(d0, d1) -> (0, 0, 0, 0)>
#map1 = affine_map<(d0, d1) -> (0, 0)>
module attributes {stable_mosaic.version = 14 : i64} {
  func.func @k(%arg0: i32, %arg1: i32, %arg2: memref<2x32x125x80xi32, #tpu.memory_space<hbm>>, %arg3: memref<2x10240xf32, #tpu.memory_space<hbm>>, %arg4: memref<125x80xi32, #tpu.memory_space<vmem>>, %arg5: memref<80xf32, #tpu.memory_space<vmem>>, %arg6: memref<640xf32, #tpu.memory_space<vmem>>, %arg7: memref<10240xf32, #tpu.memory_space<vmem_shared>>, %arg8: memref<!tpu.dma_semaphore, #tpu.memory_space<semaphore_mem>>) attributes {dimension_semantics = [#tpu.dimension_semantics<core_parallel>, #tpu.dimension_semantics<subcore_parallel>], iteration_bounds = array<i64: 2, 16>, scalar_prefetch = 0 : i64, scratch_operands = 5 : i64, tpu.core_type = #tpu.core_type<sc_vector_subcore>, window_params = [{transform_indices = #map}, {transform_indices = #map1}]} {
    %mul3A = arith.constant 16 : i32
    %mul3A_0 = arith.muli %arg0, %mul3A : i32
    %add3A = arith.addi %mul3A_0, %arg1 : i32
    %run_scoped3A = arith.constant 1 : i32
    "tpu.region"() ({
      %run_scoped3A_22 = tpu.sem_alloc : memref<!tpu.dma_semaphore, #tpu.memory_space<semaphore_mem>>
      %dma_start3A = arith.constant 0 : i32
      %dma_start3A_23 = arith.constant 0 : i32
      %dma_start3A_24 = tpu.memref_slice %arg2[%run_scoped3A, %add3A, %dma_start3A, %dma_start3A_23] : memref<2x32x125x80xi32, #tpu.memory_space<hbm>> -> memref<1x1x125x80xi32, #tpu.memory_space<hbm>>
      %dma_start3A_25 = tpu.memref_squeeze %dma_start3A_24 : memref<1x1x125x80xi32, #tpu.memory_space<hbm>> -> memref<125x80xi32, #tpu.memory_space<hbm>>
      %dma_start3A_26 = arith.constant 0 : i32
      %dma_start3A_27 = arith.constant 0 : i32
      %dma_start3A_28 = tpu.memref_slice %arg2[%run_scoped3A, %add3A, %dma_start3A_26, %dma_start3A_27] : memref<2x32x125x80xi32, #tpu.memory_space<hbm>> -> memref<1x1x125x80xi32, #tpu.memory_space<hbm>>
      %dma_start3A_29 = tpu.memref_squeeze %dma_start3A_28 : memref<1x1x125x80xi32, #tpu.memory_space<hbm>> -> memref<125x80xi32, #tpu.memory_space<hbm>>
      tpu.enqueue_dma source(%dma_start3A_29 : memref<125x80xi32, #tpu.memory_space<hbm>>) target(%arg4 : memref<125x80xi32, #tpu.memory_space<vmem>>) target_semaphore(%run_scoped3A_22 : memref<!tpu.dma_semaphore, #tpu.memory_space<semaphore_mem>>)
      %dma_wait3A = arith.constant 0 : i32
      %dma_wait3A_30 = arith.constant 0 : i32
      %dma_wait3A_31 = tpu.memref_slice %arg2[%run_scoped3A, %add3A, %dma_wait3A, %dma_wait3A_30] : memref<2x32x125x80xi32, #tpu.memory_space<hbm>> -> memref<1x1x125x80xi32, #tpu.memory_space<hbm>>
      %dma_wait3A_32 = tpu.memref_squeeze %dma_wait3A_31 : memref<1x1x125x80xi32, #tpu.memory_space<hbm>> -> memref<125x80xi32, #tpu.memory_space<hbm>>
      %dma_wait3A_33 = arith.constant 0 : i32
      %dma_wait3A_34 = arith.constant 0 : i32
      %dma_wait3A_35 = tpu.memref_slice %arg2[%run_scoped3A, %add3A, %dma_wait3A_33, %dma_wait3A_34] : memref<2x32x125x80xi32, #tpu.memory_space<hbm>> -> memref<1x1x125x80xi32, #tpu.memory_space<hbm>>
      %dma_wait3A_36 = tpu.memref_squeeze %dma_wait3A_35 : memref<1x1x125x80xi32, #tpu.memory_space<hbm>> -> memref<125x80xi32, #tpu.memory_space<hbm>>
      tpu.wait_dma2 semaphore(%run_scoped3A_22 : memref<!tpu.dma_semaphore, #tpu.memory_space<semaphore_mem>>) src(%dma_wait3A_36 : memref<125x80xi32, #tpu.memory_space<hbm>>) dst(%arg4 : memref<125x80xi32, #tpu.memory_space<vmem>>)
      tpu.yield
    }) : () -> ()
    %scan3A = arith.constant 0 : i32
    %scan3A_1 = arith.constant 40 : i32
    %scan3A_2 = arith.addi %scan3A, %scan3A_1 : i32
    %scan3A_3 = arith.constant 1 : i32
    scf.for %scan3A_22 = %scan3A to %scan3A_2 step %scan3A_3  : i32 {
      %mul3A_23 = arith.constant 1 : i32
      %mul3A_24 = arith.muli %scan3A_22, %mul3A_23 : i32
      %add3A_25 = arith.constant 0 : i32
      %add3A_26 = arith.addi %add3A_25, %mul3A_24 : i32
      %broadcast_in_dim3A = arith.constant 0.000000e+00 : f32
      %broadcast_in_dim3A_27 = vector.broadcast %broadcast_in_dim3A : f32 to vector<16xf32>
      %mul3A_28 = arith.constant 16 : i32
      %mul3A_29 = arith.muli %add3A_26, %mul3A_28 : i32
      %swap3A = arith.index_cast %mul3A_29 : i32 to index
      %swap3A_30 = tpu.vector_load %arg6[%swap3A] {strides = array<i32>} : memref<640xf32, #tpu.memory_space<vmem>>, vector<16xf32>,
      %swap3A_31 = vector.shape_cast %swap3A_30 : vector<16xf32> to vector<16xf32>
      %swap3A_32 = vector.shape_cast %broadcast_in_dim3A_27 : vector<16xf32> to vector<16xf32>
      tpu.vector_store %arg6[%swap3A], %swap3A_32 {strides = array<i32>} : memref<640xf32, #tpu.memory_space<vmem>>, vector<16xf32>,
    }
    %scan3A_4 = arith.constant 40 : i32
    %scan3A_5 = arith.constant 0 : i32
    %scan3A_6 = arith.constant 5 : i32
    %scan3A_7 = arith.addi %scan3A_5, %scan3A_6 : i32
    %scan3A_8 = arith.constant 1 : i32
    scf.for %scan3A_22 = %scan3A_5 to %scan3A_7 step %scan3A_8  : i32 {
      %mul3A_23 = arith.constant 1 : i32
      %mul3A_24 = arith.muli %scan3A_22, %mul3A_23 : i32
      %add3A_25 = arith.constant 0 : i32
      %add3A_26 = arith.addi %add3A_25, %mul3A_24 : i32
      %broadcast_in_dim3A = arith.constant 1.000000e+00 : f32
      %broadcast_in_dim3A_27 = vector.broadcast %broadcast_in_dim3A : f32 to vector<16xf32>
      %mul3A_28 = arith.constant 16 : i32
      %mul3A_29 = arith.muli %add3A_26, %mul3A_28 : i32
      %swap3A = arith.index_cast %mul3A_29 : i32 to index
      %swap3A_30 = tpu.vector_load %arg5[%swap3A] {strides = array<i32>} : memref<80xf32, #tpu.memory_space<vmem>>, vector<16xf32>,
      %swap3A_31 = vector.shape_cast %swap3A_30 : vector<16xf32> to vector<16xf32>
      %swap3A_32 = vector.shape_cast %broadcast_in_dim3A_27 : vector<16xf32> to vector<16xf32>
      tpu.vector_store %arg5[%swap3A], %swap3A_32 {strides = array<i32>} : memref<80xf32, #tpu.memory_space<vmem>>, vector<16xf32>,
    }
    %scan3A_9 = arith.constant 5 : i32
    %mul3A_10 = arith.constant 640 : i32
    %mul3A_11 = arith.muli %arg1, %mul3A_10 : i32
    "tpu.region"() ({
      %run_scoped3A_22 = tpu.sem_alloc : memref<!tpu.dma_semaphore, #tpu.memory_space<semaphore_mem>>
      %dma_start3A = tpu.memref_slice %arg7[%mul3A_11] : memref<10240xf32, #tpu.memory_space<vmem_shared>> -> memref<640xf32, #tpu.memory_space<vmem_shared>>
      %dma_start3A_23 = tpu.memref_slice %arg7[%mul3A_11] : memref<10240xf32, #tpu.memory_space<vmem_shared>> -> memref<640xf32, #tpu.memory_space<vmem_shared>>
      tpu.enqueue_dma source(%arg6 : memref<640xf32, #tpu.memory_space<vmem>>) target(%dma_start3A_23 : memref<640xf32, #tpu.memory_space<vmem_shared>>) target_semaphore(%run_scoped3A_22 : memref<!tpu.dma_semaphore, #tpu.memory_space<semaphore_mem>>)
      %dma_wait3A = tpu.memref_slice %arg7[%mul3A_11] : memref<10240xf32, #tpu.memory_space<vmem_shared>> -> memref<640xf32, #tpu.memory_space<vmem_shared>>
      %dma_wait3A_24 = tpu.memref_slice %arg7[%mul3A_11] : memref<10240xf32, #tpu.memory_space<vmem_shared>> -> memref<640xf32, #tpu.memory_space<vmem_shared>>
      tpu.wait_dma2 semaphore(%run_scoped3A_22 : memref<!tpu.dma_semaphore, #tpu.memory_space<semaphore_mem>>) src(%arg6 : memref<640xf32, #tpu.memory_space<vmem>>) dst(%dma_wait3A_24 : memref<640xf32, #tpu.memory_space<vmem_shared>>)
      tpu.yield
    }) : () -> ()
    %barrier3A = arith.constant 0 : index
    tpu.barrier barrier_id(%barrier3A)
    %scan3A_12 = arith.constant 0 : i32
    %scan3A_13 = arith.constant 25 : i32
    %scan3A_14 = arith.addi %scan3A_12, %scan3A_13 : i32
    %scan3A_15 = arith.constant 1 : i32
    scf.for %scan3A_22 = %scan3A_12 to %scan3A_14 step %scan3A_15  : i32 {
      %mul3A_23 = arith.constant 1 : i32
      %mul3A_24 = arith.muli %scan3A_22, %mul3A_23 : i32
      %add3A_25 = arith.constant 0 : i32
      %add3A_26 = arith.addi %add3A_25, %mul3A_24 : i32
      %mul3A_27 = arith.constant 5 : i32
      %mul3A_28 = arith.muli %add3A_26, %mul3A_27 : i32
      %add3A_29 = arith.constant 0 : i32
      %add3A_30 = arith.addi %mul3A_28, %add3A_29 : i32
      %dma_start3A = arith.constant 0 : i32
      %dma_start3A_31 = tpu.memref_slice %arg4[%add3A_30, %dma_start3A] : memref<125x80xi32, #tpu.memory_space<vmem>> -> memref<1x80xi32, #tpu.memory_space<vmem>>
      %dma_start3A_32 = tpu.memref_squeeze %dma_start3A_31 : memref<1x80xi32, #tpu.memory_space<vmem>> -> memref<80xi32, #tpu.memory_space<vmem>>
      %dma_start3A_33 = arith.constant 0 : i32
      %dma_start3A_34 = tpu.memref_slice %arg7[%dma_start3A_33] : memref<10240xf32, #tpu.memory_space<vmem_shared>> -> memref<10240xf32, #tpu.memory_space<vmem_shared>>
      tpu.enqueue_indirect_dma source(%arg5 : memref<80xf32, #tpu.memory_space<vmem>>) target(%dma_start3A_34 : memref<10240xf32, #tpu.memory_space<vmem_shared>>) offsets(%dma_start3A_32 : memref<80xi32, #tpu.memory_space<vmem>>) semaphore(%arg8 : memref<!tpu.dma_semaphore, #tpu.memory_space<semaphore_mem>>) {add = true}
      %add3A_35 = arith.constant 1 : i32
      %add3A_36 = arith.addi %mul3A_28, %add3A_35 : i32
      %dma_start3A_37 = arith.constant 0 : i32
      %dma_start3A_38 = tpu.memref_slice %arg4[%add3A_36, %dma_start3A_37] : memref<125x80xi32, #tpu.memory_space<vmem>> -> memref<1x80xi32, #tpu.memory_space<vmem>>
      %dma_start3A_39 = tpu.memref_squeeze %dma_start3A_38 : memref<1x80xi32, #tpu.memory_space<vmem>> -> memref<80xi32, #tpu.memory_space<vmem>>
      %dma_start3A_40 = arith.constant 0 : i32
      %dma_start3A_41 = tpu.memref_slice %arg7[%dma_start3A_40] : memref<10240xf32, #tpu.memory_space<vmem_shared>> -> memref<10240xf32, #tpu.memory_space<vmem_shared>>
      tpu.enqueue_indirect_dma source(%arg5 : memref<80xf32, #tpu.memory_space<vmem>>) target(%dma_start3A_41 : memref<10240xf32, #tpu.memory_space<vmem_shared>>) offsets(%dma_start3A_39 : memref<80xi32, #tpu.memory_space<vmem>>) semaphore(%arg8 : memref<!tpu.dma_semaphore, #tpu.memory_space<semaphore_mem>>) {add = true}
      %add3A_42 = arith.constant 2 : i32
      %add3A_43 = arith.addi %mul3A_28, %add3A_42 : i32
      %dma_start3A_44 = arith.constant 0 : i32
      %dma_start3A_45 = tpu.memref_slice %arg4[%add3A_43, %dma_start3A_44] : memref<125x80xi32, #tpu.memory_space<vmem>> -> memref<1x80xi32, #tpu.memory_space<vmem>>
      %dma_start3A_46 = tpu.memref_squeeze %dma_start3A_45 : memref<1x80xi32, #tpu.memory_space<vmem>> -> memref<80xi32, #tpu.memory_space<vmem>>
      %dma_start3A_47 = arith.constant 0 : i32
      %dma_start3A_48 = tpu.memref_slice %arg7[%dma_start3A_47] : memref<10240xf32, #tpu.memory_space<vmem_shared>> -> memref<10240xf32, #tpu.memory_space<vmem_shared>>
      tpu.enqueue_indirect_dma source(%arg5 : memref<80xf32, #tpu.memory_space<vmem>>) target(%dma_start3A_48 : memref<10240xf32, #tpu.memory_space<vmem_shared>>) offsets(%dma_start3A_46 : memref<80xi32, #tpu.memory_space<vmem>>) semaphore(%arg8 : memref<!tpu.dma_semaphore, #tpu.memory_space<semaphore_mem>>) {add = true}
      %add3A_49 = arith.constant 3 : i32
      %add3A_50 = arith.addi %mul3A_28, %add3A_49 : i32
      %dma_start3A_51 = arith.constant 0 : i32
      %dma_start3A_52 = tpu.memref_slice %arg4[%add3A_50, %dma_start3A_51] : memref<125x80xi32, #tpu.memory_space<vmem>> -> memref<1x80xi32, #tpu.memory_space<vmem>>
      %dma_start3A_53 = tpu.memref_squeeze %dma_start3A_52 : memref<1x80xi32, #tpu.memory_space<vmem>> -> memref<80xi32, #tpu.memory_space<vmem>>
      %dma_start3A_54 = arith.constant 0 : i32
      %dma_start3A_55 = tpu.memref_slice %arg7[%dma_start3A_54] : memref<10240xf32, #tpu.memory_space<vmem_shared>> -> memref<10240xf32, #tpu.memory_space<vmem_shared>>
      tpu.enqueue_indirect_dma source(%arg5 : memref<80xf32, #tpu.memory_space<vmem>>) target(%dma_start3A_55 : memref<10240xf32, #tpu.memory_space<vmem_shared>>) offsets(%dma_start3A_53 : memref<80xi32, #tpu.memory_space<vmem>>) semaphore(%arg8 : memref<!tpu.dma_semaphore, #tpu.memory_space<semaphore_mem>>) {add = true}
      %add3A_56 = arith.constant 4 : i32
      %add3A_57 = arith.addi %mul3A_28, %add3A_56 : i32
      %dma_start3A_58 = arith.constant 0 : i32
      %dma_start3A_59 = tpu.memref_slice %arg4[%add3A_57, %dma_start3A_58] : memref<125x80xi32, #tpu.memory_space<vmem>> -> memref<1x80xi32, #tpu.memory_space<vmem>>
      %dma_start3A_60 = tpu.memref_squeeze %dma_start3A_59 : memref<1x80xi32, #tpu.memory_space<vmem>> -> memref<80xi32, #tpu.memory_space<vmem>>
      %dma_start3A_61 = arith.constant 0 : i32
      %dma_start3A_62 = tpu.memref_slice %arg7[%dma_start3A_61] : memref<10240xf32, #tpu.memory_space<vmem_shared>> -> memref<10240xf32, #tpu.memory_space<vmem_shared>>
      tpu.enqueue_indirect_dma source(%arg5 : memref<80xf32, #tpu.memory_space<vmem>>) target(%dma_start3A_62 : memref<10240xf32, #tpu.memory_space<vmem_shared>>) offsets(%dma_start3A_60 : memref<80xi32, #tpu.memory_space<vmem>>) semaphore(%arg8 : memref<!tpu.dma_semaphore, #tpu.memory_space<semaphore_mem>>) {add = true}
      %add3A_63 = arith.constant 0 : i32
      %add3A_64 = arith.addi %mul3A_28, %add3A_63 : i32
      %dma_wait3A = arith.constant 0 : i32
      %dma_wait3A_65 = tpu.memref_slice %arg4[%add3A_64, %dma_wait3A] : memref<125x80xi32, #tpu.memory_space<vmem>> -> memref<1x80xi32, #tpu.memory_space<vmem>>
      %dma_wait3A_66 = tpu.memref_squeeze %dma_wait3A_65 : memref<1x80xi32, #tpu.memory_space<vmem>> -> memref<80xi32, #tpu.memory_space<vmem>>
      %dma_wait3A_67 = arith.constant 0 : i32
      %dma_wait3A_68 = tpu.memref_slice %arg7[%dma_wait3A_67] : memref<10240xf32, #tpu.memory_space<vmem_shared>> -> memref<10240xf32, #tpu.memory_space<vmem_shared>>
      tpu.wait_indirect_dma semaphore(%arg8 : memref<!tpu.dma_semaphore, #tpu.memory_space<semaphore_mem>>) src(%arg5 : memref<80xf32, #tpu.memory_space<vmem>>) dst(%dma_wait3A_68 : memref<10240xf32, #tpu.memory_space<vmem_shared>>)
      %add3A_69 = arith.constant 1 : i32
      %add3A_70 = arith.addi %mul3A_28, %add3A_69 : i32
      %dma_wait3A_71 = arith.constant 0 : i32
      %dma_wait3A_72 = tpu.memref_slice %arg4[%add3A_70, %dma_wait3A_71] : memref<125x80xi32, #tpu.memory_space<vmem>> -> memref<1x80xi32, #tpu.memory_space<vmem>>
      %dma_wait3A_73 = tpu.memref_squeeze %dma_wait3A_72 : memref<1x80xi32, #tpu.memory_space<vmem>> -> memref<80xi32, #tpu.memory_space<vmem>>
      %dma_wait3A_74 = arith.constant 0 : i32
      %dma_wait3A_75 = tpu.memref_slice %arg7[%dma_wait3A_74] : memref<10240xf32, #tpu.memory_space<vmem_shared>> -> memref<10240xf32, #tpu.memory_space<vmem_shared>>
      tpu.wait_indirect_dma semaphore(%arg8 : memref<!tpu.dma_semaphore, #tpu.memory_space<semaphore_mem>>) src(%arg5 : memref<80xf32, #tpu.memory_space<vmem>>) dst(%dma_wait3A_75 : memref<10240xf32, #tpu.memory_space<vmem_shared>>)
      %add3A_76 = arith.constant 2 : i32
      %add3A_77 = arith.addi %mul3A_28, %add3A_76 : i32
      %dma_wait3A_78 = arith.constant 0 : i32
      %dma_wait3A_79 = tpu.memref_slice %arg4[%add3A_77, %dma_wait3A_78] : memref<125x80xi32, #tpu.memory_space<vmem>> -> memref<1x80xi32, #tpu.memory_space<vmem>>
      %dma_wait3A_80 = tpu.memref_squeeze %dma_wait3A_79 : memref<1x80xi32, #tpu.memory_space<vmem>> -> memref<80xi32, #tpu.memory_space<vmem>>
      %dma_wait3A_81 = arith.constant 0 : i32
      %dma_wait3A_82 = tpu.memref_slice %arg7[%dma_wait3A_81] : memref<10240xf32, #tpu.memory_space<vmem_shared>> -> memref<10240xf32, #tpu.memory_space<vmem_shared>>
      tpu.wait_indirect_dma semaphore(%arg8 : memref<!tpu.dma_semaphore, #tpu.memory_space<semaphore_mem>>) src(%arg5 : memref<80xf32, #tpu.memory_space<vmem>>) dst(%dma_wait3A_82 : memref<10240xf32, #tpu.memory_space<vmem_shared>>)
      %add3A_83 = arith.constant 3 : i32
      %add3A_84 = arith.addi %mul3A_28, %add3A_83 : i32
      %dma_wait3A_85 = arith.constant 0 : i32
      %dma_wait3A_86 = tpu.memref_slice %arg4[%add3A_84, %dma_wait3A_85] : memref<125x80xi32, #tpu.memory_space<vmem>> -> memref<1x80xi32, #tpu.memory_space<vmem>>
      %dma_wait3A_87 = tpu.memref_squeeze %dma_wait3A_86 : memref<1x80xi32, #tpu.memory_space<vmem>> -> memref<80xi32, #tpu.memory_space<vmem>>
      %dma_wait3A_88 = arith.constant 0 : i32
      %dma_wait3A_89 = tpu.memref_slice %arg7[%dma_wait3A_88] : memref<10240xf32, #tpu.memory_space<vmem_shared>> -> memref<10240xf32, #tpu.memory_space<vmem_shared>>
      tpu.wait_indirect_dma semaphore(%arg8 : memref<!tpu.dma_semaphore, #tpu.memory_space<semaphore_mem>>) src(%arg5 : memref<80xf32, #tpu.memory_space<vmem>>) dst(%dma_wait3A_89 : memref<10240xf32, #tpu.memory_space<vmem_shared>>)
      %add3A_90 = arith.constant 4 : i32
      %add3A_91 = arith.addi %mul3A_28, %add3A_90 : i32
      %dma_wait3A_92 = arith.constant 0 : i32
      %dma_wait3A_93 = tpu.memref_slice %arg4[%add3A_91, %dma_wait3A_92] : memref<125x80xi32, #tpu.memory_space<vmem>> -> memref<1x80xi32, #tpu.memory_space<vmem>>
      %dma_wait3A_94 = tpu.memref_squeeze %dma_wait3A_93 : memref<1x80xi32, #tpu.memory_space<vmem>> -> memref<80xi32, #tpu.memory_space<vmem>>
      %dma_wait3A_95 = arith.constant 0 : i32
      %dma_wait3A_96 = tpu.memref_slice %arg7[%dma_wait3A_95] : memref<10240xf32, #tpu.memory_space<vmem_shared>> -> memref<10240xf32, #tpu.memory_space<vmem_shared>>
      tpu.wait_indirect_dma semaphore(%arg8 : memref<!tpu.dma_semaphore, #tpu.memory_space<semaphore_mem>>) src(%arg5 : memref<80xf32, #tpu.memory_space<vmem>>) dst(%dma_wait3A_96 : memref<10240xf32, #tpu.memory_space<vmem_shared>>)
    }
    %scan3A_16 = arith.constant 25 : i32
    %barrier3A_17 = arith.constant 0 : index
    tpu.barrier barrier_id(%barrier3A_17)
    %mul3A_18 = arith.constant 640 : i32
    %mul3A_19 = arith.muli %arg1, %mul3A_18 : i32
    %mul3A_20 = arith.constant 640 : i32
    %mul3A_21 = arith.muli %arg1, %mul3A_20 : i32
    "tpu.region"() ({
      %run_scoped3A_22 = tpu.sem_alloc : memref<!tpu.dma_semaphore, #tpu.memory_space<semaphore_mem>>
      %dma_start3A = tpu.memref_slice %arg3[%arg0, %mul3A_21] : memref<2x10240xf32, #tpu.memory_space<hbm>> -> memref<1x640xf32, #tpu.memory_space<hbm>>
      %dma_start3A_23 = tpu.memref_squeeze %dma_start3A : memref<1x640xf32, #tpu.memory_space<hbm>> -> memref<640xf32, #tpu.memory_space<hbm>>
      %dma_start3A_24 = tpu.memref_slice %arg7[%mul3A_19] : memref<10240xf32, #tpu.memory_space<vmem_shared>> -> memref<640xf32, #tpu.memory_space<vmem_shared>>
      tpu.enqueue_dma source(%dma_start3A_24 : memref<640xf32, #tpu.memory_space<vmem_shared>>) target(%dma_start3A_23 : memref<640xf32, #tpu.memory_space<hbm>>) target_semaphore(%run_scoped3A_22 : memref<!tpu.dma_semaphore, #tpu.memory_space<semaphore_mem>>)
      %dma_wait3A = tpu.memref_slice %arg3[%arg0, %mul3A_21] : memref<2x10240xf32, #tpu.memory_space<hbm>> -> memref<1x640xf32, #tpu.memory_space<hbm>>
      %dma_wait3A_25 = tpu.memref_squeeze %dma_wait3A : memref<1x640xf32, #tpu.memory_space<hbm>> -> memref<640xf32, #tpu.memory_space<hbm>>
      %dma_wait3A_26 = tpu.memref_slice %arg7[%mul3A_19] : memref<10240xf32, #tpu.memory_space<vmem_shared>> -> memref<640xf32, #tpu.memory_space<vmem_shared>>
      tpu.wait_dma2 semaphore(%run_scoped3A_22 : memref<!tpu.dma_semaphore, #tpu.memory_space<semaphore_mem>>) src(%dma_wait3A_26 : memref<640xf32, #tpu.memory_space<vmem_shared>>) dst(%dma_wait3A_25 : memref<640xf32, #tpu.memory_space<hbm>>)
      tpu.yield
    }) : () -> ()
    return
  }
}

#map = affine_map<(d0, d1) -> (0, 0)>
#map1 = affine_map<(d0, d1) -> (0, 0, 0, 0)>
#map2 = affine_map<(d0, d1) -> (0, 0, 0)>
module attributes {stable_mosaic.version = 14 : i64} {
  func.func @k(%arg0: i32, %arg1: i32, %arg2: memref<10000x128xf32, #tpu.memory_space<hbm>>, %arg3: memref<10000x128xf32, #tpu.memory_space<hbm>>, %arg4: memref<2x32x125x80xi32, #tpu.memory_space<hbm>>, %arg5: memref<2x10000x128xf32, #tpu.memory_space<hbm>>, %arg6: memref<125x80xi32, #tpu.memory_space<vmem>>, %arg7: memref<125x80xi32, #tpu.memory_space<vmem>>, %arg8: memref<80x128xf32, #tpu.memory_space<vmem>>, %arg9: memref<80x128xf32, #tpu.memory_space<vmem>>, %arg10: memref<80x128xf32, #tpu.memory_space<vmem>>, %arg11: memref<10000x128xf32, #tpu.memory_space<vmem_shared>>, %arg12: memref<!tpu.dma_semaphore, #tpu.memory_space<semaphore_mem>>, %arg13: memref<!tpu.dma_semaphore, #tpu.memory_space<semaphore_mem>>, %arg14: memref<!tpu.dma_semaphore, #tpu.memory_space<semaphore_mem>>) attributes {dimension_semantics = [#tpu.dimension_semantics<core_parallel>, #tpu.dimension_semantics<subcore_parallel>], iteration_bounds = array<i64: 2, 16>, scalar_prefetch = 0 : i64, scratch_operands = 9 : i64, tpu.core_type = #tpu.core_type<sc_vector_subcore>, window_params = [{transform_indices = #map}, {transform_indices = #map}, {transform_indices = #map1}, {transform_indices = #map2}]} {
    %mul3A = arith.constant 16 : i32
    %mul3A_0 = arith.muli %arg0, %mul3A : i32
    %add3A = arith.addi %mul3A_0, %arg1 : i32
    %run_scoped3A = arith.constant 0 : i32
    "tpu.region"() ({
      %run_scoped3A_91 = tpu.sem_alloc : memref<!tpu.dma_semaphore, #tpu.memory_space<semaphore_mem>>
      %dma_start3A_92 = arith.constant 0 : i32
      %dma_start3A_93 = arith.constant 0 : i32
      %dma_start3A_94 = tpu.memref_slice %arg4[%run_scoped3A, %add3A, %dma_start3A_92, %dma_start3A_93] : memref<2x32x125x80xi32, #tpu.memory_space<hbm>> -> memref<1x1x125x80xi32, #tpu.memory_space<hbm>>
      %dma_start3A_95 = tpu.memref_squeeze %dma_start3A_94 : memref<1x1x125x80xi32, #tpu.memory_space<hbm>> -> memref<125x80xi32, #tpu.memory_space<hbm>>
      %dma_start3A_96 = arith.constant 0 : i32
      %dma_start3A_97 = arith.constant 0 : i32
      %dma_start3A_98 = tpu.memref_slice %arg4[%run_scoped3A, %add3A, %dma_start3A_96, %dma_start3A_97] : memref<2x32x125x80xi32, #tpu.memory_space<hbm>> -> memref<1x1x125x80xi32, #tpu.memory_space<hbm>>
      %dma_start3A_99 = tpu.memref_squeeze %dma_start3A_98 : memref<1x1x125x80xi32, #tpu.memory_space<hbm>> -> memref<125x80xi32, #tpu.memory_space<hbm>>
      tpu.enqueue_dma source(%dma_start3A_99 : memref<125x80xi32, #tpu.memory_space<hbm>>) target(%arg6 : memref<125x80xi32, #tpu.memory_space<vmem>>) target_semaphore(%run_scoped3A_91 : memref<!tpu.dma_semaphore, #tpu.memory_space<semaphore_mem>>)
      %dma_wait3A_100 = arith.constant 0 : i32
      %dma_wait3A_101 = arith.constant 0 : i32
      %dma_wait3A_102 = tpu.memref_slice %arg4[%run_scoped3A, %add3A, %dma_wait3A_100, %dma_wait3A_101] : memref<2x32x125x80xi32, #tpu.memory_space<hbm>> -> memref<1x1x125x80xi32, #tpu.memory_space<hbm>>
      %dma_wait3A_103 = tpu.memref_squeeze %dma_wait3A_102 : memref<1x1x125x80xi32, #tpu.memory_space<hbm>> -> memref<125x80xi32, #tpu.memory_space<hbm>>
      %dma_wait3A_104 = arith.constant 0 : i32
      %dma_wait3A_105 = arith.constant 0 : i32
      %dma_wait3A_106 = tpu.memref_slice %arg4[%run_scoped3A, %add3A, %dma_wait3A_104, %dma_wait3A_105] : memref<2x32x125x80xi32, #tpu.memory_space<hbm>> -> memref<1x1x125x80xi32, #tpu.memory_space<hbm>>
      %dma_wait3A_107 = tpu.memref_squeeze %dma_wait3A_106 : memref<1x1x125x80xi32, #tpu.memory_space<hbm>> -> memref<125x80xi32, #tpu.memory_space<hbm>>
      tpu.wait_dma2 semaphore(%run_scoped3A_91 : memref<!tpu.dma_semaphore, #tpu.memory_space<semaphore_mem>>) src(%dma_wait3A_107 : memref<125x80xi32, #tpu.memory_space<hbm>>) dst(%arg6 : memref<125x80xi32, #tpu.memory_space<vmem>>)
      tpu.yield
    }) : () -> ()
    %run_scoped3A_1 = arith.constant 1 : i32
    "tpu.region"() ({
      %run_scoped3A_91 = tpu.sem_alloc : memref<!tpu.dma_semaphore, #tpu.memory_space<semaphore_mem>>
      %dma_start3A_92 = arith.constant 0 : i32
      %dma_start3A_93 = arith.constant 0 : i32
      %dma_start3A_94 = tpu.memref_slice %arg4[%run_scoped3A_1, %add3A, %dma_start3A_92, %dma_start3A_93] : memref<2x32x125x80xi32, #tpu.memory_space<hbm>> -> memref<1x1x125x80xi32, #tpu.memory_space<hbm>>
      %dma_start3A_95 = tpu.memref_squeeze %dma_start3A_94 : memref<1x1x125x80xi32, #tpu.memory_space<hbm>> -> memref<125x80xi32, #tpu.memory_space<hbm>>
      %dma_start3A_96 = arith.constant 0 : i32
      %dma_start3A_97 = arith.constant 0 : i32
      %dma_start3A_98 = tpu.memref_slice %arg4[%run_scoped3A_1, %add3A, %dma_start3A_96, %dma_start3A_97] : memref<2x32x125x80xi32, #tpu.memory_space<hbm>> -> memref<1x1x125x80xi32, #tpu.memory_space<hbm>>
      %dma_start3A_99 = tpu.memref_squeeze %dma_start3A_98 : memref<1x1x125x80xi32, #tpu.memory_space<hbm>> -> memref<125x80xi32, #tpu.memory_space<hbm>>
      tpu.enqueue_dma source(%dma_start3A_99 : memref<125x80xi32, #tpu.memory_space<hbm>>) target(%arg7 : memref<125x80xi32, #tpu.memory_space<vmem>>) target_semaphore(%run_scoped3A_91 : memref<!tpu.dma_semaphore, #tpu.memory_space<semaphore_mem>>)
      %dma_wait3A_100 = arith.constant 0 : i32
      %dma_wait3A_101 = arith.constant 0 : i32
      %dma_wait3A_102 = tpu.memref_slice %arg4[%run_scoped3A_1, %add3A, %dma_wait3A_100, %dma_wait3A_101] : memref<2x32x125x80xi32, #tpu.memory_space<hbm>> -> memref<1x1x125x80xi32, #tpu.memory_space<hbm>>
      %dma_wait3A_103 = tpu.memref_squeeze %dma_wait3A_102 : memref<1x1x125x80xi32, #tpu.memory_space<hbm>> -> memref<125x80xi32, #tpu.memory_space<hbm>>
      %dma_wait3A_104 = arith.constant 0 : i32
      %dma_wait3A_105 = arith.constant 0 : i32
      %dma_wait3A_106 = tpu.memref_slice %arg4[%run_scoped3A_1, %add3A, %dma_wait3A_104, %dma_wait3A_105] : memref<2x32x125x80xi32, #tpu.memory_space<hbm>> -> memref<1x1x125x80xi32, #tpu.memory_space<hbm>>
      %dma_wait3A_107 = tpu.memref_squeeze %dma_wait3A_106 : memref<1x1x125x80xi32, #tpu.memory_space<hbm>> -> memref<125x80xi32, #tpu.memory_space<hbm>>
      tpu.wait_dma2 semaphore(%run_scoped3A_91 : memref<!tpu.dma_semaphore, #tpu.memory_space<semaphore_mem>>) src(%dma_wait3A_107 : memref<125x80xi32, #tpu.memory_space<hbm>>) dst(%arg7 : memref<125x80xi32, #tpu.memory_space<vmem>>)
      tpu.yield
    }) : () -> ()
    %eq3A = arith.constant 0 : i32
    %eq3A_2 = arith.cmpi eq, %arg0, %eq3A : i32
    %convert_element_type3A = arith.extui %eq3A_2 : i1 to i32
    %cond3A = arith.constant 0 : i32
    %cond3A_3 = arith.cmpi ne, %convert_element_type3A, %cond3A : i32
    scf.if %cond3A_3 {
      %mul3A_91 = arith.constant 625 : i32
      %mul3A_92 = arith.muli %arg1, %mul3A_91 : i32
      %mul3A_93 = arith.constant 625 : i32
      %mul3A_94 = arith.muli %arg1, %mul3A_93 : i32
      "tpu.region"() ({
        %run_scoped3A_95 = tpu.sem_alloc : memref<!tpu.dma_semaphore, #tpu.memory_space<semaphore_mem>>
        %dma_start3A_96 = arith.constant 0 : i32
        %dma_start3A_97 = tpu.memref_slice %arg11[%mul3A_94, %dma_start3A_96] : memref<10000x128xf32, #tpu.memory_space<vmem_shared>> -> memref<625x128xf32, #tpu.memory_space<vmem_shared>>
        %dma_start3A_98 = arith.constant 0 : i32
        %dma_start3A_99 = tpu.memref_slice %arg2[%mul3A_92, %dma_start3A_98] : memref<10000x128xf32, #tpu.memory_space<hbm>> -> memref<625x128xf32, #tpu.memory_space<hbm>>
        tpu.enqueue_dma source(%dma_start3A_99 : memref<625x128xf32, #tpu.memory_space<hbm>>) target(%dma_start3A_97 : memref<625x128xf32, #tpu.memory_space<vmem_shared>>) target_semaphore(%run_scoped3A_95 : memref<!tpu.dma_semaphore, #tpu.memory_space<semaphore_mem>>)
        %dma_wait3A_100 = arith.constant 0 : i32
        %dma_wait3A_101 = tpu.memref_slice %arg11[%mul3A_94, %dma_wait3A_100] : memref<10000x128xf32, #tpu.memory_space<vmem_shared>> -> memref<625x128xf32, #tpu.memory_space<vmem_shared>>
        %dma_wait3A_102 = arith.constant 0 : i32
        %dma_wait3A_103 = tpu.memref_slice %arg2[%mul3A_92, %dma_wait3A_102] : memref<10000x128xf32, #tpu.memory_space<hbm>> -> memref<625x128xf32, #tpu.memory_space<hbm>>
        tpu.wait_dma2 semaphore(%run_scoped3A_95 : memref<!tpu.dma_semaphore, #tpu.memory_space<semaphore_mem>>) src(%dma_wait3A_103 : memref<625x128xf32, #tpu.memory_space<hbm>>) dst(%dma_wait3A_101 : memref<625x128xf32, #tpu.memory_space<vmem_shared>>)
        tpu.yield
      }) : () -> ()
    } else {
    }
    %eq3A_4 = arith.constant 1 : i32
    %eq3A_5 = arith.cmpi eq, %arg0, %eq3A_4 : i32
    %convert_element_type3A_6 = arith.extui %eq3A_5 : i1 to i32
    %cond3A_7 = arith.constant 0 : i32
    %cond3A_8 = arith.cmpi ne, %convert_element_type3A_6, %cond3A_7 : i32
    scf.if %cond3A_8 {
      %mul3A_91 = arith.constant 625 : i32
      %mul3A_92 = arith.muli %arg1, %mul3A_91 : i32
      %mul3A_93 = arith.constant 625 : i32
      %mul3A_94 = arith.muli %arg1, %mul3A_93 : i32
      "tpu.region"() ({
        %run_scoped3A_95 = tpu.sem_alloc : memref<!tpu.dma_semaphore, #tpu.memory_space<semaphore_mem>>
        %dma_start3A_96 = arith.constant 0 : i32
        %dma_start3A_97 = tpu.memref_slice %arg11[%mul3A_94, %dma_start3A_96] : memref<10000x128xf32, #tpu.memory_space<vmem_shared>> -> memref<625x128xf32, #tpu.memory_space<vmem_shared>>
        %dma_start3A_98 = arith.constant 0 : i32
        %dma_start3A_99 = tpu.memref_slice %arg3[%mul3A_92, %dma_start3A_98] : memref<10000x128xf32, #tpu.memory_space<hbm>> -> memref<625x128xf32, #tpu.memory_space<hbm>>
        tpu.enqueue_dma source(%dma_start3A_99 : memref<625x128xf32, #tpu.memory_space<hbm>>) target(%dma_start3A_97 : memref<625x128xf32, #tpu.memory_space<vmem_shared>>) target_semaphore(%run_scoped3A_95 : memref<!tpu.dma_semaphore, #tpu.memory_space<semaphore_mem>>)
        %dma_wait3A_100 = arith.constant 0 : i32
        %dma_wait3A_101 = tpu.memref_slice %arg11[%mul3A_94, %dma_wait3A_100] : memref<10000x128xf32, #tpu.memory_space<vmem_shared>> -> memref<625x128xf32, #tpu.memory_space<vmem_shared>>
        %dma_wait3A_102 = arith.constant 0 : i32
        %dma_wait3A_103 = tpu.memref_slice %arg3[%mul3A_92, %dma_wait3A_102] : memref<10000x128xf32, #tpu.memory_space<hbm>> -> memref<625x128xf32, #tpu.memory_space<hbm>>
        tpu.wait_dma2 semaphore(%run_scoped3A_95 : memref<!tpu.dma_semaphore, #tpu.memory_space<semaphore_mem>>) src(%dma_wait3A_103 : memref<625x128xf32, #tpu.memory_space<hbm>>) dst(%dma_wait3A_101 : memref<625x128xf32, #tpu.memory_space<vmem_shared>>)
        tpu.yield
      }) : () -> ()
    } else {
    }
    %barrier3A = arith.constant 0 : index
    tpu.barrier barrier_id(%barrier3A)
    %dma_start3A = arith.constant 0 : i32
    %dma_start3A_9 = arith.constant 0 : i32
    %dma_start3A_10 = tpu.memref_slice %arg6[%dma_start3A, %dma_start3A_9] : memref<125x80xi32, #tpu.memory_space<vmem>> -> memref<1x80xi32, #tpu.memory_space<vmem>>
    %dma_start3A_11 = tpu.memref_squeeze %dma_start3A_10 : memref<1x80xi32, #tpu.memory_space<vmem>> -> memref<80xi32, #tpu.memory_space<vmem>>
    %dma_start3A_12 = arith.constant 0 : i32
    %dma_start3A_13 = arith.constant 0 : i32
    %dma_start3A_14 = tpu.memref_slice %arg2[%dma_start3A_12, %dma_start3A_13] : memref<10000x128xf32, #tpu.memory_space<hbm>> -> memref<10000x128xf32, #tpu.memory_space<hbm>>
    tpu.enqueue_indirect_dma source(%dma_start3A_14 : memref<10000x128xf32, #tpu.memory_space<hbm>>) target(%arg8 : memref<80x128xf32, #tpu.memory_space<vmem>>) offsets(%dma_start3A_11 : memref<80xi32, #tpu.memory_space<vmem>>) semaphore(%arg12 : memref<!tpu.dma_semaphore, #tpu.memory_space<semaphore_mem>>)
    %dma_start3A_15 = arith.constant 1 : i32
    %dma_start3A_16 = arith.constant 0 : i32
    %dma_start3A_17 = tpu.memref_slice %arg6[%dma_start3A_15, %dma_start3A_16] : memref<125x80xi32, #tpu.memory_space<vmem>> -> memref<1x80xi32, #tpu.memory_space<vmem>>
    %dma_start3A_18 = tpu.memref_squeeze %dma_start3A_17 : memref<1x80xi32, #tpu.memory_space<vmem>> -> memref<80xi32, #tpu.memory_space<vmem>>
    %dma_start3A_19 = arith.constant 0 : i32
    %dma_start3A_20 = arith.constant 0 : i32
    %dma_start3A_21 = tpu.memref_slice %arg2[%dma_start3A_19, %dma_start3A_20] : memref<10000x128xf32, #tpu.memory_space<hbm>> -> memref<10000x128xf32, #tpu.memory_space<hbm>>
    tpu.enqueue_indirect_dma source(%dma_start3A_21 : memref<10000x128xf32, #tpu.memory_space<hbm>>) target(%arg9 : memref<80x128xf32, #tpu.memory_space<vmem>>) offsets(%dma_start3A_18 : memref<80xi32, #tpu.memory_space<vmem>>) semaphore(%arg13 : memref<!tpu.dma_semaphore, #tpu.memory_space<semaphore_mem>>)
    %dma_start3A_22 = arith.constant 2 : i32
    %dma_start3A_23 = arith.constant 0 : i32
    %dma_start3A_24 = tpu.memref_slice %arg6[%dma_start3A_22, %dma_start3A_23] : memref<125x80xi32, #tpu.memory_space<vmem>> -> memref<1x80xi32, #tpu.memory_space<vmem>>
    %dma_start3A_25 = tpu.memref_squeeze %dma_start3A_24 : memref<1x80xi32, #tpu.memory_space<vmem>> -> memref<80xi32, #tpu.memory_space<vmem>>
    %dma_start3A_26 = arith.constant 0 : i32
    %dma_start3A_27 = arith.constant 0 : i32
    %dma_start3A_28 = tpu.memref_slice %arg2[%dma_start3A_26, %dma_start3A_27] : memref<10000x128xf32, #tpu.memory_space<hbm>> -> memref<10000x128xf32, #tpu.memory_space<hbm>>
    tpu.enqueue_indirect_dma source(%dma_start3A_28 : memref<10000x128xf32, #tpu.memory_space<hbm>>) target(%arg10 : memref<80x128xf32, #tpu.memory_space<vmem>>) offsets(%dma_start3A_25 : memref<80xi32, #tpu.memory_space<vmem>>) semaphore(%arg14 : memref<!tpu.dma_semaphore, #tpu.memory_space<semaphore_mem>>)
    %scan3A = arith.constant 0 : i32
    %scan3A_29 = arith.constant 40 : i32
    %scan3A_30 = arith.addi %scan3A, %scan3A_29 : i32
    %scan3A_31 = arith.constant 1 : i32
    scf.for %scan3A_91 = %scan3A to %scan3A_30 step %scan3A_31  : i32 {
      %mul3A_92 = arith.constant 1 : i32
      %mul3A_93 = arith.muli %scan3A_91, %mul3A_92 : i32
      %add3A_94 = arith.constant 0 : i32
      %add3A_95 = arith.addi %add3A_94, %mul3A_93 : i32
      %mul3A_96 = arith.constant 3 : i32
      %mul3A_97 = arith.muli %add3A_95, %mul3A_96 : i32
      %add3A_98 = arith.constant 0 : i32
      %add3A_99 = arith.addi %mul3A_97, %add3A_98 : i32
      %dma_wait3A_100 = arith.constant 0 : i32
      %dma_wait3A_101 = tpu.memref_slice %arg6[%add3A_99, %dma_wait3A_100] : memref<125x80xi32, #tpu.memory_space<vmem>> -> memref<1x80xi32, #tpu.memory_space<vmem>>
      %dma_wait3A_102 = tpu.memref_squeeze %dma_wait3A_101 : memref<1x80xi32, #tpu.memory_space<vmem>> -> memref<80xi32, #tpu.memory_space<vmem>>
      %dma_wait3A_103 = arith.constant 0 : i32
      %dma_wait3A_104 = arith.constant 0 : i32
      %dma_wait3A_105 = tpu.memref_slice %arg2[%dma_wait3A_103, %dma_wait3A_104] : memref<10000x128xf32, #tpu.memory_space<hbm>> -> memref<10000x128xf32, #tpu.memory_space<hbm>>
      tpu.wait_indirect_dma semaphore(%arg12 : memref<!tpu.dma_semaphore, #tpu.memory_space<semaphore_mem>>) src(%dma_wait3A_105 : memref<10000x128xf32, #tpu.memory_space<hbm>>) dst(%arg8 : memref<80x128xf32, #tpu.memory_space<vmem>>)
      %add3A_106 = arith.constant 0 : i32
      %add3A_107 = arith.addi %mul3A_97, %add3A_106 : i32
      "tpu.region"() ({
        %run_scoped3A_158 = tpu.sem_alloc : memref<!tpu.dma_semaphore, #tpu.memory_space<semaphore_mem>>
        %dma_start3A_159 = arith.constant 0 : i32
        %dma_start3A_160 = tpu.memref_slice %arg7[%add3A_107, %dma_start3A_159] : memref<125x80xi32, #tpu.memory_space<vmem>> -> memref<1x80xi32, #tpu.memory_space<vmem>>
        %dma_start3A_161 = tpu.memref_squeeze %dma_start3A_160 : memref<1x80xi32, #tpu.memory_space<vmem>> -> memref<80xi32, #tpu.memory_space<vmem>>
        %dma_start3A_162 = arith.constant 0 : i32
        %dma_start3A_163 = arith.constant 0 : i32
        %dma_start3A_164 = tpu.memref_slice %arg11[%dma_start3A_162, %dma_start3A_163] : memref<10000x128xf32, #tpu.memory_space<vmem_shared>> -> memref<10000x128xf32, #tpu.memory_space<vmem_shared>>
        tpu.enqueue_indirect_dma source(%arg8 : memref<80x128xf32, #tpu.memory_space<vmem>>) target(%dma_start3A_164 : memref<10000x128xf32, #tpu.memory_space<vmem_shared>>) offsets(%dma_start3A_161 : memref<80xi32, #tpu.memory_space<vmem>>) semaphore(%run_scoped3A_158 : memref<!tpu.dma_semaphore, #tpu.memory_space<semaphore_mem>>) {add = true}
        %dma_wait3A_165 = arith.constant 0 : i32
        %dma_wait3A_166 = tpu.memref_slice %arg7[%add3A_107, %dma_wait3A_165] : memref<125x80xi32, #tpu.memory_space<vmem>> -> memref<1x80xi32, #tpu.memory_space<vmem>>
        %dma_wait3A_167 = tpu.memref_squeeze %dma_wait3A_166 : memref<1x80xi32, #tpu.memory_space<vmem>> -> memref<80xi32, #tpu.memory_space<vmem>>
        %dma_wait3A_168 = arith.constant 0 : i32
        %dma_wait3A_169 = arith.constant 0 : i32
        %dma_wait3A_170 = tpu.memref_slice %arg11[%dma_wait3A_168, %dma_wait3A_169] : memref<10000x128xf32, #tpu.memory_space<vmem_shared>> -> memref<10000x128xf32, #tpu.memory_space<vmem_shared>>
        tpu.wait_indirect_dma semaphore(%run_scoped3A_158 : memref<!tpu.dma_semaphore, #tpu.memory_space<semaphore_mem>>) src(%arg8 : memref<80x128xf32, #tpu.memory_space<vmem>>) dst(%dma_wait3A_170 : memref<10000x128xf32, #tpu.memory_space<vmem_shared>>)
        tpu.yield
      }) : () -> ()
      %add3A_108 = arith.constant 3 : i32
      %add3A_109 = arith.addi %mul3A_97, %add3A_108 : i32
      %add3A_110 = arith.constant 0 : i32
      %add3A_111 = arith.addi %add3A_109, %add3A_110 : i32
      %dma_start3A_112 = arith.constant 0 : i32
      %dma_start3A_113 = tpu.memref_slice %arg6[%add3A_111, %dma_start3A_112] : memref<125x80xi32, #tpu.memory_space<vmem>> -> memref<1x80xi32, #tpu.memory_space<vmem>>
      %dma_start3A_114 = tpu.memref_squeeze %dma_start3A_113 : memref<1x80xi32, #tpu.memory_space<vmem>> -> memref<80xi32, #tpu.memory_space<vmem>>
      %dma_start3A_115 = arith.constant 0 : i32
      %dma_start3A_116 = arith.constant 0 : i32
      %dma_start3A_117 = tpu.memref_slice %arg2[%dma_start3A_115, %dma_start3A_116] : memref<10000x128xf32, #tpu.memory_space<hbm>> -> memref<10000x128xf32, #tpu.memory_space<hbm>>
      tpu.enqueue_indirect_dma source(%dma_start3A_117 : memref<10000x128xf32, #tpu.memory_space<hbm>>) target(%arg8 : memref<80x128xf32, #tpu.memory_space<vmem>>) offsets(%dma_start3A_114 : memref<80xi32, #tpu.memory_space<vmem>>) semaphore(%arg12 : memref<!tpu.dma_semaphore, #tpu.memory_space<semaphore_mem>>)
      %add3A_118 = arith.constant 1 : i32
      %add3A_119 = arith.addi %mul3A_97, %add3A_118 : i32
      %dma_wait3A_120 = arith.constant 0 : i32
      %dma_wait3A_121 = tpu.memref_slice %arg6[%add3A_119, %dma_wait3A_120] : memref<125x80xi32, #tpu.memory_space<vmem>> -> memref<1x80xi32, #tpu.memory_space<vmem>>
      %dma_wait3A_122 = tpu.memref_squeeze %dma_wait3A_121 : memref<1x80xi32, #tpu.memory_space<vmem>> -> memref<80xi32, #tpu.memory_space<vmem>>
      %dma_wait3A_123 = arith.constant 0 : i32
      %dma_wait3A_124 = arith.constant 0 : i32
      %dma_wait3A_125 = tpu.memref_slice %arg2[%dma_wait3A_123, %dma_wait3A_124] : memref<10000x128xf32, #tpu.memory_space<hbm>> -> memref<10000x128xf32, #tpu.memory_space<hbm>>
      tpu.wait_indirect_dma semaphore(%arg13 : memref<!tpu.dma_semaphore, #tpu.memory_space<semaphore_mem>>) src(%dma_wait3A_125 : memref<10000x128xf32, #tpu.memory_space<hbm>>) dst(%arg9 : memref<80x128xf32, #tpu.memory_space<vmem>>)
      %add3A_126 = arith.constant 1 : i32
      %add3A_127 = arith.addi %mul3A_97, %add3A_126 : i32
      "tpu.region"() ({
        %run_scoped3A_158 = tpu.sem_alloc : memref<!tpu.dma_semaphore, #tpu.memory_space<semaphore_mem>>
        %dma_start3A_159 = arith.constant 0 : i32
        %dma_start3A_160 = tpu.memref_slice %arg7[%add3A_127, %dma_start3A_159] : memref<125x80xi32, #tpu.memory_space<vmem>> -> memref<1x80xi32, #tpu.memory_space<vmem>>
        %dma_start3A_161 = tpu.memref_squeeze %dma_start3A_160 : memref<1x80xi32, #tpu.memory_space<vmem>> -> memref<80xi32, #tpu.memory_space<vmem>>
        %dma_start3A_162 = arith.constant 0 : i32
        %dma_start3A_163 = arith.constant 0 : i32
        %dma_start3A_164 = tpu.memref_slice %arg11[%dma_start3A_162, %dma_start3A_163] : memref<10000x128xf32, #tpu.memory_space<vmem_shared>> -> memref<10000x128xf32, #tpu.memory_space<vmem_shared>>
        tpu.enqueue_indirect_dma source(%arg9 : memref<80x128xf32, #tpu.memory_space<vmem>>) target(%dma_start3A_164 : memref<10000x128xf32, #tpu.memory_space<vmem_shared>>) offsets(%dma_start3A_161 : memref<80xi32, #tpu.memory_space<vmem>>) semaphore(%run_scoped3A_158 : memref<!tpu.dma_semaphore, #tpu.memory_space<semaphore_mem>>) {add = true}
        %dma_wait3A_165 = arith.constant 0 : i32
        %dma_wait3A_166 = tpu.memref_slice %arg7[%add3A_127, %dma_wait3A_165] : memref<125x80xi32, #tpu.memory_space<vmem>> -> memref<1x80xi32, #tpu.memory_space<vmem>>
        %dma_wait3A_167 = tpu.memref_squeeze %dma_wait3A_166 : memref<1x80xi32, #tpu.memory_space<vmem>> -> memref<80xi32, #tpu.memory_space<vmem>>
        %dma_wait3A_168 = arith.constant 0 : i32
        %dma_wait3A_169 = arith.constant 0 : i32
        %dma_wait3A_170 = tpu.memref_slice %arg11[%dma_wait3A_168, %dma_wait3A_169] : memref<10000x128xf32, #tpu.memory_space<vmem_shared>> -> memref<10000x128xf32, #tpu.memory_space<vmem_shared>>
        tpu.wait_indirect_dma semaphore(%run_scoped3A_158 : memref<!tpu.dma_semaphore, #tpu.memory_space<semaphore_mem>>) src(%arg9 : memref<80x128xf32, #tpu.memory_space<vmem>>) dst(%dma_wait3A_170 : memref<10000x128xf32, #tpu.memory_space<vmem_shared>>)
        tpu.yield
      }) : () -> ()
      %add3A_128 = arith.constant 3 : i32
      %add3A_129 = arith.addi %mul3A_97, %add3A_128 : i32
      %add3A_130 = arith.constant 1 : i32
      %add3A_131 = arith.addi %add3A_129, %add3A_130 : i32
      %dma_start3A_132 = arith.constant 0 : i32
      %dma_start3A_133 = tpu.memref_slice %arg6[%add3A_131, %dma_start3A_132] : memref<125x80xi32, #tpu.memory_space<vmem>> -> memref<1x80xi32, #tpu.memory_space<vmem>>
      %dma_start3A_134 = tpu.memref_squeeze %dma_start3A_133 : memref<1x80xi32, #tpu.memory_space<vmem>> -> memref<80xi32, #tpu.memory_space<vmem>>
      %dma_start3A_135 = arith.constant 0 : i32
      %dma_start3A_136 = arith.constant 0 : i32
      %dma_start3A_137 = tpu.memref_slice %arg2[%dma_start3A_135, %dma_start3A_136] : memref<10000x128xf32, #tpu.memory_space<hbm>> -> memref<10000x128xf32, #tpu.memory_space<hbm>>
      tpu.enqueue_indirect_dma source(%dma_start3A_137 : memref<10000x128xf32, #tpu.memory_space<hbm>>) target(%arg9 : memref<80x128xf32, #tpu.memory_space<vmem>>) offsets(%dma_start3A_134 : memref<80xi32, #tpu.memory_space<vmem>>) semaphore(%arg13 : memref<!tpu.dma_semaphore, #tpu.memory_space<semaphore_mem>>)
      %add3A_138 = arith.constant 2 : i32
      %add3A_139 = arith.addi %mul3A_97, %add3A_138 : i32
      %dma_wait3A_140 = arith.constant 0 : i32
      %dma_wait3A_141 = tpu.memref_slice %arg6[%add3A_139, %dma_wait3A_140] : memref<125x80xi32, #tpu.memory_space<vmem>> -> memref<1x80xi32, #tpu.memory_space<vmem>>
      %dma_wait3A_142 = tpu.memref_squeeze %dma_wait3A_141 : memref<1x80xi32, #tpu.memory_space<vmem>> -> memref<80xi32, #tpu.memory_space<vmem>>
      %dma_wait3A_143 = arith.constant 0 : i32
      %dma_wait3A_144 = arith.constant 0 : i32
      %dma_wait3A_145 = tpu.memref_slice %arg2[%dma_wait3A_143, %dma_wait3A_144] : memref<10000x128xf32, #tpu.memory_space<hbm>> -> memref<10000x128xf32, #tpu.memory_space<hbm>>
      tpu.wait_indirect_dma semaphore(%arg14 : memref<!tpu.dma_semaphore, #tpu.memory_space<semaphore_mem>>) src(%dma_wait3A_145 : memref<10000x128xf32, #tpu.memory_space<hbm>>) dst(%arg10 : memref<80x128xf32, #tpu.memory_space<vmem>>)
      %add3A_146 = arith.constant 2 : i32
      %add3A_147 = arith.addi %mul3A_97, %add3A_146 : i32
      "tpu.region"() ({
        %run_scoped3A_158 = tpu.sem_alloc : memref<!tpu.dma_semaphore, #tpu.memory_space<semaphore_mem>>
        %dma_start3A_159 = arith.constant 0 : i32
        %dma_start3A_160 = tpu.memref_slice %arg7[%add3A_147, %dma_start3A_159] : memref<125x80xi32, #tpu.memory_space<vmem>> -> memref<1x80xi32, #tpu.memory_space<vmem>>
        %dma_start3A_161 = tpu.memref_squeeze %dma_start3A_160 : memref<1x80xi32, #tpu.memory_space<vmem>> -> memref<80xi32, #tpu.memory_space<vmem>>
        %dma_start3A_162 = arith.constant 0 : i32
        %dma_start3A_163 = arith.constant 0 : i32
        %dma_start3A_164 = tpu.memref_slice %arg11[%dma_start3A_162, %dma_start3A_163] : memref<10000x128xf32, #tpu.memory_space<vmem_shared>> -> memref<10000x128xf32, #tpu.memory_space<vmem_shared>>
        tpu.enqueue_indirect_dma source(%arg10 : memref<80x128xf32, #tpu.memory_space<vmem>>) target(%dma_start3A_164 : memref<10000x128xf32, #tpu.memory_space<vmem_shared>>) offsets(%dma_start3A_161 : memref<80xi32, #tpu.memory_space<vmem>>) semaphore(%run_scoped3A_158 : memref<!tpu.dma_semaphore, #tpu.memory_space<semaphore_mem>>) {add = true}
        %dma_wait3A_165 = arith.constant 0 : i32
        %dma_wait3A_166 = tpu.memref_slice %arg7[%add3A_147, %dma_wait3A_165] : memref<125x80xi32, #tpu.memory_space<vmem>> -> memref<1x80xi32, #tpu.memory_space<vmem>>
        %dma_wait3A_167 = tpu.memref_squeeze %dma_wait3A_166 : memref<1x80xi32, #tpu.memory_space<vmem>> -> memref<80xi32, #tpu.memory_space<vmem>>
        %dma_wait3A_168 = arith.constant 0 : i32
        %dma_wait3A_169 = arith.constant 0 : i32
        %dma_wait3A_170 = tpu.memref_slice %arg11[%dma_wait3A_168, %dma_wait3A_169] : memref<10000x128xf32, #tpu.memory_space<vmem_shared>> -> memref<10000x128xf32, #tpu.memory_space<vmem_shared>>
        tpu.wait_indirect_dma semaphore(%run_scoped3A_158 : memref<!tpu.dma_semaphore, #tpu.memory_space<semaphore_mem>>) src(%arg10 : memref<80x128xf32, #tpu.memory_space<vmem>>) dst(%dma_wait3A_170 : memref<10000x128xf32, #tpu.memory_space<vmem_shared>>)
        tpu.yield
      }) : () -> ()
      %add3A_148 = arith.constant 3 : i32
      %add3A_149 = arith.addi %mul3A_97, %add3A_148 : i32
      %add3A_150 = arith.constant 2 : i32
      %add3A_151 = arith.addi %add3A_149, %add3A_150 : i32
      %dma_start3A_152 = arith.constant 0 : i32
      %dma_start3A_153 = tpu.memref_slice %arg6[%add3A_151, %dma_start3A_152] : memref<125x80xi32, #tpu.memory_space<vmem>> -> memref<1x80xi32, #tpu.memory_space<vmem>>
      %dma_start3A_154 = tpu.memref_squeeze %dma_start3A_153 : memref<1x80xi32, #tpu.memory_space<vmem>> -> memref<80xi32, #tpu.memory_space<vmem>>
      %dma_start3A_155 = arith.constant 0 : i32
      %dma_start3A_156 = arith.constant 0 : i32
      %dma_start3A_157 = tpu.memref_slice %arg2[%dma_start3A_155, %dma_start3A_156] : memref<10000x128xf32, #tpu.memory_space<hbm>> -> memref<10000x128xf32, #tpu.memory_space<hbm>>
      tpu.enqueue_indirect_dma source(%dma_start3A_157 : memref<10000x128xf32, #tpu.memory_space<hbm>>) target(%arg10 : memref<80x128xf32, #tpu.memory_space<vmem>>) offsets(%dma_start3A_154 : memref<80xi32, #tpu.memory_space<vmem>>) semaphore(%arg14 : memref<!tpu.dma_semaphore, #tpu.memory_space<semaphore_mem>>)
    }
    %scan3A_32 = arith.constant 40 : i32
    %dma_wait3A = arith.constant 120 : i32
    %dma_wait3A_33 = arith.constant 0 : i32
    %dma_wait3A_34 = tpu.memref_slice %arg6[%dma_wait3A, %dma_wait3A_33] : memref<125x80xi32, #tpu.memory_space<vmem>> -> memref<1x80xi32, #tpu.memory_space<vmem>>
    %dma_wait3A_35 = tpu.memref_squeeze %dma_wait3A_34 : memref<1x80xi32, #tpu.memory_space<vmem>> -> memref<80xi32, #tpu.memory_space<vmem>>
    %dma_wait3A_36 = arith.constant 0 : i32
    %dma_wait3A_37 = arith.constant 0 : i32
    %dma_wait3A_38 = tpu.memref_slice %arg2[%dma_wait3A_36, %dma_wait3A_37] : memref<10000x128xf32, #tpu.memory_space<hbm>> -> memref<10000x128xf32, #tpu.memory_space<hbm>>
    tpu.wait_indirect_dma semaphore(%arg12 : memref<!tpu.dma_semaphore, #tpu.memory_space<semaphore_mem>>) src(%dma_wait3A_38 : memref<10000x128xf32, #tpu.memory_space<hbm>>) dst(%arg8 : memref<80x128xf32, #tpu.memory_space<vmem>>)
    %run_scoped3A_39 = arith.constant 120 : i32
    "tpu.region"() ({
      %run_scoped3A_91 = tpu.sem_alloc : memref<!tpu.dma_semaphore, #tpu.memory_space<semaphore_mem>>
      %dma_start3A_92 = arith.constant 0 : i32
      %dma_start3A_93 = tpu.memref_slice %arg7[%run_scoped3A_39, %dma_start3A_92] : memref<125x80xi32, #tpu.memory_space<vmem>> -> memref<1x80xi32, #tpu.memory_space<vmem>>
      %dma_start3A_94 = tpu.memref_squeeze %dma_start3A_93 : memref<1x80xi32, #tpu.memory_space<vmem>> -> memref<80xi32, #tpu.memory_space<vmem>>
      %dma_start3A_95 = arith.constant 0 : i32
      %dma_start3A_96 = arith.constant 0 : i32
      %dma_start3A_97 = tpu.memref_slice %arg11[%dma_start3A_95, %dma_start3A_96] : memref<10000x128xf32, #tpu.memory_space<vmem_shared>> -> memref<10000x128xf32, #tpu.memory_space<vmem_shared>>
      tpu.enqueue_indirect_dma source(%arg8 : memref<80x128xf32, #tpu.memory_space<vmem>>) target(%dma_start3A_97 : memref<10000x128xf32, #tpu.memory_space<vmem_shared>>) offsets(%dma_start3A_94 : memref<80xi32, #tpu.memory_space<vmem>>) semaphore(%run_scoped3A_91 : memref<!tpu.dma_semaphore, #tpu.memory_space<semaphore_mem>>) {add = true}
      %dma_wait3A_98 = arith.constant 0 : i32
      %dma_wait3A_99 = tpu.memref_slice %arg7[%run_scoped3A_39, %dma_wait3A_98] : memref<125x80xi32, #tpu.memory_space<vmem>> -> memref<1x80xi32, #tpu.memory_space<vmem>>
      %dma_wait3A_100 = tpu.memref_squeeze %dma_wait3A_99 : memref<1x80xi32, #tpu.memory_space<vmem>> -> memref<80xi32, #tpu.memory_space<vmem>>
      %dma_wait3A_101 = arith.constant 0 : i32
      %dma_wait3A_102 = arith.constant 0 : i32
      %dma_wait3A_103 = tpu.memref_slice %arg11[%dma_wait3A_101, %dma_wait3A_102] : memref<10000x128xf32, #tpu.memory_space<vmem_shared>> -> memref<10000x128xf32, #tpu.memory_space<vmem_shared>>
      tpu.wait_indirect_dma semaphore(%run_scoped3A_91 : memref<!tpu.dma_semaphore, #tpu.memory_space<semaphore_mem>>) src(%arg8 : memref<80x128xf32, #tpu.memory_space<vmem>>) dst(%dma_wait3A_103 : memref<10000x128xf32, #tpu.memory_space<vmem_shared>>)
      tpu.yield
    }) : () -> ()
    %dma_start3A_40 = arith.constant 123 : i32
    %dma_start3A_41 = arith.constant 0 : i32
    %dma_start3A_42 = tpu.memref_slice %arg6[%dma_start3A_40, %dma_start3A_41] : memref<125x80xi32, #tpu.memory_space<vmem>> -> memref<1x80xi32, #tpu.memory_space<vmem>>
    %dma_start3A_43 = tpu.memref_squeeze %dma_start3A_42 : memref<1x80xi32, #tpu.memory_space<vmem>> -> memref<80xi32, #tpu.memory_space<vmem>>
    %dma_start3A_44 = arith.constant 0 : i32
    %dma_start3A_45 = arith.constant 0 : i32
    %dma_start3A_46 = tpu.memref_slice %arg2[%dma_start3A_44, %dma_start3A_45] : memref<10000x128xf32, #tpu.memory_space<hbm>> -> memref<10000x128xf32, #tpu.memory_space<hbm>>
    tpu.enqueue_indirect_dma source(%dma_start3A_46 : memref<10000x128xf32, #tpu.memory_space<hbm>>) target(%arg8 : memref<80x128xf32, #tpu.memory_space<vmem>>) offsets(%dma_start3A_43 : memref<80xi32, #tpu.memory_space<vmem>>) semaphore(%arg12 : memref<!tpu.dma_semaphore, #tpu.memory_space<semaphore_mem>>)
    %dma_wait3A_47 = arith.constant 121 : i32
    %dma_wait3A_48 = arith.constant 0 : i32
    %dma_wait3A_49 = tpu.memref_slice %arg6[%dma_wait3A_47, %dma_wait3A_48] : memref<125x80xi32, #tpu.memory_space<vmem>> -> memref<1x80xi32, #tpu.memory_space<vmem>>
    %dma_wait3A_50 = tpu.memref_squeeze %dma_wait3A_49 : memref<1x80xi32, #tpu.memory_space<vmem>> -> memref<80xi32, #tpu.memory_space<vmem>>
    %dma_wait3A_51 = arith.constant 0 : i32
    %dma_wait3A_52 = arith.constant 0 : i32
    %dma_wait3A_53 = tpu.memref_slice %arg2[%dma_wait3A_51, %dma_wait3A_52] : memref<10000x128xf32, #tpu.memory_space<hbm>> -> memref<10000x128xf32, #tpu.memory_space<hbm>>
    tpu.wait_indirect_dma semaphore(%arg13 : memref<!tpu.dma_semaphore, #tpu.memory_space<semaphore_mem>>) src(%dma_wait3A_53 : memref<10000x128xf32, #tpu.memory_space<hbm>>) dst(%arg9 : memref<80x128xf32, #tpu.memory_space<vmem>>)
    %run_scoped3A_54 = arith.constant 121 : i32
    "tpu.region"() ({
      %run_scoped3A_91 = tpu.sem_alloc : memref<!tpu.dma_semaphore, #tpu.memory_space<semaphore_mem>>
      %dma_start3A_92 = arith.constant 0 : i32
      %dma_start3A_93 = tpu.memref_slice %arg7[%run_scoped3A_54, %dma_start3A_92] : memref<125x80xi32, #tpu.memory_space<vmem>> -> memref<1x80xi32, #tpu.memory_space<vmem>>
      %dma_start3A_94 = tpu.memref_squeeze %dma_start3A_93 : memref<1x80xi32, #tpu.memory_space<vmem>> -> memref<80xi32, #tpu.memory_space<vmem>>
      %dma_start3A_95 = arith.constant 0 : i32
      %dma_start3A_96 = arith.constant 0 : i32
      %dma_start3A_97 = tpu.memref_slice %arg11[%dma_start3A_95, %dma_start3A_96] : memref<10000x128xf32, #tpu.memory_space<vmem_shared>> -> memref<10000x128xf32, #tpu.memory_space<vmem_shared>>
      tpu.enqueue_indirect_dma source(%arg9 : memref<80x128xf32, #tpu.memory_space<vmem>>) target(%dma_start3A_97 : memref<10000x128xf32, #tpu.memory_space<vmem_shared>>) offsets(%dma_start3A_94 : memref<80xi32, #tpu.memory_space<vmem>>) semaphore(%run_scoped3A_91 : memref<!tpu.dma_semaphore, #tpu.memory_space<semaphore_mem>>) {add = true}
      %dma_wait3A_98 = arith.constant 0 : i32
      %dma_wait3A_99 = tpu.memref_slice %arg7[%run_scoped3A_54, %dma_wait3A_98] : memref<125x80xi32, #tpu.memory_space<vmem>> -> memref<1x80xi32, #tpu.memory_space<vmem>>
      %dma_wait3A_100 = tpu.memref_squeeze %dma_wait3A_99 : memref<1x80xi32, #tpu.memory_space<vmem>> -> memref<80xi32, #tpu.memory_space<vmem>>
      %dma_wait3A_101 = arith.constant 0 : i32
      %dma_wait3A_102 = arith.constant 0 : i32
      %dma_wait3A_103 = tpu.memref_slice %arg11[%dma_wait3A_101, %dma_wait3A_102] : memref<10000x128xf32, #tpu.memory_space<vmem_shared>> -> memref<10000x128xf32, #tpu.memory_space<vmem_shared>>
      tpu.wait_indirect_dma semaphore(%run_scoped3A_91 : memref<!tpu.dma_semaphore, #tpu.memory_space<semaphore_mem>>) src(%arg9 : memref<80x128xf32, #tpu.memory_space<vmem>>) dst(%dma_wait3A_103 : memref<10000x128xf32, #tpu.memory_space<vmem_shared>>)
      tpu.yield
    }) : () -> ()
    %dma_start3A_55 = arith.constant 124 : i32
    %dma_start3A_56 = arith.constant 0 : i32
    %dma_start3A_57 = tpu.memref_slice %arg6[%dma_start3A_55, %dma_start3A_56] : memref<125x80xi32, #tpu.memory_space<vmem>> -> memref<1x80xi32, #tpu.memory_space<vmem>>
    %dma_start3A_58 = tpu.memref_squeeze %dma_start3A_57 : memref<1x80xi32, #tpu.memory_space<vmem>> -> memref<80xi32, #tpu.memory_space<vmem>>
    %dma_start3A_59 = arith.constant 0 : i32
    %dma_start3A_60 = arith.constant 0 : i32
    %dma_start3A_61 = tpu.memref_slice %arg2[%dma_start3A_59, %dma_start3A_60] : memref<10000x128xf32, #tpu.memory_space<hbm>> -> memref<10000x128xf32, #tpu.memory_space<hbm>>
    tpu.enqueue_indirect_dma source(%dma_start3A_61 : memref<10000x128xf32, #tpu.memory_space<hbm>>) target(%arg9 : memref<80x128xf32, #tpu.memory_space<vmem>>) offsets(%dma_start3A_58 : memref<80xi32, #tpu.memory_space<vmem>>) semaphore(%arg13 : memref<!tpu.dma_semaphore, #tpu.memory_space<semaphore_mem>>)
    %dma_wait3A_62 = arith.constant 122 : i32
    %dma_wait3A_63 = arith.constant 0 : i32
    %dma_wait3A_64 = tpu.memref_slice %arg6[%dma_wait3A_62, %dma_wait3A_63] : memref<125x80xi32, #tpu.memory_space<vmem>> -> memref<1x80xi32, #tpu.memory_space<vmem>>
    %dma_wait3A_65 = tpu.memref_squeeze %dma_wait3A_64 : memref<1x80xi32, #tpu.memory_space<vmem>> -> memref<80xi32, #tpu.memory_space<vmem>>
    %dma_wait3A_66 = arith.constant 0 : i32
    %dma_wait3A_67 = arith.constant 0 : i32
    %dma_wait3A_68 = tpu.memref_slice %arg2[%dma_wait3A_66, %dma_wait3A_67] : memref<10000x128xf32, #tpu.memory_space<hbm>> -> memref<10000x128xf32, #tpu.memory_space<hbm>>
    tpu.wait_indirect_dma semaphore(%arg14 : memref<!tpu.dma_semaphore, #tpu.memory_space<semaphore_mem>>) src(%dma_wait3A_68 : memref<10000x128xf32, #tpu.memory_space<hbm>>) dst(%arg10 : memref<80x128xf32, #tpu.memory_space<vmem>>)
    %run_scoped3A_69 = arith.constant 122 : i32
    "tpu.region"() ({
      %run_scoped3A_91 = tpu.sem_alloc : memref<!tpu.dma_semaphore, #tpu.memory_space<semaphore_mem>>
      %dma_start3A_92 = arith.constant 0 : i32
      %dma_start3A_93 = tpu.memref_slice %arg7[%run_scoped3A_69, %dma_start3A_92] : memref<125x80xi32, #tpu.memory_space<vmem>> -> memref<1x80xi32, #tpu.memory_space<vmem>>
      %dma_start3A_94 = tpu.memref_squeeze %dma_start3A_93 : memref<1x80xi32, #tpu.memory_space<vmem>> -> memref<80xi32, #tpu.memory_space<vmem>>
      %dma_start3A_95 = arith.constant 0 : i32
      %dma_start3A_96 = arith.constant 0 : i32
      %dma_start3A_97 = tpu.memref_slice %arg11[%dma_start3A_95, %dma_start3A_96] : memref<10000x128xf32, #tpu.memory_space<vmem_shared>> -> memref<10000x128xf32, #tpu.memory_space<vmem_shared>>
      tpu.enqueue_indirect_dma source(%arg10 : memref<80x128xf32, #tpu.memory_space<vmem>>) target(%dma_start3A_97 : memref<10000x128xf32, #tpu.memory_space<vmem_shared>>) offsets(%dma_start3A_94 : memref<80xi32, #tpu.memory_space<vmem>>) semaphore(%run_scoped3A_91 : memref<!tpu.dma_semaphore, #tpu.memory_space<semaphore_mem>>) {add = true}
      %dma_wait3A_98 = arith.constant 0 : i32
      %dma_wait3A_99 = tpu.memref_slice %arg7[%run_scoped3A_69, %dma_wait3A_98] : memref<125x80xi32, #tpu.memory_space<vmem>> -> memref<1x80xi32, #tpu.memory_space<vmem>>
      %dma_wait3A_100 = tpu.memref_squeeze %dma_wait3A_99 : memref<1x80xi32, #tpu.memory_space<vmem>> -> memref<80xi32, #tpu.memory_space<vmem>>
      %dma_wait3A_101 = arith.constant 0 : i32
      %dma_wait3A_102 = arith.constant 0 : i32
      %dma_wait3A_103 = tpu.memref_slice %arg11[%dma_wait3A_101, %dma_wait3A_102] : memref<10000x128xf32, #tpu.memory_space<vmem_shared>> -> memref<10000x128xf32, #tpu.memory_space<vmem_shared>>
      tpu.wait_indirect_dma semaphore(%run_scoped3A_91 : memref<!tpu.dma_semaphore, #tpu.memory_space<semaphore_mem>>) src(%arg10 : memref<80x128xf32, #tpu.memory_space<vmem>>) dst(%dma_wait3A_103 : memref<10000x128xf32, #tpu.memory_space<vmem_shared>>)
      tpu.yield
    }) : () -> ()
    %dma_wait3A_70 = arith.constant 123 : i32
    %dma_wait3A_71 = arith.constant 0 : i32
    %dma_wait3A_72 = tpu.memref_slice %arg6[%dma_wait3A_70, %dma_wait3A_71] : memref<125x80xi32, #tpu.memory_space<vmem>> -> memref<1x80xi32, #tpu.memory_space<vmem>>
    %dma_wait3A_73 = tpu.memref_squeeze %dma_wait3A_72 : memref<1x80xi32, #tpu.memory_space<vmem>> -> memref<80xi32, #tpu.memory_space<vmem>>
    %dma_wait3A_74 = arith.constant 0 : i32
    %dma_wait3A_75 = arith.constant 0 : i32
    %dma_wait3A_76 = tpu.memref_slice %arg2[%dma_wait3A_74, %dma_wait3A_75] : memref<10000x128xf32, #tpu.memory_space<hbm>> -> memref<10000x128xf32, #tpu.memory_space<hbm>>
    tpu.wait_indirect_dma semaphore(%arg12 : memref<!tpu.dma_semaphore, #tpu.memory_space<semaphore_mem>>) src(%dma_wait3A_76 : memref<10000x128xf32, #tpu.memory_space<hbm>>) dst(%arg8 : memref<80x128xf32, #tpu.memory_space<vmem>>)
    %run_scoped3A_77 = arith.constant 123 : i32
    "tpu.region"() ({
      %run_scoped3A_91 = tpu.sem_alloc : memref<!tpu.dma_semaphore, #tpu.memory_space<semaphore_mem>>
      %dma_start3A_92 = arith.constant 0 : i32
      %dma_start3A_93 = tpu.memref_slice %arg7[%run_scoped3A_77, %dma_start3A_92] : memref<125x80xi32, #tpu.memory_space<vmem>> -> memref<1x80xi32, #tpu.memory_space<vmem>>
      %dma_start3A_94 = tpu.memref_squeeze %dma_start3A_93 : memref<1x80xi32, #tpu.memory_space<vmem>> -> memref<80xi32, #tpu.memory_space<vmem>>
      %dma_start3A_95 = arith.constant 0 : i32
      %dma_start3A_96 = arith.constant 0 : i32
      %dma_start3A_97 = tpu.memref_slice %arg11[%dma_start3A_95, %dma_start3A_96] : memref<10000x128xf32, #tpu.memory_space<vmem_shared>> -> memref<10000x128xf32, #tpu.memory_space<vmem_shared>>
      tpu.enqueue_indirect_dma source(%arg8 : memref<80x128xf32, #tpu.memory_space<vmem>>) target(%dma_start3A_97 : memref<10000x128xf32, #tpu.memory_space<vmem_shared>>) offsets(%dma_start3A_94 : memref<80xi32, #tpu.memory_space<vmem>>) semaphore(%run_scoped3A_91 : memref<!tpu.dma_semaphore, #tpu.memory_space<semaphore_mem>>) {add = true}
      %dma_wait3A_98 = arith.constant 0 : i32
      %dma_wait3A_99 = tpu.memref_slice %arg7[%run_scoped3A_77, %dma_wait3A_98] : memref<125x80xi32, #tpu.memory_space<vmem>> -> memref<1x80xi32, #tpu.memory_space<vmem>>
      %dma_wait3A_100 = tpu.memref_squeeze %dma_wait3A_99 : memref<1x80xi32, #tpu.memory_space<vmem>> -> memref<80xi32, #tpu.memory_space<vmem>>
      %dma_wait3A_101 = arith.constant 0 : i32
      %dma_wait3A_102 = arith.constant 0 : i32
      %dma_wait3A_103 = tpu.memref_slice %arg11[%dma_wait3A_101, %dma_wait3A_102] : memref<10000x128xf32, #tpu.memory_space<vmem_shared>> -> memref<10000x128xf32, #tpu.memory_space<vmem_shared>>
      tpu.wait_indirect_dma semaphore(%run_scoped3A_91 : memref<!tpu.dma_semaphore, #tpu.memory_space<semaphore_mem>>) src(%arg8 : memref<80x128xf32, #tpu.memory_space<vmem>>) dst(%dma_wait3A_103 : memref<10000x128xf32, #tpu.memory_space<vmem_shared>>)
      tpu.yield
    }) : () -> ()
    %dma_wait3A_78 = arith.constant 124 : i32
    %dma_wait3A_79 = arith.constant 0 : i32
    %dma_wait3A_80 = tpu.memref_slice %arg6[%dma_wait3A_78, %dma_wait3A_79] : memref<125x80xi32, #tpu.memory_space<vmem>> -> memref<1x80xi32, #tpu.memory_space<vmem>>
    %dma_wait3A_81 = tpu.memref_squeeze %dma_wait3A_80 : memref<1x80xi32, #tpu.memory_space<vmem>> -> memref<80xi32, #tpu.memory_space<vmem>>
    %dma_wait3A_82 = arith.constant 0 : i32
    %dma_wait3A_83 = arith.constant 0 : i32
    %dma_wait3A_84 = tpu.memref_slice %arg2[%dma_wait3A_82, %dma_wait3A_83] : memref<10000x128xf32, #tpu.memory_space<hbm>> -> memref<10000x128xf32, #tpu.memory_space<hbm>>
    tpu.wait_indirect_dma semaphore(%arg13 : memref<!tpu.dma_semaphore, #tpu.memory_space<semaphore_mem>>) src(%dma_wait3A_84 : memref<10000x128xf32, #tpu.memory_space<hbm>>) dst(%arg9 : memref<80x128xf32, #tpu.memory_space<vmem>>)
    %run_scoped3A_85 = arith.constant 124 : i32
    "tpu.region"() ({
      %run_scoped3A_91 = tpu.sem_alloc : memref<!tpu.dma_semaphore, #tpu.memory_space<semaphore_mem>>
      %dma_start3A_92 = arith.constant 0 : i32
      %dma_start3A_93 = tpu.memref_slice %arg7[%run_scoped3A_85, %dma_start3A_92] : memref<125x80xi32, #tpu.memory_space<vmem>> -> memref<1x80xi32, #tpu.memory_space<vmem>>
      %dma_start3A_94 = tpu.memref_squeeze %dma_start3A_93 : memref<1x80xi32, #tpu.memory_space<vmem>> -> memref<80xi32, #tpu.memory_space<vmem>>
      %dma_start3A_95 = arith.constant 0 : i32
      %dma_start3A_96 = arith.constant 0 : i32
      %dma_start3A_97 = tpu.memref_slice %arg11[%dma_start3A_95, %dma_start3A_96] : memref<10000x128xf32, #tpu.memory_space<vmem_shared>> -> memref<10000x128xf32, #tpu.memory_space<vmem_shared>>
      tpu.enqueue_indirect_dma source(%arg9 : memref<80x128xf32, #tpu.memory_space<vmem>>) target(%dma_start3A_97 : memref<10000x128xf32, #tpu.memory_space<vmem_shared>>) offsets(%dma_start3A_94 : memref<80xi32, #tpu.memory_space<vmem>>) semaphore(%run_scoped3A_91 : memref<!tpu.dma_semaphore, #tpu.memory_space<semaphore_mem>>) {add = true}
      %dma_wait3A_98 = arith.constant 0 : i32
      %dma_wait3A_99 = tpu.memref_slice %arg7[%run_scoped3A_85, %dma_wait3A_98] : memref<125x80xi32, #tpu.memory_space<vmem>> -> memref<1x80xi32, #tpu.memory_space<vmem>>
      %dma_wait3A_100 = tpu.memref_squeeze %dma_wait3A_99 : memref<1x80xi32, #tpu.memory_space<vmem>> -> memref<80xi32, #tpu.memory_space<vmem>>
      %dma_wait3A_101 = arith.constant 0 : i32
      %dma_wait3A_102 = arith.constant 0 : i32
      %dma_wait3A_103 = tpu.memref_slice %arg11[%dma_wait3A_101, %dma_wait3A_102] : memref<10000x128xf32, #tpu.memory_space<vmem_shared>> -> memref<10000x128xf32, #tpu.memory_space<vmem_shared>>
      tpu.wait_indirect_dma semaphore(%run_scoped3A_91 : memref<!tpu.dma_semaphore, #tpu.memory_space<semaphore_mem>>) src(%arg9 : memref<80x128xf32, #tpu.memory_space<vmem>>) dst(%dma_wait3A_103 : memref<10000x128xf32, #tpu.memory_space<vmem_shared>>)
      tpu.yield
    }) : () -> ()
    %barrier3A_86 = arith.constant 0 : index
    tpu.barrier barrier_id(%barrier3A_86)
    %mul3A_87 = arith.constant 625 : i32
    %mul3A_88 = arith.muli %arg1, %mul3A_87 : i32
    %mul3A_89 = arith.constant 625 : i32
    %mul3A_90 = arith.muli %arg1, %mul3A_89 : i32
    "tpu.region"() ({
      %run_scoped3A_91 = tpu.sem_alloc : memref<!tpu.dma_semaphore, #tpu.memory_space<semaphore_mem>>
      %dma_start3A_92 = arith.constant 0 : i32
      %dma_start3A_93 = tpu.memref_slice %arg5[%arg0, %mul3A_90, %dma_start3A_92] : memref<2x10000x128xf32, #tpu.memory_space<hbm>> -> memref<1x625x128xf32, #tpu.memory_space<hbm>>
      %dma_start3A_94 = tpu.memref_squeeze %dma_start3A_93 : memref<1x625x128xf32, #tpu.memory_space<hbm>> -> memref<625x128xf32, #tpu.memory_space<hbm>>
      %dma_start3A_95 = arith.constant 0 : i32
      %dma_start3A_96 = tpu.memref_slice %arg11[%mul3A_88, %dma_start3A_95] : memref<10000x128xf32, #tpu.memory_space<vmem_shared>> -> memref<625x128xf32, #tpu.memory_space<vmem_shared>>
      tpu.enqueue_dma source(%dma_start3A_96 : memref<625x128xf32, #tpu.memory_space<vmem_shared>>) target(%dma_start3A_94 : memref<625x128xf32, #tpu.memory_space<hbm>>) target_semaphore(%run_scoped3A_91 : memref<!tpu.dma_semaphore, #tpu.memory_space<semaphore_mem>>)
      %dma_wait3A_97 = arith.constant 0 : i32
      %dma_wait3A_98 = tpu.memref_slice %arg5[%arg0, %mul3A_90, %dma_wait3A_97] : memref<2x10000x128xf32, #tpu.memory_space<hbm>> -> memref<1x625x128xf32, #tpu.memory_space<hbm>>
      %dma_wait3A_99 = tpu.memref_squeeze %dma_wait3A_98 : memref<1x625x128xf32, #tpu.memory_space<hbm>> -> memref<625x128xf32, #tpu.memory_space<hbm>>
      %dma_wait3A_100 = arith.constant 0 : i32
      %dma_wait3A_101 = tpu.memref_slice %arg11[%mul3A_88, %dma_wait3A_100] : memref<10000x128xf32, #tpu.memory_space<vmem_shared>> -> memref<625x128xf32, #tpu.memory_space<vmem_shared>>
      tpu.wait_dma2 semaphore(%run_scoped3A_91 : memref<!tpu.dma_semaphore, #tpu.memory_space<semaphore_mem>>) src(%dma_wait3A_101 : memref<625x128xf32, #tpu.memory_space<vmem_shared>>) dst(%dma_wait3A_99 : memref<625x128xf32, #tpu.memory_space<hbm>>)
      tpu.yield
    }) : () -> ()
    return
  }
}

#map = affine_map<(d0, d1) -> (0, 0)>
#map1 = affine_map<(d0, d1) -> (0, 0, 0, 0)>
#map2 = affine_map<(d0, d1) -> (0, 0, 0)>
module attributes {stable_mosaic.version = 14 : i64} {
  func.func @k(%arg0: i32, %arg1: i32, %arg2: memref<10000x64xf32, #tpu.memory_space<hbm>>, %arg3: memref<10000x64xf32, #tpu.memory_space<hbm>>, %arg4: memref<2x32x125x80xi32, #tpu.memory_space<hbm>>, %arg5: memref<2x10000x64xf32, #tpu.memory_space<hbm>>, %arg6: memref<125x80xi32, #tpu.memory_space<vmem>>, %arg7: memref<125x80xi32, #tpu.memory_space<vmem>>, %arg8: memref<80x64xf32, #tpu.memory_space<vmem>>, %arg9: memref<80x64xf32, #tpu.memory_space<vmem>>, %arg10: memref<80x64xf32, #tpu.memory_space<vmem>>, %arg11: memref<80x64xf32, #tpu.memory_space<vmem>>, %arg12: memref<80x64xf32, #tpu.memory_space<vmem>>, %arg13: memref<10000x64xf32, #tpu.memory_space<vmem_shared>>, %arg14: memref<!tpu.dma_semaphore, #tpu.memory_space<semaphore_mem>>, %arg15: memref<!tpu.dma_semaphore, #tpu.memory_space<semaphore_mem>>, %arg16: memref<!tpu.dma_semaphore, #tpu.memory_space<semaphore_mem>>, %arg17: memref<!tpu.dma_semaphore, #tpu.memory_space<semaphore_mem>>, %arg18: memref<!tpu.dma_semaphore, #tpu.memory_space<semaphore_mem>>) attributes {dimension_semantics = [#tpu.dimension_semantics<core_parallel>, #tpu.dimension_semantics<subcore_parallel>], iteration_bounds = array<i64: 2, 16>, scalar_prefetch = 0 : i64, scratch_operands = 13 : i64, tpu.core_type = #tpu.core_type<sc_vector_subcore>, window_params = [{transform_indices = #map}, {transform_indices = #map}, {transform_indices = #map1}, {transform_indices = #map2}]} {
    %mul3A = arith.constant 16 : i32
    %mul3A_0 = arith.muli %arg0, %mul3A : i32
    %add3A = arith.addi %mul3A_0, %arg1 : i32
    %run_scoped3A = arith.constant 0 : i32
    "tpu.region"() ({
      %run_scoped3A_91 = tpu.sem_alloc : memref<!tpu.dma_semaphore, #tpu.memory_space<semaphore_mem>>
      %dma_start3A_92 = arith.constant 0 : i32
      %dma_start3A_93 = arith.constant 0 : i32
      %dma_start3A_94 = tpu.memref_slice %arg4[%run_scoped3A, %add3A, %dma_start3A_92, %dma_start3A_93] : memref<2x32x125x80xi32, #tpu.memory_space<hbm>> -> memref<1x1x125x80xi32, #tpu.memory_space<hbm>>
      %dma_start3A_95 = tpu.memref_squeeze %dma_start3A_94 : memref<1x1x125x80xi32, #tpu.memory_space<hbm>> -> memref<125x80xi32, #tpu.memory_space<hbm>>
      %dma_start3A_96 = arith.constant 0 : i32
      %dma_start3A_97 = arith.constant 0 : i32
      %dma_start3A_98 = tpu.memref_slice %arg4[%run_scoped3A, %add3A, %dma_start3A_96, %dma_start3A_97] : memref<2x32x125x80xi32, #tpu.memory_space<hbm>> -> memref<1x1x125x80xi32, #tpu.memory_space<hbm>>
      %dma_start3A_99 = tpu.memref_squeeze %dma_start3A_98 : memref<1x1x125x80xi32, #tpu.memory_space<hbm>> -> memref<125x80xi32, #tpu.memory_space<hbm>>
      tpu.enqueue_dma source(%dma_start3A_99 : memref<125x80xi32, #tpu.memory_space<hbm>>) target(%arg6 : memref<125x80xi32, #tpu.memory_space<vmem>>) target_semaphore(%run_scoped3A_91 : memref<!tpu.dma_semaphore, #tpu.memory_space<semaphore_mem>>)
      %dma_wait3A_100 = arith.constant 0 : i32
      %dma_wait3A_101 = arith.constant 0 : i32
      %dma_wait3A_102 = tpu.memref_slice %arg4[%run_scoped3A, %add3A, %dma_wait3A_100, %dma_wait3A_101] : memref<2x32x125x80xi32, #tpu.memory_space<hbm>> -> memref<1x1x125x80xi32, #tpu.memory_space<hbm>>
      %dma_wait3A_103 = tpu.memref_squeeze %dma_wait3A_102 : memref<1x1x125x80xi32, #tpu.memory_space<hbm>> -> memref<125x80xi32, #tpu.memory_space<hbm>>
      %dma_wait3A_104 = arith.constant 0 : i32
      %dma_wait3A_105 = arith.constant 0 : i32
      %dma_wait3A_106 = tpu.memref_slice %arg4[%run_scoped3A, %add3A, %dma_wait3A_104, %dma_wait3A_105] : memref<2x32x125x80xi32, #tpu.memory_space<hbm>> -> memref<1x1x125x80xi32, #tpu.memory_space<hbm>>
      %dma_wait3A_107 = tpu.memref_squeeze %dma_wait3A_106 : memref<1x1x125x80xi32, #tpu.memory_space<hbm>> -> memref<125x80xi32, #tpu.memory_space<hbm>>
      tpu.wait_dma2 semaphore(%run_scoped3A_91 : memref<!tpu.dma_semaphore, #tpu.memory_space<semaphore_mem>>) src(%dma_wait3A_107 : memref<125x80xi32, #tpu.memory_space<hbm>>) dst(%arg6 : memref<125x80xi32, #tpu.memory_space<vmem>>)
      tpu.yield
    }) : () -> ()
    %run_scoped3A_1 = arith.constant 1 : i32
    "tpu.region"() ({
      %run_scoped3A_91 = tpu.sem_alloc : memref<!tpu.dma_semaphore, #tpu.memory_space<semaphore_mem>>
      %dma_start3A_92 = arith.constant 0 : i32
      %dma_start3A_93 = arith.constant 0 : i32
      %dma_start3A_94 = tpu.memref_slice %arg4[%run_scoped3A_1, %add3A, %dma_start3A_92, %dma_start3A_93] : memref<2x32x125x80xi32, #tpu.memory_space<hbm>> -> memref<1x1x125x80xi32, #tpu.memory_space<hbm>>
      %dma_start3A_95 = tpu.memref_squeeze %dma_start3A_94 : memref<1x1x125x80xi32, #tpu.memory_space<hbm>> -> memref<125x80xi32, #tpu.memory_space<hbm>>
      %dma_start3A_96 = arith.constant 0 : i32
      %dma_start3A_97 = arith.constant 0 : i32
      %dma_start3A_98 = tpu.memref_slice %arg4[%run_scoped3A_1, %add3A, %dma_start3A_96, %dma_start3A_97] : memref<2x32x125x80xi32, #tpu.memory_space<hbm>> -> memref<1x1x125x80xi32, #tpu.memory_space<hbm>>
      %dma_start3A_99 = tpu.memref_squeeze %dma_start3A_98 : memref<1x1x125x80xi32, #tpu.memory_space<hbm>> -> memref<125x80xi32, #tpu.memory_space<hbm>>
      tpu.enqueue_dma source(%dma_start3A_99 : memref<125x80xi32, #tpu.memory_space<hbm>>) target(%arg7 : memref<125x80xi32, #tpu.memory_space<vmem>>) target_semaphore(%run_scoped3A_91 : memref<!tpu.dma_semaphore, #tpu.memory_space<semaphore_mem>>)
      %dma_wait3A_100 = arith.constant 0 : i32
      %dma_wait3A_101 = arith.constant 0 : i32
      %dma_wait3A_102 = tpu.memref_slice %arg4[%run_scoped3A_1, %add3A, %dma_wait3A_100, %dma_wait3A_101] : memref<2x32x125x80xi32, #tpu.memory_space<hbm>> -> memref<1x1x125x80xi32, #tpu.memory_space<hbm>>
      %dma_wait3A_103 = tpu.memref_squeeze %dma_wait3A_102 : memref<1x1x125x80xi32, #tpu.memory_space<hbm>> -> memref<125x80xi32, #tpu.memory_space<hbm>>
      %dma_wait3A_104 = arith.constant 0 : i32
      %dma_wait3A_105 = arith.constant 0 : i32
      %dma_wait3A_106 = tpu.memref_slice %arg4[%run_scoped3A_1, %add3A, %dma_wait3A_104, %dma_wait3A_105] : memref<2x32x125x80xi32, #tpu.memory_space<hbm>> -> memref<1x1x125x80xi32, #tpu.memory_space<hbm>>
      %dma_wait3A_107 = tpu.memref_squeeze %dma_wait3A_106 : memref<1x1x125x80xi32, #tpu.memory_space<hbm>> -> memref<125x80xi32, #tpu.memory_space<hbm>>
      tpu.wait_dma2 semaphore(%run_scoped3A_91 : memref<!tpu.dma_semaphore, #tpu.memory_space<semaphore_mem>>) src(%dma_wait3A_107 : memref<125x80xi32, #tpu.memory_space<hbm>>) dst(%arg7 : memref<125x80xi32, #tpu.memory_space<vmem>>)
      tpu.yield
    }) : () -> ()
    %eq3A = arith.constant 0 : i32
    %eq3A_2 = arith.cmpi eq, %arg0, %eq3A : i32
    %convert_element_type3A = arith.extui %eq3A_2 : i1 to i32
    %cond3A = arith.constant 0 : i32
    %cond3A_3 = arith.cmpi ne, %convert_element_type3A, %cond3A : i32
    scf.if %cond3A_3 {
      %mul3A_91 = arith.constant 625 : i32
      %mul3A_92 = arith.muli %arg1, %mul3A_91 : i32
      %mul3A_93 = arith.constant 625 : i32
      %mul3A_94 = arith.muli %arg1, %mul3A_93 : i32
      "tpu.region"() ({
        %run_scoped3A_95 = tpu.sem_alloc : memref<!tpu.dma_semaphore, #tpu.memory_space<semaphore_mem>>
        %dma_start3A_96 = arith.constant 0 : i32
        %dma_start3A_97 = tpu.memref_slice %arg13[%mul3A_94, %dma_start3A_96] : memref<10000x64xf32, #tpu.memory_space<vmem_shared>> -> memref<625x64xf32, #tpu.memory_space<vmem_shared>>
        %dma_start3A_98 = arith.constant 0 : i32
        %dma_start3A_99 = tpu.memref_slice %arg2[%mul3A_92, %dma_start3A_98] : memref<10000x64xf32, #tpu.memory_space<hbm>> -> memref<625x64xf32, #tpu.memory_space<hbm>>
        tpu.enqueue_dma source(%dma_start3A_99 : memref<625x64xf32, #tpu.memory_space<hbm>>) target(%dma_start3A_97 : memref<625x64xf32, #tpu.memory_space<vmem_shared>>) target_semaphore(%run_scoped3A_95 : memref<!tpu.dma_semaphore, #tpu.memory_space<semaphore_mem>>)
        %dma_wait3A_100 = arith.constant 0 : i32
        %dma_wait3A_101 = tpu.memref_slice %arg13[%mul3A_94, %dma_wait3A_100] : memref<10000x64xf32, #tpu.memory_space<vmem_shared>> -> memref<625x64xf32, #tpu.memory_space<vmem_shared>>
        %dma_wait3A_102 = arith.constant 0 : i32
        %dma_wait3A_103 = tpu.memref_slice %arg2[%mul3A_92, %dma_wait3A_102] : memref<10000x64xf32, #tpu.memory_space<hbm>> -> memref<625x64xf32, #tpu.memory_space<hbm>>
        tpu.wait_dma2 semaphore(%run_scoped3A_95 : memref<!tpu.dma_semaphore, #tpu.memory_space<semaphore_mem>>) src(%dma_wait3A_103 : memref<625x64xf32, #tpu.memory_space<hbm>>) dst(%dma_wait3A_101 : memref<625x64xf32, #tpu.memory_space<vmem_shared>>)
        tpu.yield
      }) : () -> ()
    } else {
    }
    %eq3A_4 = arith.constant 1 : i32
    %eq3A_5 = arith.cmpi eq, %arg0, %eq3A_4 : i32
    %convert_element_type3A_6 = arith.extui %eq3A_5 : i1 to i32
    %cond3A_7 = arith.constant 0 : i32
    %cond3A_8 = arith.cmpi ne, %convert_element_type3A_6, %cond3A_7 : i32
    scf.if %cond3A_8 {
      %mul3A_91 = arith.constant 625 : i32
      %mul3A_92 = arith.muli %arg1, %mul3A_91 : i32
      %mul3A_93 = arith.constant 625 : i32
      %mul3A_94 = arith.muli %arg1, %mul3A_93 : i32
      "tpu.region"() ({
        %run_scoped3A_95 = tpu.sem_alloc : memref<!tpu.dma_semaphore, #tpu.memory_space<semaphore_mem>>
        %dma_start3A_96 = arith.constant 0 : i32
        %dma_start3A_97 = tpu.memref_slice %arg13[%mul3A_94, %dma_start3A_96] : memref<10000x64xf32, #tpu.memory_space<vmem_shared>> -> memref<625x64xf32, #tpu.memory_space<vmem_shared>>
        %dma_start3A_98 = arith.constant 0 : i32
        %dma_start3A_99 = tpu.memref_slice %arg3[%mul3A_92, %dma_start3A_98] : memref<10000x64xf32, #tpu.memory_space<hbm>> -> memref<625x64xf32, #tpu.memory_space<hbm>>
        tpu.enqueue_dma source(%dma_start3A_99 : memref<625x64xf32, #tpu.memory_space<hbm>>) target(%dma_start3A_97 : memref<625x64xf32, #tpu.memory_space<vmem_shared>>) target_semaphore(%run_scoped3A_95 : memref<!tpu.dma_semaphore, #tpu.memory_space<semaphore_mem>>)
        %dma_wait3A_100 = arith.constant 0 : i32
        %dma_wait3A_101 = tpu.memref_slice %arg13[%mul3A_94, %dma_wait3A_100] : memref<10000x64xf32, #tpu.memory_space<vmem_shared>> -> memref<625x64xf32, #tpu.memory_space<vmem_shared>>
        %dma_wait3A_102 = arith.constant 0 : i32
        %dma_wait3A_103 = tpu.memref_slice %arg3[%mul3A_92, %dma_wait3A_102] : memref<10000x64xf32, #tpu.memory_space<hbm>> -> memref<625x64xf32, #tpu.memory_space<hbm>>
        tpu.wait_dma2 semaphore(%run_scoped3A_95 : memref<!tpu.dma_semaphore, #tpu.memory_space<semaphore_mem>>) src(%dma_wait3A_103 : memref<625x64xf32, #tpu.memory_space<hbm>>) dst(%dma_wait3A_101 : memref<625x64xf32, #tpu.memory_space<vmem_shared>>)
        tpu.yield
      }) : () -> ()
    } else {
    }
    %barrier3A = arith.constant 0 : index
    tpu.barrier barrier_id(%barrier3A)
    %dma_start3A = arith.constant 0 : i32
    %dma_start3A_9 = arith.constant 0 : i32
    %dma_start3A_10 = tpu.memref_slice %arg6[%dma_start3A, %dma_start3A_9] : memref<125x80xi32, #tpu.memory_space<vmem>> -> memref<1x80xi32, #tpu.memory_space<vmem>>
    %dma_start3A_11 = tpu.memref_squeeze %dma_start3A_10 : memref<1x80xi32, #tpu.memory_space<vmem>> -> memref<80xi32, #tpu.memory_space<vmem>>
    %dma_start3A_12 = arith.constant 0 : i32
    %dma_start3A_13 = arith.constant 0 : i32
    %dma_start3A_14 = tpu.memref_slice %arg2[%dma_start3A_12, %dma_start3A_13] : memref<10000x64xf32, #tpu.memory_space<hbm>> -> memref<10000x64xf32, #tpu.memory_space<hbm>>
    tpu.enqueue_indirect_dma source(%dma_start3A_14 : memref<10000x64xf32, #tpu.memory_space<hbm>>) target(%arg8 : memref<80x64xf32, #tpu.memory_space<vmem>>) offsets(%dma_start3A_11 : memref<80xi32, #tpu.memory_space<vmem>>) semaphore(%arg14 : memref<!tpu.dma_semaphore, #tpu.memory_space<semaphore_mem>>)
    %dma_start3A_15 = arith.constant 1 : i32
    %dma_start3A_16 = arith.constant 0 : i32
    %dma_start3A_17 = tpu.memref_slice %arg6[%dma_start3A_15, %dma_start3A_16] : memref<125x80xi32, #tpu.memory_space<vmem>> -> memref<1x80xi32, #tpu.memory_space<vmem>>
    %dma_start3A_18 = tpu.memref_squeeze %dma_start3A_17 : memref<1x80xi32, #tpu.memory_space<vmem>> -> memref<80xi32, #tpu.memory_space<vmem>>
    %dma_start3A_19 = arith.constant 0 : i32
    %dma_start3A_20 = arith.constant 0 : i32
    %dma_start3A_21 = tpu.memref_slice %arg2[%dma_start3A_19, %dma_start3A_20] : memref<10000x64xf32, #tpu.memory_space<hbm>> -> memref<10000x64xf32, #tpu.memory_space<hbm>>
    tpu.enqueue_indirect_dma source(%dma_start3A_21 : memref<10000x64xf32, #tpu.memory_space<hbm>>) target(%arg9 : memref<80x64xf32, #tpu.memory_space<vmem>>) offsets(%dma_start3A_18 : memref<80xi32, #tpu.memory_space<vmem>>) semaphore(%arg15 : memref<!tpu.dma_semaphore, #tpu.memory_space<semaphore_mem>>)
    %dma_start3A_22 = arith.constant 2 : i32
    %dma_start3A_23 = arith.constant 0 : i32
    %dma_start3A_24 = tpu.memref_slice %arg6[%dma_start3A_22, %dma_start3A_23] : memref<125x80xi32, #tpu.memory_space<vmem>> -> memref<1x80xi32, #tpu.memory_space<vmem>>
    %dma_start3A_25 = tpu.memref_squeeze %dma_start3A_24 : memref<1x80xi32, #tpu.memory_space<vmem>> -> memref<80xi32, #tpu.memory_space<vmem>>
    %dma_start3A_26 = arith.constant 0 : i32
    %dma_start3A_27 = arith.constant 0 : i32
    %dma_start3A_28 = tpu.memref_slice %arg2[%dma_start3A_26, %dma_start3A_27] : memref<10000x64xf32, #tpu.memory_space<hbm>> -> memref<10000x64xf32, #tpu.memory_space<hbm>>
    tpu.enqueue_indirect_dma source(%dma_start3A_28 : memref<10000x64xf32, #tpu.memory_space<hbm>>) target(%arg10 : memref<80x64xf32, #tpu.memory_space<vmem>>) offsets(%dma_start3A_25 : memref<80xi32, #tpu.memory_space<vmem>>) semaphore(%arg16 : memref<!tpu.dma_semaphore, #tpu.memory_space<semaphore_mem>>)
    %dma_start3A_29 = arith.constant 3 : i32
    %dma_start3A_30 = arith.constant 0 : i32
    %dma_start3A_31 = tpu.memref_slice %arg6[%dma_start3A_29, %dma_start3A_30] : memref<125x80xi32, #tpu.memory_space<vmem>> -> memref<1x80xi32, #tpu.memory_space<vmem>>
    %dma_start3A_32 = tpu.memref_squeeze %dma_start3A_31 : memref<1x80xi32, #tpu.memory_space<vmem>> -> memref<80xi32, #tpu.memory_space<vmem>>
    %dma_start3A_33 = arith.constant 0 : i32
    %dma_start3A_34 = arith.constant 0 : i32
    %dma_start3A_35 = tpu.memref_slice %arg2[%dma_start3A_33, %dma_start3A_34] : memref<10000x64xf32, #tpu.memory_space<hbm>> -> memref<10000x64xf32, #tpu.memory_space<hbm>>
    tpu.enqueue_indirect_dma source(%dma_start3A_35 : memref<10000x64xf32, #tpu.memory_space<hbm>>) target(%arg11 : memref<80x64xf32, #tpu.memory_space<vmem>>) offsets(%dma_start3A_32 : memref<80xi32, #tpu.memory_space<vmem>>) semaphore(%arg17 : memref<!tpu.dma_semaphore, #tpu.memory_space<semaphore_mem>>)
    %dma_start3A_36 = arith.constant 4 : i32
    %dma_start3A_37 = arith.constant 0 : i32
    %dma_start3A_38 = tpu.memref_slice %arg6[%dma_start3A_36, %dma_start3A_37] : memref<125x80xi32, #tpu.memory_space<vmem>> -> memref<1x80xi32, #tpu.memory_space<vmem>>
    %dma_start3A_39 = tpu.memref_squeeze %dma_start3A_38 : memref<1x80xi32, #tpu.memory_space<vmem>> -> memref<80xi32, #tpu.memory_space<vmem>>
    %dma_start3A_40 = arith.constant 0 : i32
    %dma_start3A_41 = arith.constant 0 : i32
    %dma_start3A_42 = tpu.memref_slice %arg2[%dma_start3A_40, %dma_start3A_41] : memref<10000x64xf32, #tpu.memory_space<hbm>> -> memref<10000x64xf32, #tpu.memory_space<hbm>>
    tpu.enqueue_indirect_dma source(%dma_start3A_42 : memref<10000x64xf32, #tpu.memory_space<hbm>>) target(%arg12 : memref<80x64xf32, #tpu.memory_space<vmem>>) offsets(%dma_start3A_39 : memref<80xi32, #tpu.memory_space<vmem>>) semaphore(%arg18 : memref<!tpu.dma_semaphore, #tpu.memory_space<semaphore_mem>>)
    %scan3A = arith.constant 0 : i32
    %scan3A_43 = arith.constant 24 : i32
    %scan3A_44 = arith.addi %scan3A, %scan3A_43 : i32
    %scan3A_45 = arith.constant 1 : i32
    scf.for %scan3A_91 = %scan3A to %scan3A_44 step %scan3A_45  : i32 {
      %mul3A_92 = arith.constant 1 : i32
      %mul3A_93 = arith.muli %scan3A_91, %mul3A_92 : i32
      %add3A_94 = arith.constant 0 : i32
      %add3A_95 = arith.addi %add3A_94, %mul3A_93 : i32
      %mul3A_96 = arith.constant 5 : i32
      %mul3A_97 = arith.muli %add3A_95, %mul3A_96 : i32
      %add3A_98 = arith.constant 0 : i32
      %add3A_99 = arith.addi %mul3A_97, %add3A_98 : i32
      %dma_wait3A_100 = arith.constant 0 : i32
      %dma_wait3A_101 = tpu.memref_slice %arg6[%add3A_99, %dma_wait3A_100] : memref<125x80xi32, #tpu.memory_space<vmem>> -> memref<1x80xi32, #tpu.memory_space<vmem>>
      %dma_wait3A_102 = tpu.memref_squeeze %dma_wait3A_101 : memref<1x80xi32, #tpu.memory_space<vmem>> -> memref<80xi32, #tpu.memory_space<vmem>>
      %dma_wait3A_103 = arith.constant 0 : i32
      %dma_wait3A_104 = arith.constant 0 : i32
      %dma_wait3A_105 = tpu.memref_slice %arg2[%dma_wait3A_103, %dma_wait3A_104] : memref<10000x64xf32, #tpu.memory_space<hbm>> -> memref<10000x64xf32, #tpu.memory_space<hbm>>
      tpu.wait_indirect_dma semaphore(%arg14 : memref<!tpu.dma_semaphore, #tpu.memory_space<semaphore_mem>>) src(%dma_wait3A_105 : memref<10000x64xf32, #tpu.memory_space<hbm>>) dst(%arg8 : memref<80x64xf32, #tpu.memory_space<vmem>>)
      %add3A_106 = arith.constant 0 : i32
      %add3A_107 = arith.addi %mul3A_97, %add3A_106 : i32
      "tpu.region"() ({
        %run_scoped3A_198 = tpu.sem_alloc : memref<!tpu.dma_semaphore, #tpu.memory_space<semaphore_mem>>
        %dma_start3A_199 = arith.constant 0 : i32
        %dma_start3A_200 = tpu.memref_slice %arg7[%add3A_107, %dma_start3A_199] : memref<125x80xi32, #tpu.memory_space<vmem>> -> memref<1x80xi32, #tpu.memory_space<vmem>>
        %dma_start3A_201 = tpu.memref_squeeze %dma_start3A_200 : memref<1x80xi32, #tpu.memory_space<vmem>> -> memref<80xi32, #tpu.memory_space<vmem>>
        %dma_start3A_202 = arith.constant 0 : i32
        %dma_start3A_203 = arith.constant 0 : i32
        %dma_start3A_204 = tpu.memref_slice %arg13[%dma_start3A_202, %dma_start3A_203] : memref<10000x64xf32, #tpu.memory_space<vmem_shared>> -> memref<10000x64xf32, #tpu.memory_space<vmem_shared>>
        tpu.enqueue_indirect_dma source(%arg8 : memref<80x64xf32, #tpu.memory_space<vmem>>) target(%dma_start3A_204 : memref<10000x64xf32, #tpu.memory_space<vmem_shared>>) offsets(%dma_start3A_201 : memref<80xi32, #tpu.memory_space<vmem>>) semaphore(%run_scoped3A_198 : memref<!tpu.dma_semaphore, #tpu.memory_space<semaphore_mem>>) {add = true}
        %dma_wait3A_205 = arith.constant 0 : i32
        %dma_wait3A_206 = tpu.memref_slice %arg7[%add3A_107, %dma_wait3A_205] : memref<125x80xi32, #tpu.memory_space<vmem>> -> memref<1x80xi32, #tpu.memory_space<vmem>>
        %dma_wait3A_207 = tpu.memref_squeeze %dma_wait3A_206 : memref<1x80xi32, #tpu.memory_space<vmem>> -> memref<80xi32, #tpu.memory_space<vmem>>
        %dma_wait3A_208 = arith.constant 0 : i32
        %dma_wait3A_209 = arith.constant 0 : i32
        %dma_wait3A_210 = tpu.memref_slice %arg13[%dma_wait3A_208, %dma_wait3A_209] : memref<10000x64xf32, #tpu.memory_space<vmem_shared>> -> memref<10000x64xf32, #tpu.memory_space<vmem_shared>>
        tpu.wait_indirect_dma semaphore(%run_scoped3A_198 : memref<!tpu.dma_semaphore, #tpu.memory_space<semaphore_mem>>) src(%arg8 : memref<80x64xf32, #tpu.memory_space<vmem>>) dst(%dma_wait3A_210 : memref<10000x64xf32, #tpu.memory_space<vmem_shared>>)
        tpu.yield
      }) : () -> ()
      %add3A_108 = arith.constant 5 : i32
      %add3A_109 = arith.addi %mul3A_97, %add3A_108 : i32
      %add3A_110 = arith.constant 0 : i32
      %add3A_111 = arith.addi %add3A_109, %add3A_110 : i32
      %dma_start3A_112 = arith.constant 0 : i32
      %dma_start3A_113 = tpu.memref_slice %arg6[%add3A_111, %dma_start3A_112] : memref<125x80xi32, #tpu.memory_space<vmem>> -> memref<1x80xi32, #tpu.memory_space<vmem>>
      %dma_start3A_114 = tpu.memref_squeeze %dma_start3A_113 : memref<1x80xi32, #tpu.memory_space<vmem>> -> memref<80xi32, #tpu.memory_space<vmem>>
      %dma_start3A_115 = arith.constant 0 : i32
      %dma_start3A_116 = arith.constant 0 : i32
      %dma_start3A_117 = tpu.memref_slice %arg2[%dma_start3A_115, %dma_start3A_116] : memref<10000x64xf32, #tpu.memory_space<hbm>> -> memref<10000x64xf32, #tpu.memory_space<hbm>>
      tpu.enqueue_indirect_dma source(%dma_start3A_117 : memref<10000x64xf32, #tpu.memory_space<hbm>>) target(%arg8 : memref<80x64xf32, #tpu.memory_space<vmem>>) offsets(%dma_start3A_114 : memref<80xi32, #tpu.memory_space<vmem>>) semaphore(%arg14 : memref<!tpu.dma_semaphore, #tpu.memory_space<semaphore_mem>>)
      %add3A_118 = arith.constant 1 : i32
      %add3A_119 = arith.addi %mul3A_97, %add3A_118 : i32
      %dma_wait3A_120 = arith.constant 0 : i32
      %dma_wait3A_121 = tpu.memref_slice %arg6[%add3A_119, %dma_wait3A_120] : memref<125x80xi32, #tpu.memory_space<vmem>> -> memref<1x80xi32, #tpu.memory_space<vmem>>
      %dma_wait3A_122 = tpu.memref_squeeze %dma_wait3A_121 : memref<1x80xi32, #tpu.memory_space<vmem>> -> memref<80xi32, #tpu.memory_space<vmem>>
      %dma_wait3A_123 = arith.constant 0 : i32
      %dma_wait3A_124 = arith.constant 0 : i32
      %dma_wait3A_125 = tpu.memref_slice %arg2[%dma_wait3A_123, %dma_wait3A_124] : memref<10000x64xf32, #tpu.memory_space<hbm>> -> memref<10000x64xf32, #tpu.memory_space<hbm>>
      tpu.wait_indirect_dma semaphore(%arg15 : memref<!tpu.dma_semaphore, #tpu.memory_space<semaphore_mem>>) src(%dma_wait3A_125 : memref<10000x64xf32, #tpu.memory_space<hbm>>) dst(%arg9 : memref<80x64xf32, #tpu.memory_space<vmem>>)
      %add3A_126 = arith.constant 1 : i32
      %add3A_127 = arith.addi %mul3A_97, %add3A_126 : i32
      "tpu.region"() ({
        %run_scoped3A_198 = tpu.sem_alloc : memref<!tpu.dma_semaphore, #tpu.memory_space<semaphore_mem>>
        %dma_start3A_199 = arith.constant 0 : i32
        %dma_start3A_200 = tpu.memref_slice %arg7[%add3A_127, %dma_start3A_199] : memref<125x80xi32, #tpu.memory_space<vmem>> -> memref<1x80xi32, #tpu.memory_space<vmem>>
        %dma_start3A_201 = tpu.memref_squeeze %dma_start3A_200 : memref<1x80xi32, #tpu.memory_space<vmem>> -> memref<80xi32, #tpu.memory_space<vmem>>
        %dma_start3A_202 = arith.constant 0 : i32
        %dma_start3A_203 = arith.constant 0 : i32
        %dma_start3A_204 = tpu.memref_slice %arg13[%dma_start3A_202, %dma_start3A_203] : memref<10000x64xf32, #tpu.memory_space<vmem_shared>> -> memref<10000x64xf32, #tpu.memory_space<vmem_shared>>
        tpu.enqueue_indirect_dma source(%arg9 : memref<80x64xf32, #tpu.memory_space<vmem>>) target(%dma_start3A_204 : memref<10000x64xf32, #tpu.memory_space<vmem_shared>>) offsets(%dma_start3A_201 : memref<80xi32, #tpu.memory_space<vmem>>) semaphore(%run_scoped3A_198 : memref<!tpu.dma_semaphore, #tpu.memory_space<semaphore_mem>>) {add = true}
        %dma_wait3A_205 = arith.constant 0 : i32
        %dma_wait3A_206 = tpu.memref_slice %arg7[%add3A_127, %dma_wait3A_205] : memref<125x80xi32, #tpu.memory_space<vmem>> -> memref<1x80xi32, #tpu.memory_space<vmem>>
        %dma_wait3A_207 = tpu.memref_squeeze %dma_wait3A_206 : memref<1x80xi32, #tpu.memory_space<vmem>> -> memref<80xi32, #tpu.memory_space<vmem>>
        %dma_wait3A_208 = arith.constant 0 : i32
        %dma_wait3A_209 = arith.constant 0 : i32
        %dma_wait3A_210 = tpu.memref_slice %arg13[%dma_wait3A_208, %dma_wait3A_209] : memref<10000x64xf32, #tpu.memory_space<vmem_shared>> -> memref<10000x64xf32, #tpu.memory_space<vmem_shared>>
        tpu.wait_indirect_dma semaphore(%run_scoped3A_198 : memref<!tpu.dma_semaphore, #tpu.memory_space<semaphore_mem>>) src(%arg9 : memref<80x64xf32, #tpu.memory_space<vmem>>) dst(%dma_wait3A_210 : memref<10000x64xf32, #tpu.memory_space<vmem_shared>>)
        tpu.yield
      }) : () -> ()
      %add3A_128 = arith.constant 5 : i32
      %add3A_129 = arith.addi %mul3A_97, %add3A_128 : i32
      %add3A_130 = arith.constant 1 : i32
      %add3A_131 = arith.addi %add3A_129, %add3A_130 : i32
      %dma_start3A_132 = arith.constant 0 : i32
      %dma_start3A_133 = tpu.memref_slice %arg6[%add3A_131, %dma_start3A_132] : memref<125x80xi32, #tpu.memory_space<vmem>> -> memref<1x80xi32, #tpu.memory_space<vmem>>
      %dma_start3A_134 = tpu.memref_squeeze %dma_start3A_133 : memref<1x80xi32, #tpu.memory_space<vmem>> -> memref<80xi32, #tpu.memory_space<vmem>>
      %dma_start3A_135 = arith.constant 0 : i32
      %dma_start3A_136 = arith.constant 0 : i32
      %dma_start3A_137 = tpu.memref_slice %arg2[%dma_start3A_135, %dma_start3A_136] : memref<10000x64xf32, #tpu.memory_space<hbm>> -> memref<10000x64xf32, #tpu.memory_space<hbm>>
      tpu.enqueue_indirect_dma source(%dma_start3A_137 : memref<10000x64xf32, #tpu.memory_space<hbm>>) target(%arg9 : memref<80x64xf32, #tpu.memory_space<vmem>>) offsets(%dma_start3A_134 : memref<80xi32, #tpu.memory_space<vmem>>) semaphore(%arg15 : memref<!tpu.dma_semaphore, #tpu.memory_space<semaphore_mem>>)
      %add3A_138 = arith.constant 2 : i32
      %add3A_139 = arith.addi %mul3A_97, %add3A_138 : i32
      %dma_wait3A_140 = arith.constant 0 : i32
      %dma_wait3A_141 = tpu.memref_slice %arg6[%add3A_139, %dma_wait3A_140] : memref<125x80xi32, #tpu.memory_space<vmem>> -> memref<1x80xi32, #tpu.memory_space<vmem>>
      %dma_wait3A_142 = tpu.memref_squeeze %dma_wait3A_141 : memref<1x80xi32, #tpu.memory_space<vmem>> -> memref<80xi32, #tpu.memory_space<vmem>>
      %dma_wait3A_143 = arith.constant 0 : i32
      %dma_wait3A_144 = arith.constant 0 : i32
      %dma_wait3A_145 = tpu.memref_slice %arg2[%dma_wait3A_143, %dma_wait3A_144] : memref<10000x64xf32, #tpu.memory_space<hbm>> -> memref<10000x64xf32, #tpu.memory_space<hbm>>
      tpu.wait_indirect_dma semaphore(%arg16 : memref<!tpu.dma_semaphore, #tpu.memory_space<semaphore_mem>>) src(%dma_wait3A_145 : memref<10000x64xf32, #tpu.memory_space<hbm>>) dst(%arg10 : memref<80x64xf32, #tpu.memory_space<vmem>>)
      %add3A_146 = arith.constant 2 : i32
      %add3A_147 = arith.addi %mul3A_97, %add3A_146 : i32
      "tpu.region"() ({
        %run_scoped3A_198 = tpu.sem_alloc : memref<!tpu.dma_semaphore, #tpu.memory_space<semaphore_mem>>
        %dma_start3A_199 = arith.constant 0 : i32
        %dma_start3A_200 = tpu.memref_slice %arg7[%add3A_147, %dma_start3A_199] : memref<125x80xi32, #tpu.memory_space<vmem>> -> memref<1x80xi32, #tpu.memory_space<vmem>>
        %dma_start3A_201 = tpu.memref_squeeze %dma_start3A_200 : memref<1x80xi32, #tpu.memory_space<vmem>> -> memref<80xi32, #tpu.memory_space<vmem>>
        %dma_start3A_202 = arith.constant 0 : i32
        %dma_start3A_203 = arith.constant 0 : i32
        %dma_start3A_204 = tpu.memref_slice %arg13[%dma_start3A_202, %dma_start3A_203] : memref<10000x64xf32, #tpu.memory_space<vmem_shared>> -> memref<10000x64xf32, #tpu.memory_space<vmem_shared>>
        tpu.enqueue_indirect_dma source(%arg10 : memref<80x64xf32, #tpu.memory_space<vmem>>) target(%dma_start3A_204 : memref<10000x64xf32, #tpu.memory_space<vmem_shared>>) offsets(%dma_start3A_201 : memref<80xi32, #tpu.memory_space<vmem>>) semaphore(%run_scoped3A_198 : memref<!tpu.dma_semaphore, #tpu.memory_space<semaphore_mem>>) {add = true}
        %dma_wait3A_205 = arith.constant 0 : i32
        %dma_wait3A_206 = tpu.memref_slice %arg7[%add3A_147, %dma_wait3A_205] : memref<125x80xi32, #tpu.memory_space<vmem>> -> memref<1x80xi32, #tpu.memory_space<vmem>>
        %dma_wait3A_207 = tpu.memref_squeeze %dma_wait3A_206 : memref<1x80xi32, #tpu.memory_space<vmem>> -> memref<80xi32, #tpu.memory_space<vmem>>
        %dma_wait3A_208 = arith.constant 0 : i32
        %dma_wait3A_209 = arith.constant 0 : i32
        %dma_wait3A_210 = tpu.memref_slice %arg13[%dma_wait3A_208, %dma_wait3A_209] : memref<10000x64xf32, #tpu.memory_space<vmem_shared>> -> memref<10000x64xf32, #tpu.memory_space<vmem_shared>>
        tpu.wait_indirect_dma semaphore(%run_scoped3A_198 : memref<!tpu.dma_semaphore, #tpu.memory_space<semaphore_mem>>) src(%arg10 : memref<80x64xf32, #tpu.memory_space<vmem>>) dst(%dma_wait3A_210 : memref<10000x64xf32, #tpu.memory_space<vmem_shared>>)
        tpu.yield
      }) : () -> ()
      %add3A_148 = arith.constant 5 : i32
      %add3A_149 = arith.addi %mul3A_97, %add3A_148 : i32
      %add3A_150 = arith.constant 2 : i32
      %add3A_151 = arith.addi %add3A_149, %add3A_150 : i32
      %dma_start3A_152 = arith.constant 0 : i32
      %dma_start3A_153 = tpu.memref_slice %arg6[%add3A_151, %dma_start3A_152] : memref<125x80xi32, #tpu.memory_space<vmem>> -> memref<1x80xi32, #tpu.memory_space<vmem>>
      %dma_start3A_154 = tpu.memref_squeeze %dma_start3A_153 : memref<1x80xi32, #tpu.memory_space<vmem>> -> memref<80xi32, #tpu.memory_space<vmem>>
      %dma_start3A_155 = arith.constant 0 : i32
      %dma_start3A_156 = arith.constant 0 : i32
      %dma_start3A_157 = tpu.memref_slice %arg2[%dma_start3A_155, %dma_start3A_156] : memref<10000x64xf32, #tpu.memory_space<hbm>> -> memref<10000x64xf32, #tpu.memory_space<hbm>>
      tpu.enqueue_indirect_dma source(%dma_start3A_157 : memref<10000x64xf32, #tpu.memory_space<hbm>>) target(%arg10 : memref<80x64xf32, #tpu.memory_space<vmem>>) offsets(%dma_start3A_154 : memref<80xi32, #tpu.memory_space<vmem>>) semaphore(%arg16 : memref<!tpu.dma_semaphore, #tpu.memory_space<semaphore_mem>>)
      %add3A_158 = arith.constant 3 : i32
      %add3A_159 = arith.addi %mul3A_97, %add3A_158 : i32
      %dma_wait3A_160 = arith.constant 0 : i32
      %dma_wait3A_161 = tpu.memref_slice %arg6[%add3A_159, %dma_wait3A_160] : memref<125x80xi32, #tpu.memory_space<vmem>> -> memref<1x80xi32, #tpu.memory_space<vmem>>
      %dma_wait3A_162 = tpu.memref_squeeze %dma_wait3A_161 : memref<1x80xi32, #tpu.memory_space<vmem>> -> memref<80xi32, #tpu.memory_space<vmem>>
      %dma_wait3A_163 = arith.constant 0 : i32
      %dma_wait3A_164 = arith.constant 0 : i32
      %dma_wait3A_165 = tpu.memref_slice %arg2[%dma_wait3A_163, %dma_wait3A_164] : memref<10000x64xf32, #tpu.memory_space<hbm>> -> memref<10000x64xf32, #tpu.memory_space<hbm>>
      tpu.wait_indirect_dma semaphore(%arg17 : memref<!tpu.dma_semaphore, #tpu.memory_space<semaphore_mem>>) src(%dma_wait3A_165 : memref<10000x64xf32, #tpu.memory_space<hbm>>) dst(%arg11 : memref<80x64xf32, #tpu.memory_space<vmem>>)
      %add3A_166 = arith.constant 3 : i32
      %add3A_167 = arith.addi %mul3A_97, %add3A_166 : i32
      "tpu.region"() ({
        %run_scoped3A_198 = tpu.sem_alloc : memref<!tpu.dma_semaphore, #tpu.memory_space<semaphore_mem>>
        %dma_start3A_199 = arith.constant 0 : i32
        %dma_start3A_200 = tpu.memref_slice %arg7[%add3A_167, %dma_start3A_199] : memref<125x80xi32, #tpu.memory_space<vmem>> -> memref<1x80xi32, #tpu.memory_space<vmem>>
        %dma_start3A_201 = tpu.memref_squeeze %dma_start3A_200 : memref<1x80xi32, #tpu.memory_space<vmem>> -> memref<80xi32, #tpu.memory_space<vmem>>
        %dma_start3A_202 = arith.constant 0 : i32
        %dma_start3A_203 = arith.constant 0 : i32
        %dma_start3A_204 = tpu.memref_slice %arg13[%dma_start3A_202, %dma_start3A_203] : memref<10000x64xf32, #tpu.memory_space<vmem_shared>> -> memref<10000x64xf32, #tpu.memory_space<vmem_shared>>
        tpu.enqueue_indirect_dma source(%arg11 : memref<80x64xf32, #tpu.memory_space<vmem>>) target(%dma_start3A_204 : memref<10000x64xf32, #tpu.memory_space<vmem_shared>>) offsets(%dma_start3A_201 : memref<80xi32, #tpu.memory_space<vmem>>) semaphore(%run_scoped3A_198 : memref<!tpu.dma_semaphore, #tpu.memory_space<semaphore_mem>>) {add = true}
        %dma_wait3A_205 = arith.constant 0 : i32
        %dma_wait3A_206 = tpu.memref_slice %arg7[%add3A_167, %dma_wait3A_205] : memref<125x80xi32, #tpu.memory_space<vmem>> -> memref<1x80xi32, #tpu.memory_space<vmem>>
        %dma_wait3A_207 = tpu.memref_squeeze %dma_wait3A_206 : memref<1x80xi32, #tpu.memory_space<vmem>> -> memref<80xi32, #tpu.memory_space<vmem>>
        %dma_wait3A_208 = arith.constant 0 : i32
        %dma_wait3A_209 = arith.constant 0 : i32
        %dma_wait3A_210 = tpu.memref_slice %arg13[%dma_wait3A_208, %dma_wait3A_209] : memref<10000x64xf32, #tpu.memory_space<vmem_shared>> -> memref<10000x64xf32, #tpu.memory_space<vmem_shared>>
        tpu.wait_indirect_dma semaphore(%run_scoped3A_198 : memref<!tpu.dma_semaphore, #tpu.memory_space<semaphore_mem>>) src(%arg11 : memref<80x64xf32, #tpu.memory_space<vmem>>) dst(%dma_wait3A_210 : memref<10000x64xf32, #tpu.memory_space<vmem_shared>>)
        tpu.yield
      }) : () -> ()
      %add3A_168 = arith.constant 5 : i32
      %add3A_169 = arith.addi %mul3A_97, %add3A_168 : i32
      %add3A_170 = arith.constant 3 : i32
      %add3A_171 = arith.addi %add3A_169, %add3A_170 : i32
      %dma_start3A_172 = arith.constant 0 : i32
      %dma_start3A_173 = tpu.memref_slice %arg6[%add3A_171, %dma_start3A_172] : memref<125x80xi32, #tpu.memory_space<vmem>> -> memref<1x80xi32, #tpu.memory_space<vmem>>
      %dma_start3A_174 = tpu.memref_squeeze %dma_start3A_173 : memref<1x80xi32, #tpu.memory_space<vmem>> -> memref<80xi32, #tpu.memory_space<vmem>>
      %dma_start3A_175 = arith.constant 0 : i32
      %dma_start3A_176 = arith.constant 0 : i32
      %dma_start3A_177 = tpu.memref_slice %arg2[%dma_start3A_175, %dma_start3A_176] : memref<10000x64xf32, #tpu.memory_space<hbm>> -> memref<10000x64xf32, #tpu.memory_space<hbm>>
      tpu.enqueue_indirect_dma source(%dma_start3A_177 : memref<10000x64xf32, #tpu.memory_space<hbm>>) target(%arg11 : memref<80x64xf32, #tpu.memory_space<vmem>>) offsets(%dma_start3A_174 : memref<80xi32, #tpu.memory_space<vmem>>) semaphore(%arg17 : memref<!tpu.dma_semaphore, #tpu.memory_space<semaphore_mem>>)
      %add3A_178 = arith.constant 4 : i32
      %add3A_179 = arith.addi %mul3A_97, %add3A_178 : i32
      %dma_wait3A_180 = arith.constant 0 : i32
      %dma_wait3A_181 = tpu.memref_slice %arg6[%add3A_179, %dma_wait3A_180] : memref<125x80xi32, #tpu.memory_space<vmem>> -> memref<1x80xi32, #tpu.memory_space<vmem>>
      %dma_wait3A_182 = tpu.memref_squeeze %dma_wait3A_181 : memref<1x80xi32, #tpu.memory_space<vmem>> -> memref<80xi32, #tpu.memory_space<vmem>>
      %dma_wait3A_183 = arith.constant 0 : i32
      %dma_wait3A_184 = arith.constant 0 : i32
      %dma_wait3A_185 = tpu.memref_slice %arg2[%dma_wait3A_183, %dma_wait3A_184] : memref<10000x64xf32, #tpu.memory_space<hbm>> -> memref<10000x64xf32, #tpu.memory_space<hbm>>
      tpu.wait_indirect_dma semaphore(%arg18 : memref<!tpu.dma_semaphore, #tpu.memory_space<semaphore_mem>>) src(%dma_wait3A_185 : memref<10000x64xf32, #tpu.memory_space<hbm>>) dst(%arg12 : memref<80x64xf32, #tpu.memory_space<vmem>>)
      %add3A_186 = arith.constant 4 : i32
      %add3A_187 = arith.addi %mul3A_97, %add3A_186 : i32
      "tpu.region"() ({
        %run_scoped3A_198 = tpu.sem_alloc : memref<!tpu.dma_semaphore, #tpu.memory_space<semaphore_mem>>
        %dma_start3A_199 = arith.constant 0 : i32
        %dma_start3A_200 = tpu.memref_slice %arg7[%add3A_187, %dma_start3A_199] : memref<125x80xi32, #tpu.memory_space<vmem>> -> memref<1x80xi32, #tpu.memory_space<vmem>>
        %dma_start3A_201 = tpu.memref_squeeze %dma_start3A_200 : memref<1x80xi32, #tpu.memory_space<vmem>> -> memref<80xi32, #tpu.memory_space<vmem>>
        %dma_start3A_202 = arith.constant 0 : i32
        %dma_start3A_203 = arith.constant 0 : i32
        %dma_start3A_204 = tpu.memref_slice %arg13[%dma_start3A_202, %dma_start3A_203] : memref<10000x64xf32, #tpu.memory_space<vmem_shared>> -> memref<10000x64xf32, #tpu.memory_space<vmem_shared>>
        tpu.enqueue_indirect_dma source(%arg12 : memref<80x64xf32, #tpu.memory_space<vmem>>) target(%dma_start3A_204 : memref<10000x64xf32, #tpu.memory_space<vmem_shared>>) offsets(%dma_start3A_201 : memref<80xi32, #tpu.memory_space<vmem>>) semaphore(%run_scoped3A_198 : memref<!tpu.dma_semaphore, #tpu.memory_space<semaphore_mem>>) {add = true}
        %dma_wait3A_205 = arith.constant 0 : i32
        %dma_wait3A_206 = tpu.memref_slice %arg7[%add3A_187, %dma_wait3A_205] : memref<125x80xi32, #tpu.memory_space<vmem>> -> memref<1x80xi32, #tpu.memory_space<vmem>>
        %dma_wait3A_207 = tpu.memref_squeeze %dma_wait3A_206 : memref<1x80xi32, #tpu.memory_space<vmem>> -> memref<80xi32, #tpu.memory_space<vmem>>
        %dma_wait3A_208 = arith.constant 0 : i32
        %dma_wait3A_209 = arith.constant 0 : i32
        %dma_wait3A_210 = tpu.memref_slice %arg13[%dma_wait3A_208, %dma_wait3A_209] : memref<10000x64xf32, #tpu.memory_space<vmem_shared>> -> memref<10000x64xf32, #tpu.memory_space<vmem_shared>>
        tpu.wait_indirect_dma semaphore(%run_scoped3A_198 : memref<!tpu.dma_semaphore, #tpu.memory_space<semaphore_mem>>) src(%arg12 : memref<80x64xf32, #tpu.memory_space<vmem>>) dst(%dma_wait3A_210 : memref<10000x64xf32, #tpu.memory_space<vmem_shared>>)
        tpu.yield
      }) : () -> ()
      %add3A_188 = arith.constant 5 : i32
      %add3A_189 = arith.addi %mul3A_97, %add3A_188 : i32
      %add3A_190 = arith.constant 4 : i32
      %add3A_191 = arith.addi %add3A_189, %add3A_190 : i32
      %dma_start3A_192 = arith.constant 0 : i32
      %dma_start3A_193 = tpu.memref_slice %arg6[%add3A_191, %dma_start3A_192] : memref<125x80xi32, #tpu.memory_space<vmem>> -> memref<1x80xi32, #tpu.memory_space<vmem>>
      %dma_start3A_194 = tpu.memref_squeeze %dma_start3A_193 : memref<1x80xi32, #tpu.memory_space<vmem>> -> memref<80xi32, #tpu.memory_space<vmem>>
      %dma_start3A_195 = arith.constant 0 : i32
      %dma_start3A_196 = arith.constant 0 : i32
      %dma_start3A_197 = tpu.memref_slice %arg2[%dma_start3A_195, %dma_start3A_196] : memref<10000x64xf32, #tpu.memory_space<hbm>> -> memref<10000x64xf32, #tpu.memory_space<hbm>>
      tpu.enqueue_indirect_dma source(%dma_start3A_197 : memref<10000x64xf32, #tpu.memory_space<hbm>>) target(%arg12 : memref<80x64xf32, #tpu.memory_space<vmem>>) offsets(%dma_start3A_194 : memref<80xi32, #tpu.memory_space<vmem>>) semaphore(%arg18 : memref<!tpu.dma_semaphore, #tpu.memory_space<semaphore_mem>>)
    }
    %scan3A_46 = arith.constant 24 : i32
    %dma_wait3A = arith.constant 120 : i32
    %dma_wait3A_47 = arith.constant 0 : i32
    %dma_wait3A_48 = tpu.memref_slice %arg6[%dma_wait3A, %dma_wait3A_47] : memref<125x80xi32, #tpu.memory_space<vmem>> -> memref<1x80xi32, #tpu.memory_space<vmem>>
    %dma_wait3A_49 = tpu.memref_squeeze %dma_wait3A_48 : memref<1x80xi32, #tpu.memory_space<vmem>> -> memref<80xi32, #tpu.memory_space<vmem>>
    %dma_wait3A_50 = arith.constant 0 : i32
    %dma_wait3A_51 = arith.constant 0 : i32
    %dma_wait3A_52 = tpu.memref_slice %arg2[%dma_wait3A_50, %dma_wait3A_51] : memref<10000x64xf32, #tpu.memory_space<hbm>> -> memref<10000x64xf32, #tpu.memory_space<hbm>>
    tpu.wait_indirect_dma semaphore(%arg14 : memref<!tpu.dma_semaphore, #tpu.memory_space<semaphore_mem>>) src(%dma_wait3A_52 : memref<10000x64xf32, #tpu.memory_space<hbm>>) dst(%arg8 : memref<80x64xf32, #tpu.memory_space<vmem>>)
    %run_scoped3A_53 = arith.constant 120 : i32
    "tpu.region"() ({
      %run_scoped3A_91 = tpu.sem_alloc : memref<!tpu.dma_semaphore, #tpu.memory_space<semaphore_mem>>
      %dma_start3A_92 = arith.constant 0 : i32
      %dma_start3A_93 = tpu.memref_slice %arg7[%run_scoped3A_53, %dma_start3A_92] : memref<125x80xi32, #tpu.memory_space<vmem>> -> memref<1x80xi32, #tpu.memory_space<vmem>>
      %dma_start3A_94 = tpu.memref_squeeze %dma_start3A_93 : memref<1x80xi32, #tpu.memory_space<vmem>> -> memref<80xi32, #tpu.memory_space<vmem>>
      %dma_start3A_95 = arith.constant 0 : i32
      %dma_start3A_96 = arith.constant 0 : i32
      %dma_start3A_97 = tpu.memref_slice %arg13[%dma_start3A_95, %dma_start3A_96] : memref<10000x64xf32, #tpu.memory_space<vmem_shared>> -> memref<10000x64xf32, #tpu.memory_space<vmem_shared>>
      tpu.enqueue_indirect_dma source(%arg8 : memref<80x64xf32, #tpu.memory_space<vmem>>) target(%dma_start3A_97 : memref<10000x64xf32, #tpu.memory_space<vmem_shared>>) offsets(%dma_start3A_94 : memref<80xi32, #tpu.memory_space<vmem>>) semaphore(%run_scoped3A_91 : memref<!tpu.dma_semaphore, #tpu.memory_space<semaphore_mem>>) {add = true}
      %dma_wait3A_98 = arith.constant 0 : i32
      %dma_wait3A_99 = tpu.memref_slice %arg7[%run_scoped3A_53, %dma_wait3A_98] : memref<125x80xi32, #tpu.memory_space<vmem>> -> memref<1x80xi32, #tpu.memory_space<vmem>>
      %dma_wait3A_100 = tpu.memref_squeeze %dma_wait3A_99 : memref<1x80xi32, #tpu.memory_space<vmem>> -> memref<80xi32, #tpu.memory_space<vmem>>
      %dma_wait3A_101 = arith.constant 0 : i32
      %dma_wait3A_102 = arith.constant 0 : i32
      %dma_wait3A_103 = tpu.memref_slice %arg13[%dma_wait3A_101, %dma_wait3A_102] : memref<10000x64xf32, #tpu.memory_space<vmem_shared>> -> memref<10000x64xf32, #tpu.memory_space<vmem_shared>>
      tpu.wait_indirect_dma semaphore(%run_scoped3A_91 : memref<!tpu.dma_semaphore, #tpu.memory_space<semaphore_mem>>) src(%arg8 : memref<80x64xf32, #tpu.memory_space<vmem>>) dst(%dma_wait3A_103 : memref<10000x64xf32, #tpu.memory_space<vmem_shared>>)
      tpu.yield
    }) : () -> ()
    %dma_wait3A_54 = arith.constant 121 : i32
    %dma_wait3A_55 = arith.constant 0 : i32
    %dma_wait3A_56 = tpu.memref_slice %arg6[%dma_wait3A_54, %dma_wait3A_55] : memref<125x80xi32, #tpu.memory_space<vmem>> -> memref<1x80xi32, #tpu.memory_space<vmem>>
    %dma_wait3A_57 = tpu.memref_squeeze %dma_wait3A_56 : memref<1x80xi32, #tpu.memory_space<vmem>> -> memref<80xi32, #tpu.memory_space<vmem>>
    %dma_wait3A_58 = arith.constant 0 : i32
    %dma_wait3A_59 = arith.constant 0 : i32
    %dma_wait3A_60 = tpu.memref_slice %arg2[%dma_wait3A_58, %dma_wait3A_59] : memref<10000x64xf32, #tpu.memory_space<hbm>> -> memref<10000x64xf32, #tpu.memory_space<hbm>>
    tpu.wait_indirect_dma semaphore(%arg15 : memref<!tpu.dma_semaphore, #tpu.memory_space<semaphore_mem>>) src(%dma_wait3A_60 : memref<10000x64xf32, #tpu.memory_space<hbm>>) dst(%arg9 : memref<80x64xf32, #tpu.memory_space<vmem>>)
    %run_scoped3A_61 = arith.constant 121 : i32
    "tpu.region"() ({
      %run_scoped3A_91 = tpu.sem_alloc : memref<!tpu.dma_semaphore, #tpu.memory_space<semaphore_mem>>
      %dma_start3A_92 = arith.constant 0 : i32
      %dma_start3A_93 = tpu.memref_slice %arg7[%run_scoped3A_61, %dma_start3A_92] : memref<125x80xi32, #tpu.memory_space<vmem>> -> memref<1x80xi32, #tpu.memory_space<vmem>>
      %dma_start3A_94 = tpu.memref_squeeze %dma_start3A_93 : memref<1x80xi32, #tpu.memory_space<vmem>> -> memref<80xi32, #tpu.memory_space<vmem>>
      %dma_start3A_95 = arith.constant 0 : i32
      %dma_start3A_96 = arith.constant 0 : i32
      %dma_start3A_97 = tpu.memref_slice %arg13[%dma_start3A_95, %dma_start3A_96] : memref<10000x64xf32, #tpu.memory_space<vmem_shared>> -> memref<10000x64xf32, #tpu.memory_space<vmem_shared>>
      tpu.enqueue_indirect_dma source(%arg9 : memref<80x64xf32, #tpu.memory_space<vmem>>) target(%dma_start3A_97 : memref<10000x64xf32, #tpu.memory_space<vmem_shared>>) offsets(%dma_start3A_94 : memref<80xi32, #tpu.memory_space<vmem>>) semaphore(%run_scoped3A_91 : memref<!tpu.dma_semaphore, #tpu.memory_space<semaphore_mem>>) {add = true}
      %dma_wait3A_98 = arith.constant 0 : i32
      %dma_wait3A_99 = tpu.memref_slice %arg7[%run_scoped3A_61, %dma_wait3A_98] : memref<125x80xi32, #tpu.memory_space<vmem>> -> memref<1x80xi32, #tpu.memory_space<vmem>>
      %dma_wait3A_100 = tpu.memref_squeeze %dma_wait3A_99 : memref<1x80xi32, #tpu.memory_space<vmem>> -> memref<80xi32, #tpu.memory_space<vmem>>
      %dma_wait3A_101 = arith.constant 0 : i32
      %dma_wait3A_102 = arith.constant 0 : i32
      %dma_wait3A_103 = tpu.memref_slice %arg13[%dma_wait3A_101, %dma_wait3A_102] : memref<10000x64xf32, #tpu.memory_space<vmem_shared>> -> memref<10000x64xf32, #tpu.memory_space<vmem_shared>>
      tpu.wait_indirect_dma semaphore(%run_scoped3A_91 : memref<!tpu.dma_semaphore, #tpu.memory_space<semaphore_mem>>) src(%arg9 : memref<80x64xf32, #tpu.memory_space<vmem>>) dst(%dma_wait3A_103 : memref<10000x64xf32, #tpu.memory_space<vmem_shared>>)
      tpu.yield
    }) : () -> ()
    %dma_wait3A_62 = arith.constant 122 : i32
    %dma_wait3A_63 = arith.constant 0 : i32
    %dma_wait3A_64 = tpu.memref_slice %arg6[%dma_wait3A_62, %dma_wait3A_63] : memref<125x80xi32, #tpu.memory_space<vmem>> -> memref<1x80xi32, #tpu.memory_space<vmem>>
    %dma_wait3A_65 = tpu.memref_squeeze %dma_wait3A_64 : memref<1x80xi32, #tpu.memory_space<vmem>> -> memref<80xi32, #tpu.memory_space<vmem>>
    %dma_wait3A_66 = arith.constant 0 : i32
    %dma_wait3A_67 = arith.constant 0 : i32
    %dma_wait3A_68 = tpu.memref_slice %arg2[%dma_wait3A_66, %dma_wait3A_67] : memref<10000x64xf32, #tpu.memory_space<hbm>> -> memref<10000x64xf32, #tpu.memory_space<hbm>>
    tpu.wait_indirect_dma semaphore(%arg16 : memref<!tpu.dma_semaphore, #tpu.memory_space<semaphore_mem>>) src(%dma_wait3A_68 : memref<10000x64xf32, #tpu.memory_space<hbm>>) dst(%arg10 : memref<80x64xf32, #tpu.memory_space<vmem>>)
    %run_scoped3A_69 = arith.constant 122 : i32
    "tpu.region"() ({
      %run_scoped3A_91 = tpu.sem_alloc : memref<!tpu.dma_semaphore, #tpu.memory_space<semaphore_mem>>
      %dma_start3A_92 = arith.constant 0 : i32
      %dma_start3A_93 = tpu.memref_slice %arg7[%run_scoped3A_69, %dma_start3A_92] : memref<125x80xi32, #tpu.memory_space<vmem>> -> memref<1x80xi32, #tpu.memory_space<vmem>>
      %dma_start3A_94 = tpu.memref_squeeze %dma_start3A_93 : memref<1x80xi32, #tpu.memory_space<vmem>> -> memref<80xi32, #tpu.memory_space<vmem>>
      %dma_start3A_95 = arith.constant 0 : i32
      %dma_start3A_96 = arith.constant 0 : i32
      %dma_start3A_97 = tpu.memref_slice %arg13[%dma_start3A_95, %dma_start3A_96] : memref<10000x64xf32, #tpu.memory_space<vmem_shared>> -> memref<10000x64xf32, #tpu.memory_space<vmem_shared>>
      tpu.enqueue_indirect_dma source(%arg10 : memref<80x64xf32, #tpu.memory_space<vmem>>) target(%dma_start3A_97 : memref<10000x64xf32, #tpu.memory_space<vmem_shared>>) offsets(%dma_start3A_94 : memref<80xi32, #tpu.memory_space<vmem>>) semaphore(%run_scoped3A_91 : memref<!tpu.dma_semaphore, #tpu.memory_space<semaphore_mem>>) {add = true}
      %dma_wait3A_98 = arith.constant 0 : i32
      %dma_wait3A_99 = tpu.memref_slice %arg7[%run_scoped3A_69, %dma_wait3A_98] : memref<125x80xi32, #tpu.memory_space<vmem>> -> memref<1x80xi32, #tpu.memory_space<vmem>>
      %dma_wait3A_100 = tpu.memref_squeeze %dma_wait3A_99 : memref<1x80xi32, #tpu.memory_space<vmem>> -> memref<80xi32, #tpu.memory_space<vmem>>
      %dma_wait3A_101 = arith.constant 0 : i32
      %dma_wait3A_102 = arith.constant 0 : i32
      %dma_wait3A_103 = tpu.memref_slice %arg13[%dma_wait3A_101, %dma_wait3A_102] : memref<10000x64xf32, #tpu.memory_space<vmem_shared>> -> memref<10000x64xf32, #tpu.memory_space<vmem_shared>>
      tpu.wait_indirect_dma semaphore(%run_scoped3A_91 : memref<!tpu.dma_semaphore, #tpu.memory_space<semaphore_mem>>) src(%arg10 : memref<80x64xf32, #tpu.memory_space<vmem>>) dst(%dma_wait3A_103 : memref<10000x64xf32, #tpu.memory_space<vmem_shared>>)
      tpu.yield
    }) : () -> ()
    %dma_wait3A_70 = arith.constant 123 : i32
    %dma_wait3A_71 = arith.constant 0 : i32
    %dma_wait3A_72 = tpu.memref_slice %arg6[%dma_wait3A_70, %dma_wait3A_71] : memref<125x80xi32, #tpu.memory_space<vmem>> -> memref<1x80xi32, #tpu.memory_space<vmem>>
    %dma_wait3A_73 = tpu.memref_squeeze %dma_wait3A_72 : memref<1x80xi32, #tpu.memory_space<vmem>> -> memref<80xi32, #tpu.memory_space<vmem>>
    %dma_wait3A_74 = arith.constant 0 : i32
    %dma_wait3A_75 = arith.constant 0 : i32
    %dma_wait3A_76 = tpu.memref_slice %arg2[%dma_wait3A_74, %dma_wait3A_75] : memref<10000x64xf32, #tpu.memory_space<hbm>> -> memref<10000x64xf32, #tpu.memory_space<hbm>>
    tpu.wait_indirect_dma semaphore(%arg17 : memref<!tpu.dma_semaphore, #tpu.memory_space<semaphore_mem>>) src(%dma_wait3A_76 : memref<10000x64xf32, #tpu.memory_space<hbm>>) dst(%arg11 : memref<80x64xf32, #tpu.memory_space<vmem>>)
    %run_scoped3A_77 = arith.constant 123 : i32
    "tpu.region"() ({
      %run_scoped3A_91 = tpu.sem_alloc : memref<!tpu.dma_semaphore, #tpu.memory_space<semaphore_mem>>
      %dma_start3A_92 = arith.constant 0 : i32
      %dma_start3A_93 = tpu.memref_slice %arg7[%run_scoped3A_77, %dma_start3A_92] : memref<125x80xi32, #tpu.memory_space<vmem>> -> memref<1x80xi32, #tpu.memory_space<vmem>>
      %dma_start3A_94 = tpu.memref_squeeze %dma_start3A_93 : memref<1x80xi32, #tpu.memory_space<vmem>> -> memref<80xi32, #tpu.memory_space<vmem>>
      %dma_start3A_95 = arith.constant 0 : i32
      %dma_start3A_96 = arith.constant 0 : i32
      %dma_start3A_97 = tpu.memref_slice %arg13[%dma_start3A_95, %dma_start3A_96] : memref<10000x64xf32, #tpu.memory_space<vmem_shared>> -> memref<10000x64xf32, #tpu.memory_space<vmem_shared>>
      tpu.enqueue_indirect_dma source(%arg11 : memref<80x64xf32, #tpu.memory_space<vmem>>) target(%dma_start3A_97 : memref<10000x64xf32, #tpu.memory_space<vmem_shared>>) offsets(%dma_start3A_94 : memref<80xi32, #tpu.memory_space<vmem>>) semaphore(%run_scoped3A_91 : memref<!tpu.dma_semaphore, #tpu.memory_space<semaphore_mem>>) {add = true}
      %dma_wait3A_98 = arith.constant 0 : i32
      %dma_wait3A_99 = tpu.memref_slice %arg7[%run_scoped3A_77, %dma_wait3A_98] : memref<125x80xi32, #tpu.memory_space<vmem>> -> memref<1x80xi32, #tpu.memory_space<vmem>>
      %dma_wait3A_100 = tpu.memref_squeeze %dma_wait3A_99 : memref<1x80xi32, #tpu.memory_space<vmem>> -> memref<80xi32, #tpu.memory_space<vmem>>
      %dma_wait3A_101 = arith.constant 0 : i32
      %dma_wait3A_102 = arith.constant 0 : i32
      %dma_wait3A_103 = tpu.memref_slice %arg13[%dma_wait3A_101, %dma_wait3A_102] : memref<10000x64xf32, #tpu.memory_space<vmem_shared>> -> memref<10000x64xf32, #tpu.memory_space<vmem_shared>>
      tpu.wait_indirect_dma semaphore(%run_scoped3A_91 : memref<!tpu.dma_semaphore, #tpu.memory_space<semaphore_mem>>) src(%arg11 : memref<80x64xf32, #tpu.memory_space<vmem>>) dst(%dma_wait3A_103 : memref<10000x64xf32, #tpu.memory_space<vmem_shared>>)
      tpu.yield
    }) : () -> ()
    %dma_wait3A_78 = arith.constant 124 : i32
    %dma_wait3A_79 = arith.constant 0 : i32
    %dma_wait3A_80 = tpu.memref_slice %arg6[%dma_wait3A_78, %dma_wait3A_79] : memref<125x80xi32, #tpu.memory_space<vmem>> -> memref<1x80xi32, #tpu.memory_space<vmem>>
    %dma_wait3A_81 = tpu.memref_squeeze %dma_wait3A_80 : memref<1x80xi32, #tpu.memory_space<vmem>> -> memref<80xi32, #tpu.memory_space<vmem>>
    %dma_wait3A_82 = arith.constant 0 : i32
    %dma_wait3A_83 = arith.constant 0 : i32
    %dma_wait3A_84 = tpu.memref_slice %arg2[%dma_wait3A_82, %dma_wait3A_83] : memref<10000x64xf32, #tpu.memory_space<hbm>> -> memref<10000x64xf32, #tpu.memory_space<hbm>>
    tpu.wait_indirect_dma semaphore(%arg18 : memref<!tpu.dma_semaphore, #tpu.memory_space<semaphore_mem>>) src(%dma_wait3A_84 : memref<10000x64xf32, #tpu.memory_space<hbm>>) dst(%arg12 : memref<80x64xf32, #tpu.memory_space<vmem>>)
    %run_scoped3A_85 = arith.constant 124 : i32
    "tpu.region"() ({
      %run_scoped3A_91 = tpu.sem_alloc : memref<!tpu.dma_semaphore, #tpu.memory_space<semaphore_mem>>
      %dma_start3A_92 = arith.constant 0 : i32
      %dma_start3A_93 = tpu.memref_slice %arg7[%run_scoped3A_85, %dma_start3A_92] : memref<125x80xi32, #tpu.memory_space<vmem>> -> memref<1x80xi32, #tpu.memory_space<vmem>>
      %dma_start3A_94 = tpu.memref_squeeze %dma_start3A_93 : memref<1x80xi32, #tpu.memory_space<vmem>> -> memref<80xi32, #tpu.memory_space<vmem>>
      %dma_start3A_95 = arith.constant 0 : i32
      %dma_start3A_96 = arith.constant 0 : i32
      %dma_start3A_97 = tpu.memref_slice %arg13[%dma_start3A_95, %dma_start3A_96] : memref<10000x64xf32, #tpu.memory_space<vmem_shared>> -> memref<10000x64xf32, #tpu.memory_space<vmem_shared>>
      tpu.enqueue_indirect_dma source(%arg12 : memref<80x64xf32, #tpu.memory_space<vmem>>) target(%dma_start3A_97 : memref<10000x64xf32, #tpu.memory_space<vmem_shared>>) offsets(%dma_start3A_94 : memref<80xi32, #tpu.memory_space<vmem>>) semaphore(%run_scoped3A_91 : memref<!tpu.dma_semaphore, #tpu.memory_space<semaphore_mem>>) {add = true}
      %dma_wait3A_98 = arith.constant 0 : i32
      %dma_wait3A_99 = tpu.memref_slice %arg7[%run_scoped3A_85, %dma_wait3A_98] : memref<125x80xi32, #tpu.memory_space<vmem>> -> memref<1x80xi32, #tpu.memory_space<vmem>>
      %dma_wait3A_100 = tpu.memref_squeeze %dma_wait3A_99 : memref<1x80xi32, #tpu.memory_space<vmem>> -> memref<80xi32, #tpu.memory_space<vmem>>
      %dma_wait3A_101 = arith.constant 0 : i32
      %dma_wait3A_102 = arith.constant 0 : i32
      %dma_wait3A_103 = tpu.memref_slice %arg13[%dma_wait3A_101, %dma_wait3A_102] : memref<10000x64xf32, #tpu.memory_space<vmem_shared>> -> memref<10000x64xf32, #tpu.memory_space<vmem_shared>>
      tpu.wait_indirect_dma semaphore(%run_scoped3A_91 : memref<!tpu.dma_semaphore, #tpu.memory_space<semaphore_mem>>) src(%arg12 : memref<80x64xf32, #tpu.memory_space<vmem>>) dst(%dma_wait3A_103 : memref<10000x64xf32, #tpu.memory_space<vmem_shared>>)
      tpu.yield
    }) : () -> ()
    %barrier3A_86 = arith.constant 0 : index
    tpu.barrier barrier_id(%barrier3A_86)
    %mul3A_87 = arith.constant 625 : i32
    %mul3A_88 = arith.muli %arg1, %mul3A_87 : i32
    %mul3A_89 = arith.constant 625 : i32
    %mul3A_90 = arith.muli %arg1, %mul3A_89 : i32
    "tpu.region"() ({
      %run_scoped3A_91 = tpu.sem_alloc : memref<!tpu.dma_semaphore, #tpu.memory_space<semaphore_mem>>
      %dma_start3A_92 = arith.constant 0 : i32
      %dma_start3A_93 = tpu.memref_slice %arg5[%arg0, %mul3A_90, %dma_start3A_92] : memref<2x10000x64xf32, #tpu.memory_space<hbm>> -> memref<1x625x64xf32, #tpu.memory_space<hbm>>
      %dma_start3A_94 = tpu.memref_squeeze %dma_start3A_93 : memref<1x625x64xf32, #tpu.memory_space<hbm>> -> memref<625x64xf32, #tpu.memory_space<hbm>>
      %dma_start3A_95 = arith.constant 0 : i32
      %dma_start3A_96 = tpu.memref_slice %arg13[%mul3A_88, %dma_start3A_95] : memref<10000x64xf32, #tpu.memory_space<vmem_shared>> -> memref<625x64xf32, #tpu.memory_space<vmem_shared>>
      tpu.enqueue_dma source(%dma_start3A_96 : memref<625x64xf32, #tpu.memory_space<vmem_shared>>) target(%dma_start3A_94 : memref<625x64xf32, #tpu.memory_space<hbm>>) target_semaphore(%run_scoped3A_91 : memref<!tpu.dma_semaphore, #tpu.memory_space<semaphore_mem>>)
      %dma_wait3A_97 = arith.constant 0 : i32
      %dma_wait3A_98 = tpu.memref_slice %arg5[%arg0, %mul3A_90, %dma_wait3A_97] : memref<2x10000x64xf32, #tpu.memory_space<hbm>> -> memref<1x625x64xf32, #tpu.memory_space<hbm>>
      %dma_wait3A_99 = tpu.memref_squeeze %dma_wait3A_98 : memref<1x625x64xf32, #tpu.memory_space<hbm>> -> memref<625x64xf32, #tpu.memory_space<hbm>>
      %dma_wait3A_100 = arith.constant 0 : i32
      %dma_wait3A_101 = tpu.memref_slice %arg13[%mul3A_88, %dma_wait3A_100] : memref<10000x64xf32, #tpu.memory_space<vmem_shared>> -> memref<625x64xf32, #tpu.memory_space<vmem_shared>>
      tpu.wait_dma2 semaphore(%run_scoped3A_91 : memref<!tpu.dma_semaphore, #tpu.memory_space<semaphore_mem>>) src(%dma_wait3A_101 : memref<625x64xf32, #tpu.memory_space<vmem_shared>>) dst(%dma_wait3A_99 : memref<625x64xf32, #tpu.memory_space<hbm>>)
      tpu.yield
    }) : () -> ()
    return
  }
}

module attributes {stable_mosaic.version = 14 : i64} {
  func.func @body(%arg0: memref<2x10240xf32, #tpu.memory_space<vmem>>, %arg1: memref<2x10000x128xf32, #tpu.memory_space<vmem>>, %arg2: memref<128xf32, #tpu.memory_space<vmem>>, %arg3: memref<128xf32, #tpu.memory_space<vmem>>, %arg4: memref<128xf32, #tpu.memory_space<vmem>>, %arg5: memref<128x64xf32, #tpu.memory_space<vmem>>, %arg6: memref<10000x64xf32, #tpu.memory_space<vmem>>) attributes {dimension_semantics = [], scalar_prefetch = 0 : i64, scratch_operands = 0 : i64, tpu.core_type = #tpu.core_type<tc>} {
    %get3A = arith.constant 0 : index
    %get3A_0 = arith.constant 0 : index
    %get3A_1 = vector.load %arg0[%get3A, %get3A_0] : memref<2x10240xf32, #tpu.memory_space<vmem>>, vector<2x10240xf32>
    %slice3A = vector.extract_strided_slice %get3A_1 {offsets = [0, 0], sizes = [1, 10000], strides = [1, 1]} : vector<2x10240xf32> to vector<1x10000xf32>
    %squeeze3A = vector.shape_cast %slice3A : vector<1x10000xf32> to vector<10000xf32>
    %slice3A_2 = vector.extract_strided_slice %get3A_1 {offsets = [1, 0], sizes = [1, 10000], strides = [1, 1]} : vector<2x10240xf32> to vector<1x10000xf32>
    %squeeze3A_3 = vector.shape_cast %slice3A_2 : vector<1x10000xf32> to vector<10000xf32>
    %add3A = arith.addf %squeeze3A, %squeeze3A_3 : vector<10000xf32>
    %add3A_4 = arith.constant 1.000000e+00 : f32
    %add3A_5 = vector.broadcast %add3A_4 : f32 to vector<10000xf32>
    %add3A_6 = arith.addf %add3A, %add3A_5 : vector<10000xf32>
    %rsqrt3A = math.rsqrt %add3A_6 : vector<10000xf32>
    %broadcast_in_dim3A = vector.shape_cast %rsqrt3A : vector<10000xf32> to vector<10000x1xf32>
    %get3A_7 = arith.constant 0 : index
    %get3A_8 = arith.constant 0 : index
    %get3A_9 = arith.constant 0 : index
    %get3A_10 = vector.load %arg1[%get3A_7, %get3A_8, %get3A_9] : memref<2x10000x128xf32, #tpu.memory_space<vmem>>, vector<1x10000x128xf32>
    %get3A_11 = vector.shape_cast %get3A_10 : vector<1x10000x128xf32> to vector<10000x128xf32>
    %get3A_12 = arith.constant 1 : index
    %get3A_13 = arith.constant 0 : index
    %get3A_14 = arith.constant 0 : index
    %get3A_15 = vector.load %arg1[%get3A_12, %get3A_13, %get3A_14] : memref<2x10000x128xf32, #tpu.memory_space<vmem>>, vector<1x10000x128xf32>
    %get3A_16 = vector.shape_cast %get3A_15 : vector<1x10000x128xf32> to vector<10000x128xf32>
    %add3A_17 = arith.addf %get3A_11, %get3A_16 : vector<10000x128xf32>
    %mul3A = vector.broadcast %broadcast_in_dim3A : vector<10000x1xf32> to vector<10000x128xf32>
    %mul3A_18 = arith.mulf %add3A_17, %mul3A : vector<10000x128xf32>
    %get3A_19 = arith.constant 0 : index
    %get3A_20 = vector.load %arg2[%get3A_19] : memref<128xf32, #tpu.memory_space<vmem>>, vector<128xf32>
    %broadcast_in_dim3A_21 = vector.shape_cast %get3A_20 : vector<128xf32> to vector<1x128xf32>
    %add3A_22 = vector.broadcast %broadcast_in_dim3A_21 : vector<1x128xf32> to vector<10000x128xf32>
    %add3A_23 = arith.addf %mul3A_18, %add3A_22 : vector<10000x128xf32>
    %reduce_sum3A = arith.constant dense<0.000000e+00> : vector<128xf32>
    %reduce_sum3A_24 = vector.multi_reduction <add>, %add3A_23, %reduce_sum3A [0] : vector<10000x128xf32> to vector<128xf32>
    %broadcast_in_dim3A_25 = vector.shape_cast %reduce_sum3A_24 : vector<128xf32> to vector<1x128xf32>
    %div3A = arith.constant 1.000000e+04 : f32
    %div3A_26 = vector.broadcast %div3A : f32 to vector<1x128xf32>
    %div3A_27 = arith.divf %broadcast_in_dim3A_25, %div3A_26 : vector<1x128xf32>
    %sub3A = vector.broadcast %div3A_27 : vector<1x128xf32> to vector<10000x128xf32>
    %sub3A_28 = arith.subf %add3A_23, %sub3A : vector<10000x128xf32>
    %integer_pow3A = arith.mulf %sub3A_28, %sub3A_28 : vector<10000x128xf32>
    %reduce_sum3A_29 = arith.constant dense<0.000000e+00> : vector<128xf32>
    %reduce_sum3A_30 = vector.multi_reduction <add>, %integer_pow3A, %reduce_sum3A_29 [0] : vector<10000x128xf32> to vector<128xf32>
    %broadcast_in_dim3A_31 = vector.shape_cast %reduce_sum3A_30 : vector<128xf32> to vector<1x128xf32>
    %div3A_32 = arith.constant 1.000000e+04 : f32
    %div3A_33 = vector.broadcast %div3A_32 : f32 to vector<1x128xf32>
    %div3A_34 = arith.divf %broadcast_in_dim3A_31, %div3A_33 : vector<1x128xf32>
    %sub3A_35 = vector.broadcast %div3A_27 : vector<1x128xf32> to vector<10000x128xf32>
    %sub3A_36 = arith.subf %add3A_23, %sub3A_35 : vector<10000x128xf32>
    %add3A_37 = arith.constant 9.99999974E-6 : f32
    %add3A_38 = vector.broadcast %add3A_37 : f32 to vector<1x128xf32>
    %add3A_39 = arith.addf %div3A_34, %add3A_38 : vector<1x128xf32>
    %rsqrt3A_40 = math.rsqrt %add3A_39 : vector<1x128xf32>
    %mul3A_41 = vector.broadcast %rsqrt3A_40 : vector<1x128xf32> to vector<10000x128xf32>
    %mul3A_42 = arith.mulf %sub3A_36, %mul3A_41 : vector<10000x128xf32>
    %get3A_43 = arith.constant 0 : index
    %get3A_44 = vector.load %arg3[%get3A_43] : memref<128xf32, #tpu.memory_space<vmem>>, vector<128xf32>
    %broadcast_in_dim3A_45 = vector.shape_cast %get3A_44 : vector<128xf32> to vector<1x128xf32>
    %mul3A_46 = vector.broadcast %broadcast_in_dim3A_45 : vector<1x128xf32> to vector<10000x128xf32>
    %mul3A_47 = arith.mulf %mul3A_42, %mul3A_46 : vector<10000x128xf32>
    %get3A_48 = arith.constant 0 : index
    %get3A_49 = vector.load %arg4[%get3A_48] : memref<128xf32, #tpu.memory_space<vmem>>, vector<128xf32>
    %broadcast_in_dim3A_50 = vector.shape_cast %get3A_49 : vector<128xf32> to vector<1x128xf32>
    %add3A_51 = vector.broadcast %broadcast_in_dim3A_50 : vector<1x128xf32> to vector<10000x128xf32>
    %add3A_52 = arith.addf %mul3A_47, %add3A_51 : vector<10000x128xf32>
    %max3A = arith.constant 0.000000e+00 : f32
    %max3A_53 = vector.broadcast %max3A : f32 to vector<10000x128xf32>
    %max3A_54 = arith.maximumf %add3A_52, %max3A_53 : vector<10000x128xf32>
    %get3A_55 = arith.constant 0 : index
    %get3A_56 = arith.constant 0 : index
    %get3A_57 = vector.load %arg5[%get3A_55, %get3A_56] : memref<128x64xf32, #tpu.memory_space<vmem>>, vector<128x64xf32>
    %dot_general3A = arith.constant dense<0.000000e+00> : vector<10000x64xf32>
    %dot_general3A_58 = tpu.matmul %max3A_54, %get3A_57, %dot_general3A {dimension_numbers = #tpu.dot_dimension_numbers<[1], [0], [0], [1], [0, 0, 1, 1], [], []>, transpose_lhs_hint = false} : vector<10000x128xf32>, vector<128x64xf32>, vector<10000x64xf32> -> vector<10000x64xf32>
    %mul3A_59 = vector.broadcast %broadcast_in_dim3A : vector<10000x1xf32> to vector<10000x64xf32>
    %mul3A_60 = arith.mulf %dot_general3A_58, %mul3A_59 : vector<10000x64xf32>
    %swap3A = arith.constant 0 : index
    %swap3A_61 = arith.constant 0 : index
    %swap3A_62 = vector.load %arg6[%swap3A, %swap3A_61] : memref<10000x64xf32, #tpu.memory_space<vmem>>, vector<10000x64xf32>
    tpu.vector_store %arg6[%swap3A, %swap3A_61], %mul3A_60 {strides = array<i32>} : memref<10000x64xf32, #tpu.memory_space<vmem>>, vector<10000x64xf32>,
    return
  }
}

module attributes {stable_mosaic.version = 14 : i64} {
  func.func @body(%arg0: memref<10000x128xf32, #tpu.memory_space<vmem>>, %arg1: memref<128x128xf32, #tpu.memory_space<vmem>>, %arg2: memref<2x10240xf32, #tpu.memory_space<vmem>>, %arg3: memref<10000x128xf32, #tpu.memory_space<vmem>>) attributes {dimension_semantics = [], scalar_prefetch = 0 : i64, scratch_operands = 0 : i64, tpu.core_type = #tpu.core_type<tc>} {
    %get3A = arith.constant 0 : index
    %get3A_0 = arith.constant 0 : index
    %get3A_1 = vector.load %arg2[%get3A, %get3A_0] : memref<2x10240xf32, #tpu.memory_space<vmem>>, vector<2x10240xf32>
    %slice3A = vector.extract_strided_slice %get3A_1 {offsets = [0, 0], sizes = [1, 10000], strides = [1, 1]} : vector<2x10240xf32> to vector<1x10000xf32>
    %squeeze3A = vector.shape_cast %slice3A : vector<1x10000xf32> to vector<10000xf32>
    %slice3A_2 = vector.extract_strided_slice %get3A_1 {offsets = [1, 0], sizes = [1, 10000], strides = [1, 1]} : vector<2x10240xf32> to vector<1x10000xf32>
    %squeeze3A_3 = vector.shape_cast %slice3A_2 : vector<1x10000xf32> to vector<10000xf32>
    %add3A = arith.addf %squeeze3A, %squeeze3A_3 : vector<10000xf32>
    %add3A_4 = arith.constant 1.000000e+00 : f32
    %add3A_5 = vector.broadcast %add3A_4 : f32 to vector<10000xf32>
    %add3A_6 = arith.addf %add3A, %add3A_5 : vector<10000xf32>
    %rsqrt3A = math.rsqrt %add3A_6 : vector<10000xf32>
    %broadcast_in_dim3A = vector.shape_cast %rsqrt3A : vector<10000xf32> to vector<10000x1xf32>
    %get3A_7 = arith.constant 0 : index
    %get3A_8 = arith.constant 0 : index
    %get3A_9 = vector.load %arg0[%get3A_7, %get3A_8] : memref<10000x128xf32, #tpu.memory_space<vmem>>, vector<10000x128xf32>
    %get3A_10 = arith.constant 0 : index
    %get3A_11 = arith.constant 0 : index
    %get3A_12 = vector.load %arg1[%get3A_10, %get3A_11] : memref<128x128xf32, #tpu.memory_space<vmem>>, vector<128x128xf32>
    %dot_general3A = arith.constant dense<0.000000e+00> : vector<10000x128xf32>
    %dot_general3A_13 = tpu.matmul %get3A_9, %get3A_12, %dot_general3A {dimension_numbers = #tpu.dot_dimension_numbers<[1], [0], [0], [1], [0, 0, 1, 1], [], []>, transpose_lhs_hint = false} : vector<10000x128xf32>, vector<128x128xf32>, vector<10000x128xf32> -> vector<10000x128xf32>
    %mul3A = vector.broadcast %broadcast_in_dim3A : vector<10000x1xf32> to vector<10000x128xf32>
    %mul3A_14 = arith.mulf %dot_general3A_13, %mul3A : vector<10000x128xf32>
    %swap3A = arith.constant 0 : index
    %swap3A_15 = arith.constant 0 : index
    %swap3A_16 = vector.load %arg3[%swap3A, %swap3A_15] : memref<10000x128xf32, #tpu.memory_space<vmem>>, vector<10000x128xf32>
    tpu.vector_store %arg3[%swap3A, %swap3A_15], %mul3A_14 {strides = array<i32>} : memref<10000x128xf32, #tpu.memory_space<vmem>>, vector<10000x128xf32>,
    return
  }
}

module attributes {stable_mosaic.version = 14 : i64} {
  func.func @body(%arg0: memref<2x10240xf32, #tpu.memory_space<vmem>>, %arg1: memref<2x10000x128xf32, #tpu.memory_space<vmem>>, %arg2: memref<128xf32, #tpu.memory_space<vmem>>, %arg3: memref<128xf32, #tpu.memory_space<vmem>>, %arg4: memref<128xf32, #tpu.memory_space<vmem>>, %arg5: memref<128x128xf32, #tpu.memory_space<vmem>>, %arg6: memref<10000x128xf32, #tpu.memory_space<vmem>>) attributes {dimension_semantics = [], scalar_prefetch = 0 : i64, scratch_operands = 0 : i64, tpu.core_type = #tpu.core_type<tc>} {
    %get3A = arith.constant 0 : index
    %get3A_0 = arith.constant 0 : index
    %get3A_1 = vector.load %arg0[%get3A, %get3A_0] : memref<2x10240xf32, #tpu.memory_space<vmem>>, vector<2x10240xf32>
    %slice3A = vector.extract_strided_slice %get3A_1 {offsets = [0, 0], sizes = [1, 10000], strides = [1, 1]} : vector<2x10240xf32> to vector<1x10000xf32>
    %squeeze3A = vector.shape_cast %slice3A : vector<1x10000xf32> to vector<10000xf32>
    %slice3A_2 = vector.extract_strided_slice %get3A_1 {offsets = [1, 0], sizes = [1, 10000], strides = [1, 1]} : vector<2x10240xf32> to vector<1x10000xf32>
    %squeeze3A_3 = vector.shape_cast %slice3A_2 : vector<1x10000xf32> to vector<10000xf32>
    %add3A = arith.addf %squeeze3A, %squeeze3A_3 : vector<10000xf32>
    %add3A_4 = arith.constant 1.000000e+00 : f32
    %add3A_5 = vector.broadcast %add3A_4 : f32 to vector<10000xf32>
    %add3A_6 = arith.addf %add3A, %add3A_5 : vector<10000xf32>
    %rsqrt3A = math.rsqrt %add3A_6 : vector<10000xf32>
    %broadcast_in_dim3A = vector.shape_cast %rsqrt3A : vector<10000xf32> to vector<10000x1xf32>
    %get3A_7 = arith.constant 0 : index
    %get3A_8 = arith.constant 0 : index
    %get3A_9 = arith.constant 0 : index
    %get3A_10 = vector.load %arg1[%get3A_7, %get3A_8, %get3A_9] : memref<2x10000x128xf32, #tpu.memory_space<vmem>>, vector<1x10000x128xf32>
    %get3A_11 = vector.shape_cast %get3A_10 : vector<1x10000x128xf32> to vector<10000x128xf32>
    %get3A_12 = arith.constant 1 : index
    %get3A_13 = arith.constant 0 : index
    %get3A_14 = arith.constant 0 : index
    %get3A_15 = vector.load %arg1[%get3A_12, %get3A_13, %get3A_14] : memref<2x10000x128xf32, #tpu.memory_space<vmem>>, vector<1x10000x128xf32>
    %get3A_16 = vector.shape_cast %get3A_15 : vector<1x10000x128xf32> to vector<10000x128xf32>
    %add3A_17 = arith.addf %get3A_11, %get3A_16 : vector<10000x128xf32>
    %mul3A = vector.broadcast %broadcast_in_dim3A : vector<10000x1xf32> to vector<10000x128xf32>
    %mul3A_18 = arith.mulf %add3A_17, %mul3A : vector<10000x128xf32>
    %get3A_19 = arith.constant 0 : index
    %get3A_20 = vector.load %arg2[%get3A_19] : memref<128xf32, #tpu.memory_space<vmem>>, vector<128xf32>
    %broadcast_in_dim3A_21 = vector.shape_cast %get3A_20 : vector<128xf32> to vector<1x128xf32>
    %add3A_22 = vector.broadcast %broadcast_in_dim3A_21 : vector<1x128xf32> to vector<10000x128xf32>
    %add3A_23 = arith.addf %mul3A_18, %add3A_22 : vector<10000x128xf32>
    %reduce_sum3A = arith.constant dense<0.000000e+00> : vector<128xf32>
    %reduce_sum3A_24 = vector.multi_reduction <add>, %add3A_23, %reduce_sum3A [0] : vector<10000x128xf32> to vector<128xf32>
    %broadcast_in_dim3A_25 = vector.shape_cast %reduce_sum3A_24 : vector<128xf32> to vector<1x128xf32>
    %div3A = arith.constant 1.000000e+04 : f32
    %div3A_26 = vector.broadcast %div3A : f32 to vector<1x128xf32>
    %div3A_27 = arith.divf %broadcast_in_dim3A_25, %div3A_26 : vector<1x128xf32>
    %sub3A = vector.broadcast %div3A_27 : vector<1x128xf32> to vector<10000x128xf32>
    %sub3A_28 = arith.subf %add3A_23, %sub3A : vector<10000x128xf32>
    %integer_pow3A = arith.mulf %sub3A_28, %sub3A_28 : vector<10000x128xf32>
    %reduce_sum3A_29 = arith.constant dense<0.000000e+00> : vector<128xf32>
    %reduce_sum3A_30 = vector.multi_reduction <add>, %integer_pow3A, %reduce_sum3A_29 [0] : vector<10000x128xf32> to vector<128xf32>
    %broadcast_in_dim3A_31 = vector.shape_cast %reduce_sum3A_30 : vector<128xf32> to vector<1x128xf32>
    %div3A_32 = arith.constant 1.000000e+04 : f32
    %div3A_33 = vector.broadcast %div3A_32 : f32 to vector<1x128xf32>
    %div3A_34 = arith.divf %broadcast_in_dim3A_31, %div3A_33 : vector<1x128xf32>
    %sub3A_35 = vector.broadcast %div3A_27 : vector<1x128xf32> to vector<10000x128xf32>
    %sub3A_36 = arith.subf %add3A_23, %sub3A_35 : vector<10000x128xf32>
    %add3A_37 = arith.constant 9.99999974E-6 : f32
    %add3A_38 = vector.broadcast %add3A_37 : f32 to vector<1x128xf32>
    %add3A_39 = arith.addf %div3A_34, %add3A_38 : vector<1x128xf32>
    %rsqrt3A_40 = math.rsqrt %add3A_39 : vector<1x128xf32>
    %mul3A_41 = vector.broadcast %rsqrt3A_40 : vector<1x128xf32> to vector<10000x128xf32>
    %mul3A_42 = arith.mulf %sub3A_36, %mul3A_41 : vector<10000x128xf32>
    %get3A_43 = arith.constant 0 : index
    %get3A_44 = vector.load %arg3[%get3A_43] : memref<128xf32, #tpu.memory_space<vmem>>, vector<128xf32>
    %broadcast_in_dim3A_45 = vector.shape_cast %get3A_44 : vector<128xf32> to vector<1x128xf32>
    %mul3A_46 = vector.broadcast %broadcast_in_dim3A_45 : vector<1x128xf32> to vector<10000x128xf32>
    %mul3A_47 = arith.mulf %mul3A_42, %mul3A_46 : vector<10000x128xf32>
    %get3A_48 = arith.constant 0 : index
    %get3A_49 = vector.load %arg4[%get3A_48] : memref<128xf32, #tpu.memory_space<vmem>>, vector<128xf32>
    %broadcast_in_dim3A_50 = vector.shape_cast %get3A_49 : vector<128xf32> to vector<1x128xf32>
    %add3A_51 = vector.broadcast %broadcast_in_dim3A_50 : vector<1x128xf32> to vector<10000x128xf32>
    %add3A_52 = arith.addf %mul3A_47, %add3A_51 : vector<10000x128xf32>
    %max3A = arith.constant 0.000000e+00 : f32
    %max3A_53 = vector.broadcast %max3A : f32 to vector<10000x128xf32>
    %max3A_54 = arith.maximumf %add3A_52, %max3A_53 : vector<10000x128xf32>
    %get3A_55 = arith.constant 0 : index
    %get3A_56 = arith.constant 0 : index
    %get3A_57 = vector.load %arg5[%get3A_55, %get3A_56] : memref<128x128xf32, #tpu.memory_space<vmem>>, vector<128x128xf32>
    %dot_general3A = arith.constant dense<0.000000e+00> : vector<10000x128xf32>
    %dot_general3A_58 = tpu.matmul %max3A_54, %get3A_57, %dot_general3A {dimension_numbers = #tpu.dot_dimension_numbers<[1], [0], [0], [1], [0, 0, 1, 1], [], []>, transpose_lhs_hint = false} : vector<10000x128xf32>, vector<128x128xf32>, vector<10000x128xf32> -> vector<10000x128xf32>
    %mul3A_59 = vector.broadcast %broadcast_in_dim3A : vector<10000x1xf32> to vector<10000x128xf32>
    %mul3A_60 = arith.mulf %dot_general3A_58, %mul3A_59 : vector<10000x128xf32>
    %swap3A = arith.constant 0 : index
    %swap3A_61 = arith.constant 0 : index
    %swap3A_62 = vector.load %arg6[%swap3A, %swap3A_61] : memref<10000x128xf32, #tpu.memory_space<vmem>>, vector<10000x128xf32>
    tpu.vector_store %arg6[%swap3A, %swap3A_61], %mul3A_60 {strides = array<i32>} : memref<10000x128xf32, #tpu.memory_space<vmem>>, vector<10000x128xf32>,
    return
  }
}

module attributes {stable_mosaic.version = 14 : i64} {
  func.func @body(%arg0: memref<2x10240xf32, #tpu.memory_space<vmem>>, %arg1: memref<2x10000x64xf32, #tpu.memory_space<vmem>>, %arg2: memref<64xf32, #tpu.memory_space<vmem>>, %arg3: memref<10000x64xf32, #tpu.memory_space<vmem>>) attributes {dimension_semantics = [], scalar_prefetch = 0 : i64, scratch_operands = 0 : i64, tpu.core_type = #tpu.core_type<tc>} {
    %get3A = arith.constant 0 : index
    %get3A_0 = arith.constant 0 : index
    %get3A_1 = vector.load %arg0[%get3A, %get3A_0] : memref<2x10240xf32, #tpu.memory_space<vmem>>, vector<2x10240xf32>
    %slice3A = vector.extract_strided_slice %get3A_1 {offsets = [0, 0], sizes = [1, 10000], strides = [1, 1]} : vector<2x10240xf32> to vector<1x10000xf32>
    %squeeze3A = vector.shape_cast %slice3A : vector<1x10000xf32> to vector<10000xf32>
    %slice3A_2 = vector.extract_strided_slice %get3A_1 {offsets = [1, 0], sizes = [1, 10000], strides = [1, 1]} : vector<2x10240xf32> to vector<1x10000xf32>
    %squeeze3A_3 = vector.shape_cast %slice3A_2 : vector<1x10000xf32> to vector<10000xf32>
    %add3A = arith.addf %squeeze3A, %squeeze3A_3 : vector<10000xf32>
    %add3A_4 = arith.constant 1.000000e+00 : f32
    %add3A_5 = vector.broadcast %add3A_4 : f32 to vector<10000xf32>
    %add3A_6 = arith.addf %add3A, %add3A_5 : vector<10000xf32>
    %rsqrt3A = math.rsqrt %add3A_6 : vector<10000xf32>
    %broadcast_in_dim3A = vector.shape_cast %rsqrt3A : vector<10000xf32> to vector<10000x1xf32>
    %get3A_7 = arith.constant 0 : index
    %get3A_8 = arith.constant 0 : index
    %get3A_9 = arith.constant 0 : index
    %get3A_10 = vector.load %arg1[%get3A_7, %get3A_8, %get3A_9] : memref<2x10000x64xf32, #tpu.memory_space<vmem>>, vector<1x10000x64xf32>
    %get3A_11 = vector.shape_cast %get3A_10 : vector<1x10000x64xf32> to vector<10000x64xf32>
    %get3A_12 = arith.constant 1 : index
    %get3A_13 = arith.constant 0 : index
    %get3A_14 = arith.constant 0 : index
    %get3A_15 = vector.load %arg1[%get3A_12, %get3A_13, %get3A_14] : memref<2x10000x64xf32, #tpu.memory_space<vmem>>, vector<1x10000x64xf32>
    %get3A_16 = vector.shape_cast %get3A_15 : vector<1x10000x64xf32> to vector<10000x64xf32>
    %add3A_17 = arith.addf %get3A_11, %get3A_16 : vector<10000x64xf32>
    %mul3A = vector.broadcast %broadcast_in_dim3A : vector<10000x1xf32> to vector<10000x64xf32>
    %mul3A_18 = arith.mulf %add3A_17, %mul3A : vector<10000x64xf32>
    %get3A_19 = arith.constant 0 : index
    %get3A_20 = vector.load %arg2[%get3A_19] : memref<64xf32, #tpu.memory_space<vmem>>, vector<64xf32>
    %broadcast_in_dim3A_21 = vector.shape_cast %get3A_20 : vector<64xf32> to vector<1x64xf32>
    %add3A_22 = vector.broadcast %broadcast_in_dim3A_21 : vector<1x64xf32> to vector<10000x64xf32>
    %add3A_23 = arith.addf %mul3A_18, %add3A_22 : vector<10000x64xf32>
    %reduce_max3A = arith.constant dense<0xFF800000> : vector<10000xf32>
    %reduce_max3A_24 = vector.multi_reduction <maximumf>, %add3A_23, %reduce_max3A [1] : vector<10000x64xf32> to vector<10000xf32>
    %broadcast_in_dim3A_25 = vector.shape_cast %reduce_max3A_24 : vector<10000xf32> to vector<10000x1xf32>
    %sub3A = vector.broadcast %broadcast_in_dim3A_25 : vector<10000x1xf32> to vector<10000x64xf32>
    %sub3A_26 = arith.subf %add3A_23, %sub3A : vector<10000x64xf32>
    %exp3A = math.exp %sub3A_26 : vector<10000x64xf32>
    %reduce_sum3A = arith.constant dense<0.000000e+00> : vector<10000xf32>
    %reduce_sum3A_27 = vector.multi_reduction <add>, %exp3A, %reduce_sum3A [1] : vector<10000x64xf32> to vector<10000xf32>
    %broadcast_in_dim3A_28 = vector.shape_cast %reduce_sum3A_27 : vector<10000xf32> to vector<10000x1xf32>
    %div3A = vector.broadcast %broadcast_in_dim3A_28 : vector<10000x1xf32> to vector<10000x64xf32>
    %div3A_29 = arith.divf %exp3A, %div3A : vector<10000x64xf32>
    %swap3A = arith.constant 0 : index
    %swap3A_30 = arith.constant 0 : index
    %swap3A_31 = vector.load %arg3[%swap3A, %swap3A_30] : memref<10000x64xf32, #tpu.memory_space<vmem>>, vector<10000x64xf32>
    tpu.vector_store %arg3[%swap3A, %swap3A_30], %div3A_29 {strides = array<i32>} : memref<10000x64xf32, #tpu.memory_space<vmem>>, vector<10000x64xf32>,
    return
  }
}

</mosaic_0001>

<sc_bundles>
// kernel: kernel.10.cloned.1.call-start
scs
__scs_entry_jumppad:
0x0: {  	(pc) =	sbr.rel $0x88, $3  }
0x1: {  	(tag) =	ssettag $0x0;
	lr =	simm.s32 $0x1  }
0x2: {  	[smem:$0x3F95] =	sst lr;
	_ =	strace $0xD0000000  }
0x3: {  	_ = 	snop  }
0x4: {  	_ = 	snop  }
0x5: {  	_ = 	snop  }
0x6: {  	_ = 	snop  }
0x7: {  	_ = 	snop  }
__scs_overlays_trampoline_lowered:
0x8: {  	[smem:$0x3FA4] =	sst s0  }
0x9: {  	[smem:$0x3FA5] =	sst s1  }
0xa: {  	[smem:$0x3FA6] =	sst s2  }
0xb: {  	[smem:$0x3FA7] =	sst s3  }
0xc: {  	[smem:$0x3FA8] =	sst s4  }
0xd: {  	[smem:$0x3FA9] =	sst s5  }
0xe: {  	[smem:$0x3FAA] =	sst s6  }
0xf: {  	[smem:$0x3FAB] =	sst s7  }
0x10: {  	[smem:$0x3FAC] =	sst s8  }
0x11: {  	[smem:$0x3FAD] =	sst s9;
	s0 =	simm.s32 @!p0 $0x0  }
0x12: {  	s1 =	sld [smem:$0x3F93];
	s0 =	simm.s32 @p0 $0x1  }
0x13: {  	[smem:$0x3FAE] =	sst s0;
	s0 =	simm.s32 @!p1 $0x0  }
0x14: {  	s2 =	sld [smem:$0x3F92];
	s0 =	simm.s32 @p1 $0x1  }
0x15: {  	[smem:$0x3FAF] =	sst s0;
	s0 =	simm.s32 @!p2 $0x0  }
0x16: {  	s3 =	sld [smem:$0x3FDB];
	s0 =	simm.s32 @p2 $0x1  }
0x17: {  	s4 =	simm.s32 $0x1BF5;
	[smem:$0x3FB1] =	sst s0  }
0x18: {  	s0 =	sld [smem:$0x3F94];
	_ =	swait.ge [sflag:s4], $0x0  }
0x19: {  	s7 =	sld [smem:$0x3F95]  }
0x1a: {  	s8 =	sadd.s32 $0xFFFFE003, lr  }
0x1b: {  	s9 =	sadd.s32 $0xFFFFFEF7, lr;
	s5 =	simm.s32 $0xFFFFFFFF;
	p2 =	slt.u32 s8, $0xFFFFF086  }
0x1c: {  	p1 =	slt.u32 s9, $0xF7A;
	s5 =	simm.s32 @!p2 $0x0  }
0x1d: {  	s5 =	simm.s32 @p1 $0x1;
	p0 =	seq.s32 s7, s2  }
0x1e: {  	s7 =	smul.u32 @!p0 $0xF7A, s2;
	p2 =	seq.s32 @!p0 s5, $0x0  }
0x1f: {  	s9 =	smul.u32 $0xF7A, s1;
	s8 =	simm.s32 @!p0 $0x1BF5;
	p2 =	por !p2, p0  }
0x20: {  	[sflag:s8] =	ssyncset.s32 @!p0 $0xFFFFF086;
	s6 =	sadd.s32 @!p0 s3, s7;
	s7 =	simm.s32 @!p0 $0x108  }
0x21: {  	s3 =	sadd.s32 s3, s9;
	s6 =	sadd.s32 @!p0 $0x88, s6;
	s7 =	simm.s32 @p2 $0x1082  }
0x22: {  	[simem:s7], [sflag:s8] =	dma.local @!p0 [hbm:s6], $0xF7A  }
0x23: {  	s9 =	sor.u32 $0xD0000000, s2;
	s6 =	simm.s32 $0x108;
	_ =	swait.ge @!p0 [sflag:s8], $0x0  }
0x24: {  	s3 =	sadd.s32 $0x88, s3;
	s6 =	simm.s32 @!p1 $0x1082;
	[sflag:s4] =	ssyncset.s32 $0xFFFFF086  }
0x25: {  	[simem:s6], [sflag:s4] =	dma.local [hbm:s3], $0xF7A  }
0x26: {  	[smem:$0x3F95] =	sst s1;
	(tag) =	ssettag s2;
	_ =	strace s9  }
0x27: {  	s1 =	sld [smem:$0x3FA5]  }
0x28: {  	s2 =	sld [smem:$0x3FA6]  }
0x29: {  	s4 =	sld [smem:$0x3FA8]  }
0x2a: {  	p0 =	seq.s32 s5, $0x0;
	s5 =	sld [smem:$0x3FA9]  }
0x2b: {  	s6 =	sld [smem:$0x3FAA]  }
0x2c: {  	s7 =	sld [smem:$0x3FAB]  }
0x2d: {  	s3 =	simm.s32 $0x108;
	s8 =	sld [smem:$0x3FAC]  }
0x2e: {  	s3 =	simm.s32 @!p0 $0x1082;
	s9 =	sld [smem:$0x3FAD]  }
0x2f: {  	lr =	sadd.s32 s0, s3;
	s0 =	sld [smem:$0x3FA4]  }
0x30: {  	s3 =	sld [smem:$0x3FA7]  }
0x31: {  	[smem:$0x3FB0] =	sst s10  }
0x32: {  	s10 =	sld [smem:$0x3FAE];
	_ =	sdelay $0x3  }
0x33: {  	p0 =	seq.s32 s10, $0x1;
	s10 =	sld [smem:$0x3FB0];
	_ =	sdelay $0x3  }
0x34: {  	[smem:$0x3FB0] =	sst s10  }
0x35: {  	s10 =	sld [smem:$0x3FAF];
	_ =	sdelay $0x3  }
0x36: {  	p1 =	seq.s32 s10, $0x1;
	s10 =	sld [smem:$0x3FB0];
	_ =	sdelay $0x3  }
0x37: {  	[smem:$0x3FB0] =	sst s10  }
0x38: {  	s10 =	sld [smem:$0x3FB1]  }
0x39: {  	_ = 	snop;
	(pc) =	sbr.ind lr, $3  }
0x3a: {  	_ = 	snop  }
0x3b: {  	_ = 	snop  }
0x3c: {  	p2 =	seq.s32 s10, $0x1;
	s10 =	sld [smem:$0x3FB0]  }
0x3d: {  	_ =	shalt  }
0x3e: {  	_ =	shalt  }
0x3f: {  	_ =	shalt  }
0x40: {  	_ =	shalt  }
0x41: {  	_ =	shalt  }
0x42: {  	_ =	shalt  }
0x43: {  	_ =	shalt  }
0x44: {  	_ =	shalt  }
0x45: {  	_ =	shalt  }
0x46: {  	_ =	shalt  }
0x47: {  	_ =	shalt  }
0x48: {  	_ =	shalt  }
0x49: {  	_ =	shalt  }
0x4a: {  	_ =	shalt  }
0x4b: {  	_ =	shalt  }
0x4c: {  	_ =	shalt  }
0x4d: {  	_ =	shalt  }
0x4e: {  	_ =	shalt  }
0x4f: {  	_ =	shalt  }
0x50: {  	_ =	shalt  }
0x51: {  	_ =	shalt  }
0x52: {  	_ =	shalt  }
0x53: {  	_ =	shalt  }
0x54: {  	_ =	shalt  }
0x55: {  	_ =	shalt  }
0x56: {  	_ =	shalt  }
0x57: {  	_ =	shalt  }
0x58: {  	_ =	shalt  }
0x59: {  	_ =	shalt  }
0x5a: {  	_ =	shalt  }
0x5b: {  	_ =	shalt  }
0x5c: {  	_ =	shalt  }
0x5d: {  	_ =	shalt  }
0x5e: {  	_ =	shalt  }
0x5f: {  	_ =	shalt  }
0x60: {  	_ =	shalt  }
0x61: {  	_ =	shalt  }
0x62: {  	_ =	shalt  }
0x63: {  	_ =	shalt  }
0x64: {  	_ =	shalt  }
0x65: {  	_ =	shalt  }
0x66: {  	_ =	shalt  }
0x67: {  	_ =	shalt  }
0x68: {  	_ =	shalt  }
0x69: {  	_ =	shalt  }
0x6a: {  	_ =	shalt  }
0x6b: {  	_ =	shalt  }
0x6c: {  	_ =	shalt  }
0x6d: {  	_ =	shalt  }
0x6e: {  	_ =	shalt  }
0x6f: {  	_ =	shalt  }
0x70: {  	_ =	shalt  }
0x71: {  	_ =	shalt  }
0x72: {  	_ =	shalt  }
0x73: {  	_ =	shalt  }
0x74: {  	_ =	shalt  }
0x75: {  	_ =	shalt  }
0x76: {  	_ =	shalt  }
0x77: {  	_ =	shalt  }
0x78: {  	_ =	shalt  }
0x79: {  	_ =	shalt  }
0x7a: {  	_ =	shalt  }
0x7b: {  	_ =	shalt  }
0x7c: {  	_ =	shalt  }
0x7d: {  	_ =	shalt  }
0x7e: {  	_ =	shalt  }
0x7f: {  	_ =	shalt  }
0x80: {  	_ =	shalt  }
0x81: {  	_ =	shalt  }
0x82: {  	_ =	shalt  }
0x83: {  	_ =	shalt  }
0x84: {  	_ =	shalt  }
0x85: {  	_ =	shalt  }
0x86: {  	_ =	shalt  }
0x87: {  	_ =	shalt  }
.Lfunc_end0:
.L_simem_size_0:
called_computation_lowered:
.L_overlay_start_0:
0x88: {  	s2 =	sld [smem:$0x3FD9]  }
0x89: {  	s3 =	sld [smem:$0x3FFE];
	_ =	sdelay $0x1  }
0x8a: {  	s1 =	srdreg.scid  }
0x8b: {  	s0 =	sand.u32 $0x1, s1  }
0x8c: {  	s17 =	sshll.u32 s0, $0xA;
	s2 =	sadd.s32 s3, s2  }
0x8d: {  	s2 =	sadd.s32 s2, s17  }
0x8e: {  	[smem:$0x3FBC] =	sst s2  }
0x8f: {  	_ = 	snop  }
0x90: {  	s2 =	sld [smem:$0x3FD0];
	(tm) =	ssettm $0x1  }
0x91: {  	s18 =	sld [smem:$0x3FFB];
	_ =	sdelay $0x3  }
0x92: {  	_ =	strace s18  }
0x93: {  	s3 =	sld [smem:$0x3FFC];
	_ =	sdelay $0x3  }
0x94: {  	_ =	strace s3  }
0x95: {  	s3 =	sld [smem:$0x3FFD];
	_ =	sdelay $0x3  }
0x96: {  	_ =	strace s3  }
0x97: {  	_ =	strace $0x8FFFFFFF  }
0x98: {  	s19 =	sld [smem:$0x3FDB];
	_ =	sdelay $0x1  }
0x99: {  	s4 =	simm.s32 $_scs_section_size  }
0x9a: {  	s5 =	simm.s32 $_size__tile_overlayer_lowered;
	s6 =	simm.s32 $_tile_overlayer_lowered  }
0x9b: {  	s22 =	simm.s32 $0x1BFF;
	s21 =	sshll.u32 s6, $0x1;
	s3 =	sadd.s32 s4, s19  }
0x9c: {  	s7 =	simm.s32 $0x0;
	s20 =	sshll.u32 s5, $0x1;
	s5 =	sadd.s32 s21, s3  }
0x9d: {  	[timem:s7], [sflag:s22] =	dma.local [hbm:s5], s20  }
0x9e: {  	_ =	swait.ge [sflag:s22], s20  }
0x9f: {  	s4 =	ssub.s32 $0x0, s20;
	[sflag:s22] =	ssyncset.done $0x0  }
0xa0: {  	[sflag:s22] =	ssyncadd.s32 s4;
	_ =	sdelay $0x1  }
0xa1: {  	s23 =	simm.s32 $0x1B8B  }
0xa2: {  	_ =	swait.ge [sflag:s23], $0x1  }
0xa3: {  	[sflag:s23] =	ssyncset.done $0x0  }
0xa4: {  	s25 =	simm.s32 $0x1B8E;
	s24 =	sld [smem:$0x3FFE];
	[sflag:s23] =	ssyncadd.s32 $0xFFFFFFFF  }
0xa5: {  	s26 =	simm.s32 $execute0_lowered;
	[smem:$0x3FD2] =	sst s25  }
0xa6: {  	s5 =	sshll.u32 s26, $0x1;
	_ =	strace $0x80000046;
	[dreg:$0x1] =	wrdreg $0xFFFFFFFF  }
0xa7: {  	s28 =	simm.s32 $_size_execute0_lowered;
	s3 =	sadd.s32 s3, s5;
	[dreg:$0x0] =	wrdreg $0x0  }
0xa8: {  	s5 =	sshll.u32 s28, $0x1;
	[dreg:$0x2] =	wrdreg s3  }
0xa9: {  	[dreg:$0x3] =	wrdreg s5  }
0xaa: {  	[dreg:$0x4] =	wrdreg $0xC0  }
0xab: {  	_ =	task [dreg:s7], $0x5FFFF  }
0xac: {  	[dreg:$0x1] =	wrdreg $0xFFFFFFFF  }
0xad: {  	[dreg:$0x0] =	wrdreg $0x60  }
0xae: {  	[dreg:$0x2] =	wrdreg s2  }
0xaf: {  	[dreg:$0x3] =	wrdreg s24  }
0xb0: {  	[dreg:$0x4] =	wrdreg $0x29E00  }
0xb1: {  	[dreg:$0x5] =	wrdreg $0x9  }
0xb2: {  	_ =	task.clear_ibuf [dreg:s7], $0x6FFFF;
	_ =	strace $0x90000046  }
0xb3: {  	s29 =	simm.s32 $0x9;
	_ =	strace $0x80000048  }
0xb4: {  	_ =	swait.ge [sflag:s29], $0x1  }
0xb5: {  	[sflag:s29] =	ssyncadd.s32 $0xFFFFFFFF  }
0xb6: {  	_ =	strace $0x90000048  }
0xb7: {  	_ =	sfence  }
0xb8: {  	s30 =	sld [smem:$0x0];
	_ =	sdelay $0x2  }
0xb9: {  	s31 =	sshll.u32 s1, $0xD;
	s1 =	sshrl.u32 s1, $0x2  }
0xba: {  	s3 =	sand.u32 $0x4000, s31;
	s1 =	sadd.s32 s1, s30  }
0xbb: {  	s0 =	sor.u32 s3, s0;
	s1 =	sshll.u32 s1, $0x11  }
0xbc: {  	s0 =	sor.u32 s1, s0  }
0xbd: {  	s0 =	sadd.s32 $0x8F2B, s0  }
0xbe: {  	[sflag:s0] =	ssyncadd.remote.s32 $0x1  }
0xbf: {  	_ =	sfence.sel $0xFFFF  }
0xc0: {  	[dreg:$0x0] =	wrdreg $0xFFFFFFFF;
	(pc) =	sbr.abs _section_cstart, $3  }
0xc1: {  	[dreg:$0x1] =	wrdreg $0xFFFFFFFF  }
0xc2: {  	_ =	task.clear_ibuf [dreg:s7], $0x2FFFF;
	_ =	strace $0x9FFFFFFF  }
0xc3: {  	(tm) =	ssettm $0x7FFFFFFF  }
tec
execute0_lowered:
.L_overlay_start_1:
0x0: {  	(tag) =	ssettag $0x1  }
0x1: {  	s4 =	rddreg [dreg:$0x0]  }
0x2: {  	s5 =	rddreg [dreg:$0x1];
	s0 =	srdreg.scid  }
0x3: {  	s2 =	rddreg [dreg:$0x2];
	s1 =	stileid.u32;
	s3 =	simm.s32 $0x0  }
0x4: {  	s11 =	simm.s32 $0x2710;
	s12 =	simm.s32 $0x1;
	s15 =	simm.s32 $0x0  }
0x5: {  	s6 =	sand.u32 $0x1, s0;
	s0 =	rddreg [dreg:$0x3];
	s7 =	smul.u32 $0x280, s1  }
0x6: {  	[smem:$0x7FF] =	sst s3;
	s13 =	sshll.u32 s1, $0x6;
	s8 =	sshll.u32 s6, $0x4  }
0x7: {  	s9 =	smul.u32 $0x2800, s6;
	s6 =	ssub.s32 $0x2, s6;
	s8 =	sor.u32 s1, s8  }
0x8: {  	_ =	strace $0x80000047;
	s10 =	sshrl.u32 s6, $0x1;
	s8 =	smul.u32 $0x2710, s8  }
0x9: {  	s13 =	sor.u32 $0x1C02, s13;
	s9 =	sadd.s32 s7, s9;
	s31 =	ssub.s32 s6, s10  }
0xa: {  	s10 =	simm.s32 $0x50;
	s9 =	sshrl.u32 s9, $0x3;
	s8 =	sshrl.u32 s8, $0x3  }
0xb: {  	s30 =	sadd.s32 s9, s5;
	s5 =	sadd.s32 s7, s2;
	s7 =	smax.u32 s31, $0x1  }
0xc: {  	s9 =	simm.s32 $0x2760;
	s4 =	sadd.s32 s4, s8;
	s6 =	sadd.s32 $0x3400, s30  }
0xd: {  	v0 =	vimm.f32 $0.0e+00;
	v1 =	vimm.f32 $1.000000000e+00;
	s8 =	simm.s32 $0x2;
	s14 =	sshrl.u32 s5, $0x3;
	s4 =	sadd.s32 $0x9C40, s4  }
.LBB2_1:
0xe: {  	[tilespmem:s3], [sflag:$0x2] =	stream.linear.gather [hbm4b:s4+s3], $0x2710, $0x38;
	[tilespmem:$0x2C60] =	vst v63  }
0xf: {  	_ =	swait.ge [sflag:s8], $0x2710  }
0x10: {  	[sflag:s8] =	ssyncset.done $0x0  }
0x11: {  	[sflag:s8] =	ssyncadd.s32 $0xFFFFD8F0  }
0x12: {  	[tilespmem:$0x2760] =	vst v0  }
0x13: {  	[tilespmem:$0x2770] =	vst v0  }
0x14: {  	[tilespmem:$0x2780] =	vst v0  }
0x15: {  	[tilespmem:$0x2790] =	vst v0  }
0x16: {  	[tilespmem:$0x27A0] =	vst v0  }
0x17: {  	[tilespmem:$0x27B0] =	vst v0  }
0x18: {  	[tilespmem:$0x27C0] =	vst v0  }
0x19: {  	[tilespmem:$0x27D0] =	vst v0  }
0x1a: {  	[tilespmem:$0x27E0] =	vst v0  }
0x1b: {  	[tilespmem:$0x27F0] =	vst v0  }
0x1c: {  	[tilespmem:$0x2800] =	vst v0  }
0x1d: {  	[tilespmem:$0x2810] =	vst v0  }
0x1e: {  	[tilespmem:$0x2820] =	vst v0  }
0x1f: {  	[tilespmem:$0x2830] =	vst v0  }
0x20: {  	[tilespmem:$0x2840] =	vst v0  }
0x21: {  	[tilespmem:$0x2850] =	vst v0  }
0x22: {  	[tilespmem:$0x2860] =	vst v0  }
0x23: {  	[tilespmem:$0x2870] =	vst v0  }
0x24: {  	[tilespmem:$0x2880] =	vst v0  }
0x25: {  	[tilespmem:$0x2890] =	vst v0  }
0x26: {  	[tilespmem:$0x28A0] =	vst v0  }
0x27: {  	[tilespmem:$0x28B0] =	vst v0  }
0x28: {  	[tilespmem:$0x28C0] =	vst v0  }
0x29: {  	[tilespmem:$0x28D0] =	vst v0  }
0x2a: {  	[tilespmem:$0x28E0] =	vst v0  }
0x2b: {  	[tilespmem:$0x28F0] =	vst v0  }
0x2c: {  	[tilespmem:$0x2900] =	vst v0  }
0x2d: {  	[tilespmem:$0x2910] =	vst v0  }
0x2e: {  	[tilespmem:$0x2920] =	vst v0  }
0x2f: {  	[tilespmem:$0x2930] =	vst v0  }
0x30: {  	[tilespmem:$0x2940] =	vst v0  }
0x31: {  	[tilespmem:$0x2950] =	vst v0  }
0x32: {  	[tilespmem:$0x2960] =	vst v0  }
0x33: {  	[tilespmem:$0x2970] =	vst v0  }
0x34: {  	[tilespmem:$0x2980] =	vst v0  }
0x35: {  	[tilespmem:$0x2990] =	vst v0  }
0x36: {  	[tilespmem:$0x29A0] =	vst v0  }
0x37: {  	[tilespmem:$0x29B0] =	vst v0  }
0x38: {  	[tilespmem:$0x29C0] =	vst v0  }
0x39: {  	[tilespmem:$0x29D0] =	vst v0  }
0x3a: {  	[tilespmem:$0x2710] =	vst v1  }
0x3b: {  	[tilespmem:$0x2720] =	vst v1  }
0x3c: {  	[tilespmem:$0x2730] =	vst v1  }
0x3d: {  	[tilespmem:$0x2740] =	vst v1  }
0x3e: {  	[tilespmem:$0x2750] =	vst v1  }
0x3f: {  	[spmem:s5] =	stream.linear.scatter [tilespmem:s9], [sflag:$0x2], $0x280, $0x38;
	[tilespmem:$0x2C60] =	vst v63  }
0x40: {  	_ =	swait.ge [sflag:s8], $0x280  }
0x41: {  	[sflag:s8] =	ssyncset.done $0x0  }
0x42: {  	[sflag:s8] =	ssyncadd.s32 $0xFFFFFD80  }
0x43: {  	s16 =	simm.s32 $0x0;
	[bflag:$0x0] =	sbarrier.arrive $0xFFFF  }
0x44: {  	[spmem:s2] =	stream.indirect.scatter.add.f32 [tilespmem:s11], [sflag:$0x1], $0x1, s16, s10, $0xb8;
	[tilespmem:$0x2C60] =	vst v63  }
0x45: {  	s28 =	simm.s32 $0x50  }
0x46: {  	[spmem:s2] =	stream.indirect.scatter.add.f32 [tilespmem:s11], [sflag:$0x1], $0x1, s28, s10, $0xb8;
	[tilespmem:$0x2C60] =	vst v63  }
0x47: {  	s29 =	simm.s32 $0xA0  }
0x48: {  	[spmem:s2] =	stream.indirect.scatter.add.f32 [tilespmem:s11], [sflag:$0x1], $0x1, s29, s10, $0xb8;
	[tilespmem:$0x2C60] =	vst v63  }
0x49: {  	s30 =	simm.s32 $0xF0  }
0x4a: {  	[spmem:s2] =	stream.indirect.scatter.add.f32 [tilespmem:s11], [sflag:$0x1], $0x1, s30, s10, $0xb8;
	[tilespmem:$0x2C60] =	vst v63  }
0x4b: {  	s31 =	simm.s32 $0x140  }
0x4c: {  	[spmem:s2] =	stream.indirect.scatter.add.f32 [tilespmem:s11], [sflag:$0x1], $0x1, s31, s10, $0xb8;
	[tilespmem:$0x2C60] =	vst v63  }
0x4d: {  	_ =	swait.ge [sflag:s12], $0x50  }
0x4e: {  	[sflag:s12] =	ssyncset.done $0x0  }
0x4f: {  	[sflag:s12] =	ssyncadd.s32 $0xFFFFFFB0  }
0x50: {  	_ =	swait.ge [sflag:s12], $0x50  }
0x51: {  	[sflag:s12] =	ssyncset.done $0x0  }
0x52: {  	[sflag:s12] =	ssyncadd.s32 $0xFFFFFFB0  }
0x53: {  	_ =	swait.ge [sflag:s12], $0x50  }
0x54: {  	[sflag:s12] =	ssyncset.done $0x0  }
0x55: {  	[sflag:s12] =	ssyncadd.s32 $0xFFFFFFB0  }
0x56: {  	_ =	swait.ge [sflag:s12], $0x50  }
0x57: {  	[sflag:s12] =	ssyncset.done $0x0  }
0x58: {  	[sflag:s12] =	ssyncadd.s32 $0xFFFFFFB0  }
0x59: {  	_ =	swait.ge [sflag:s12], $0x50  }
0x5a: {  	s17 =	simm.s32 $0xC80;
	s16 =	simm.s32 $0x640;
	[sflag:s12] =	ssyncset.done $0x0  }
.LBB2_2:
0x5b: {  	s18 =	sshra.s32 s16, $0x2  }
0x5c: {  	[sflag:s12] =	ssyncadd.s32 $0xFFFFFFB0;
	s16 =	smov.u32 s17;
	s19 =	sadd.s32 $0x640, s17  }
0x5d: {  	[spmem:s2] =	stream.indirect.scatter.add.f32 [tilespmem:s11], [sflag:$0x1], $0x1, s18, s10, $0xb8;
	[tilespmem:$0x2C60] =	vst v63  }
0x5e: {  	p0 =	sne.s32 s17, $0x9600;
	s17 =	sadd.s32 $0x50, s18  }
0x5f: {  	[spmem:s2] =	stream.indirect.scatter.add.f32 [tilespmem:s11], [sflag:$0x1], $0x1, s17, s10, $0xb8;
	[tilespmem:$0x2C60] =	vst v63  }
0x60: {  	s17 =	sadd.s32 $0xA0, s18  }
0x61: {  	[spmem:s2] =	stream.indirect.scatter.add.f32 [tilespmem:s11], [sflag:$0x1], $0x1, s17, s10, $0xb8;
	[tilespmem:$0x2C60] =	vst v63  }
0x62: {  	s17 =	sadd.s32 $0xF0, s18  }
0x63: {  	[spmem:s2] =	stream.indirect.scatter.add.f32 [tilespmem:s11], [sflag:$0x1], $0x1, s17, s10, $0xb8;
	[tilespmem:$0x2C60] =	vst v63  }
0x64: {  	s17 =	sadd.s32 $0x140, s18  }
0x65: {  	[spmem:s2] =	stream.indirect.scatter.add.f32 [tilespmem:s11], [sflag:$0x1], $0x1, s17, s10, $0xb8;
	[tilespmem:$0x2C60] =	vst v63  }
0x66: {  	_ =	swait.ge [sflag:s12], $0x50  }
0x67: {  	[sflag:s12] =	ssyncset.done $0x0  }
0x68: {  	[sflag:s12] =	ssyncadd.s32 $0xFFFFFFB0  }
0x69: {  	_ =	swait.ge [sflag:s12], $0x50  }
0x6a: {  	[sflag:s12] =	ssyncset.done $0x0  }
0x6b: {  	[sflag:s12] =	ssyncadd.s32 $0xFFFFFFB0  }
0x6c: {  	_ =	swait.ge [sflag:s12], $0x50  }
0x6d: {  	[sflag:s12] =	ssyncset.done $0x0  }
0x6e: {  	[sflag:s12] =	ssyncadd.s32 $0xFFFFFFB0  }
.Ltmp0:
0x6f: {  	_ =	swait.ge [sflag:s12], $0x50;
	(pc) =	sbr.rel @p0 .LBB2_2-.Ltmp0, $4  }
0x70: {  	[sflag:s12] =	ssyncset.done $0x0  }
0x71: {  	[sflag:s12] =	ssyncadd.s32 $0xFFFFFFB0  }
0x72: {  	_ =	swait.ge [sflag:s12], $0x50  }
0x73: {  	s17 =	smov.u32 s19;
	[sflag:s12] =	ssyncset.done $0x0  }
0x74: {  	s16 =	sshra.s32 s16, $0x2;
	[sflag:s12] =	ssyncadd.s32 $0xFFFFFFB0  }
0x75: {  	[spmem:s2] =	stream.indirect.scatter.add.f32 [tilespmem:s11], [sflag:$0x1], $0x1, s16, s10, $0xb8;
	[tilespmem:$0x2C60] =	vst v63  }
0x76: {  	s17 =	sadd.s32 $0x50, s16  }
0x77: {  	[spmem:s2] =	stream.indirect.scatter.add.f32 [tilespmem:s11], [sflag:$0x1], $0x1, s17, s10, $0xb8;
	[tilespmem:$0x2C60] =	vst v63  }
0x78: {  	s30 =	sadd.s32 $0xA0, s16  }
0x79: {  	[spmem:s2] =	stream.indirect.scatter.add.f32 [tilespmem:s11], [sflag:$0x1], $0x1, s30, s10, $0xb8;
	[tilespmem:$0x2C60] =	vst v63  }
0x7a: {  	s31 =	sadd.s32 $0xF0, s16  }
0x7b: {  	[spmem:s2] =	stream.indirect.scatter.add.f32 [tilespmem:s11], [sflag:$0x1], $0x1, s31, s10, $0xb8;
	[tilespmem:$0x2C60] =	vst v63  }
0x7c: {  	s16 =	sadd.s32 $0x140, s16  }
0x7d: {  	[spmem:s2] =	stream.indirect.scatter.add.f32 [tilespmem:s11], [sflag:$0x1], $0x1, s16, s10, $0xb8;
	[tilespmem:$0x2C60] =	vst v63  }
0x7e: {  	_ =	swait.ge [sflag:s12], $0x50  }
0x7f: {  	[sflag:s12] =	ssyncset.done $0x0  }
0x80: {  	[sflag:s12] =	ssyncadd.s32 $0xFFFFFFB0  }
0x81: {  	_ =	swait.ge [sflag:s12], $0x50  }
0x82: {  	[sflag:s12] =	ssyncset.done $0x0  }
0x83: {  	[sflag:s12] =	ssyncadd.s32 $0xFFFFFFB0  }
0x84: {  	_ =	swait.ge [sflag:s12], $0x50  }
0x85: {  	[sflag:s12] =	ssyncset.done $0x0  }
0x86: {  	[sflag:s12] =	ssyncadd.s32 $0xFFFFFFB0  }
0x87: {  	_ =	swait.ge [sflag:s12], $0x50  }
0x88: {  	[sflag:s12] =	ssyncset.done $0x0  }
0x89: {  	[sflag:s12] =	ssyncadd.s32 $0xFFFFFFB0  }
0x8a: {  	_ =	swait.ge [sflag:s12], $0x50  }
0x8b: {  	s15 =	sadd.s32 $0x1, s15;
	[sflag:s12] =	ssyncset.done $0x0  }
0x8c: {  	p0 =	sne.s32 s15, s7;
	[sflag:s12] =	ssyncadd.s32 $0xFFFFFFB0  }
.Ltmp1:
0x8d: {  	[bflag:$0x0] =	sbarrier.arrive $0xFFFF;
	(pc) =	sbr.rel @p0 .LBB2_1-.Ltmp1, $4  }
0x8e: {  	[hbm:s6], [sflag:s13] =	dma.local [spmem:s14], $0x50  }
0x8f: {  	_ =	swait.ge [sflag:s8], $0x50  }
0x90: {  	[sflag:s8] =	ssyncset.done $0x0  }
0x91: {  	[sflag:s8] =	ssyncadd.s32 $0xFFFFFFB0  }
0x92: {  	_ =	sfence.sel $0x180000  }
0x93: {  	[bflag:$0x0] =	sbarrier.arrive $0xFFFF  }
0x94: {  	p0 =	sne.s32 s1, $0x0;
	_ =	strace $0x90000047  }
0x95: {  	s0 =	sadd.s32 @!p0 $0x100000, s0;
	[bflag:$0x2] =	sbarrier.arrive $0xFFFF  }
0x96: {  	[sflag:s0] =	ssyncadd.tile.s32 @!p0 $0x1;
	_ =	shalt  }
.Lfunc_end2:
_tile_overlayer_lowered:
.L_overlay_start_2:
0x97: {  	(tag) =	ssettag $0x2  }
0x98: {  	s0 =	rddreg [dreg:$0x0];
	s2 =	stileid.u32  }
0x99: {  	s1 =	rddreg [dreg:$0x1];
	p0 =	sne.s32 s2, $0x0  }
0x9a: {  	s3 =	rddreg [dreg:$0x2];
	[bflag:$0x3] =	sbarrier.arrive $0xFFFF;
	s2 =	simm.s32 @!p0 $0x1C02  }
0x9b: {  	[timem:s3], [sflag:s2] =	dma.local @!p0 [hbm:s0], s1  }
0x9c: {  	s0 =	simm.s32 @!p0 $0x2  }
0x9d: {  	_ =	swait.ge @!p0 [sflag:s0], s1  }
0x9e: {  	s1 =	ssub.s32 @!p0 $0x0, s1;
	[sflag:s0] =	ssyncset.done @!p0 $0x0  }
0x9f: {  	[sflag:s0] =	ssyncadd.s32 @!p0 s1  }
0xa0: {  	[bflag:$0x3] =	sbarrier.arrive $0xFFFF  }
0xa1: {  	_ =	shalt  }

// kernel: kernel.13.cloned.1.call-start
scs
__scs_entry_jumppad:
0x0: {  	(pc) =	sbr.rel $0x88, $3  }
0x1: {  	(tag) =	ssettag $0x0;
	lr =	simm.s32 $0x1  }
0x2: {  	[smem:$0x3F95] =	sst lr;
	_ =	strace $0xD0000000  }
0x3: {  	_ = 	snop  }
0x4: {  	_ = 	snop  }
0x5: {  	_ = 	snop  }
0x6: {  	_ = 	snop  }
0x7: {  	_ = 	snop  }
__scs_overlays_trampoline_lowered:
0x8: {  	[smem:$0x3FA4] =	sst s0  }
0x9: {  	[smem:$0x3FA5] =	sst s1  }
0xa: {  	[smem:$0x3FA6] =	sst s2  }
0xb: {  	[smem:$0x3FA7] =	sst s3  }
0xc: {  	[smem:$0x3FA8] =	sst s4  }
0xd: {  	[smem:$0x3FA9] =	sst s5  }
0xe: {  	[smem:$0x3FAA] =	sst s6  }
0xf: {  	[smem:$0x3FAB] =	sst s7  }
0x10: {  	[smem:$0x3FAC] =	sst s8  }
0x11: {  	[smem:$0x3FAD] =	sst s9;
	s0 =	simm.s32 @!p0 $0x0  }
0x12: {  	s1 =	sld [smem:$0x3F93];
	s0 =	simm.s32 @p0 $0x1  }
0x13: {  	[smem:$0x3FAE] =	sst s0;
	s0 =	simm.s32 @!p1 $0x0  }
0x14: {  	s2 =	sld [smem:$0x3F92];
	s0 =	simm.s32 @p1 $0x1  }
0x15: {  	[smem:$0x3FAF] =	sst s0;
	s0 =	simm.s32 @!p2 $0x0  }
0x16: {  	s3 =	sld [smem:$0x3FDB];
	s0 =	simm.s32 @p2 $0x1  }
0x17: {  	s4 =	simm.s32 $0x1BF5;
	[smem:$0x3FB1] =	sst s0  }
0x18: {  	s0 =	sld [smem:$0x3F94];
	_ =	swait.ge [sflag:s4], $0x0  }
0x19: {  	s7 =	sld [smem:$0x3F95]  }
0x1a: {  	s8 =	sadd.s32 $0xFFFFE003, lr  }
0x1b: {  	s9 =	sadd.s32 $0xFFFFFEF7, lr;
	s5 =	simm.s32 $0xFFFFFFFF;
	p2 =	slt.u32 s8, $0xFFFFF086  }
0x1c: {  	p1 =	slt.u32 s9, $0xF7A;
	s5 =	simm.s32 @!p2 $0x0  }
0x1d: {  	s5 =	simm.s32 @p1 $0x1;
	p0 =	seq.s32 s7, s2  }
0x1e: {  	s7 =	smul.u32 @!p0 $0xF7A, s2;
	p2 =	seq.s32 @!p0 s5, $0x0  }
0x1f: {  	s9 =	smul.u32 $0xF7A, s1;
	s8 =	simm.s32 @!p0 $0x1BF5;
	p2 =	por !p2, p0  }
0x20: {  	[sflag:s8] =	ssyncset.s32 @!p0 $0xFFFFF086;
	s6 =	sadd.s32 @!p0 s3, s7;
	s7 =	simm.s32 @!p0 $0x108  }
0x21: {  	s3 =	sadd.s32 s3, s9;
	s6 =	sadd.s32 @!p0 $0x88, s6;
	s7 =	simm.s32 @p2 $0x1082  }
0x22: {  	[simem:s7], [sflag:s8] =	dma.local @!p0 [hbm:s6], $0xF7A  }
0x23: {  	s9 =	sor.u32 $0xD0000000, s2;
	s6 =	simm.s32 $0x108;
	_ =	swait.ge @!p0 [sflag:s8], $0x0  }
0x24: {  	s3 =	sadd.s32 $0x88, s3;
	s6 =	simm.s32 @!p1 $0x1082;
	[sflag:s4] =	ssyncset.s32 $0xFFFFF086  }
0x25: {  	[simem:s6], [sflag:s4] =	dma.local [hbm:s3], $0xF7A  }
0x26: {  	[smem:$0x3F95] =	sst s1;
	(tag) =	ssettag s2;
	_ =	strace s9  }
0x27: {  	s1 =	sld [smem:$0x3FA5]  }
0x28: {  	s2 =	sld [smem:$0x3FA6]  }
0x29: {  	s4 =	sld [smem:$0x3FA8]  }
0x2a: {  	p0 =	seq.s32 s5, $0x0;
	s5 =	sld [smem:$0x3FA9]  }
0x2b: {  	s6 =	sld [smem:$0x3FAA]  }
0x2c: {  	s7 =	sld [smem:$0x3FAB]  }
0x2d: {  	s3 =	simm.s32 $0x108;
	s8 =	sld [smem:$0x3FAC]  }
0x2e: {  	s3 =	simm.s32 @!p0 $0x1082;
	s9 =	sld [smem:$0x3FAD]  }
0x2f: {  	lr =	sadd.s32 s0, s3;
	s0 =	sld [smem:$0x3FA4]  }
0x30: {  	s3 =	sld [smem:$0x3FA7]  }
0x31: {  	[smem:$0x3FB0] =	sst s10  }
0x32: {  	s10 =	sld [smem:$0x3FAE];
	_ =	sdelay $0x3  }
0x33: {  	p0 =	seq.s32 s10, $0x1;
	s10 =	sld [smem:$0x3FB0];
	_ =	sdelay $0x3  }
0x34: {  	[smem:$0x3FB0] =	sst s10  }
0x35: {  	s10 =	sld [smem:$0x3FAF];
	_ =	sdelay $0x3  }
0x36: {  	p1 =	seq.s32 s10, $0x1;
	s10 =	sld [smem:$0x3FB0];
	_ =	sdelay $0x3  }
0x37: {  	[smem:$0x3FB0] =	sst s10  }
0x38: {  	s10 =	sld [smem:$0x3FB1]  }
0x39: {  	_ = 	snop;
	(pc) =	sbr.ind lr, $3  }
0x3a: {  	_ = 	snop  }
0x3b: {  	_ = 	snop  }
0x3c: {  	p2 =	seq.s32 s10, $0x1;
	s10 =	sld [smem:$0x3FB0]  }
0x3d: {  	_ =	shalt  }
0x3e: {  	_ =	shalt  }
0x3f: {  	_ =	shalt  }
0x40: {  	_ =	shalt  }
0x41: {  	_ =	shalt  }
0x42: {  	_ =	shalt  }
0x43: {  	_ =	shalt  }
0x44: {  	_ =	shalt  }
0x45: {  	_ =	shalt  }
0x46: {  	_ =	shalt  }
0x47: {  	_ =	shalt  }
0x48: {  	_ =	shalt  }
0x49: {  	_ =	shalt  }
0x4a: {  	_ =	shalt  }
0x4b: {  	_ =	shalt  }
0x4c: {  	_ =	shalt  }
0x4d: {  	_ =	shalt  }
0x4e: {  	_ =	shalt  }
0x4f: {  	_ =	shalt  }
0x50: {  	_ =	shalt  }
0x51: {  	_ =	shalt  }
0x52: {  	_ =	shalt  }
0x53: {  	_ =	shalt  }
0x54: {  	_ =	shalt  }
0x55: {  	_ =	shalt  }
0x56: {  	_ =	shalt  }
0x57: {  	_ =	shalt  }
0x58: {  	_ =	shalt  }
0x59: {  	_ =	shalt  }
0x5a: {  	_ =	shalt  }
0x5b: {  	_ =	shalt  }
0x5c: {  	_ =	shalt  }
0x5d: {  	_ =	shalt  }
0x5e: {  	_ =	shalt  }
0x5f: {  	_ =	shalt  }
0x60: {  	_ =	shalt  }
0x61: {  	_ =	shalt  }
0x62: {  	_ =	shalt  }
0x63: {  	_ =	shalt  }
0x64: {  	_ =	shalt  }
0x65: {  	_ =	shalt  }
0x66: {  	_ =	shalt  }
0x67: {  	_ =	shalt  }
0x68: {  	_ =	shalt  }
0x69: {  	_ =	shalt  }
0x6a: {  	_ =	shalt  }
0x6b: {  	_ =	shalt  }
0x6c: {  	_ =	shalt  }
0x6d: {  	_ =	shalt  }
0x6e: {  	_ =	shalt  }
0x6f: {  	_ =	shalt  }
0x70: {  	_ =	shalt  }
0x71: {  	_ =	shalt  }
0x72: {  	_ =	shalt  }
0x73: {  	_ =	shalt  }
0x74: {  	_ =	shalt  }
0x75: {  	_ =	shalt  }
0x76: {  	_ =	shalt  }
0x77: {  	_ =	shalt  }
0x78: {  	_ =	shalt  }
0x79: {  	_ =	shalt  }
0x7a: {  	_ =	shalt  }
0x7b: {  	_ =	shalt  }
0x7c: {  	_ =	shalt  }
0x7d: {  	_ =	shalt  }
0x7e: {  	_ =	shalt  }
0x7f: {  	_ =	shalt  }
0x80: {  	_ =	shalt  }
0x81: {  	_ =	shalt  }
0x82: {  	_ =	shalt  }
0x83: {  	_ =	shalt  }
0x84: {  	_ =	shalt  }
0x85: {  	_ =	shalt  }
0x86: {  	_ =	shalt  }
0x87: {  	_ =	shalt  }
.Lfunc_end0:
.L_simem_size_0:
called_computation.1_lowered:
.L_overlay_start_0:
0x88: {  	s2 =	sld [smem:$0x3FD9]  }
0x89: {  	s3 =	sld [smem:$0x3FFE];
	_ =	sdelay $0x1  }
0x8a: {  	s1 =	srdreg.scid  }
0x8b: {  	s0 =	sand.u32 $0x1, s1  }
0x8c: {  	s17 =	sshll.u32 s0, $0xA;
	s2 =	sadd.s32 s3, s2  }
0x8d: {  	s2 =	sadd.s32 s2, s17  }
0x8e: {  	[smem:$0x3FBC] =	sst s2  }
0x8f: {  	_ = 	snop  }
0x90: {  	s2 =	sld [smem:$0x3FD0];
	(tm) =	ssettm $0x1  }
0x91: {  	s18 =	sld [smem:$0x3FFB];
	_ =	sdelay $0x3  }
0x92: {  	_ =	strace s18  }
0x93: {  	s3 =	sld [smem:$0x3FFC];
	_ =	sdelay $0x3  }
0x94: {  	_ =	strace s3  }
0x95: {  	s3 =	sld [smem:$0x3FFD];
	_ =	sdelay $0x3  }
0x96: {  	_ =	strace s3  }
0x97: {  	_ =	strace $0x8FFFFFFF  }
0x98: {  	s19 =	sld [smem:$0x3FDB];
	_ =	sdelay $0x1  }
0x99: {  	s4 =	simm.s32 $_scs_section_size  }
0x9a: {  	s5 =	simm.s32 $_size__tile_overlayer_lowered;
	s6 =	simm.s32 $_tile_overlayer_lowered  }
0x9b: {  	s22 =	simm.s32 $0x1BFF;
	s21 =	sshll.u32 s6, $0x1;
	s3 =	sadd.s32 s4, s19  }
0x9c: {  	s7 =	simm.s32 $0x0;
	s20 =	sshll.u32 s5, $0x1;
	s5 =	sadd.s32 s21, s3  }
0x9d: {  	[timem:s7], [sflag:s22] =	dma.local [hbm:s5], s20  }
0x9e: {  	_ =	swait.ge [sflag:s22], s20  }
0x9f: {  	s4 =	ssub.s32 $0x0, s20;
	[sflag:s22] =	ssyncset.done $0x0  }
0xa0: {  	[sflag:s22] =	ssyncadd.s32 s4;
	_ =	sdelay $0x1  }
0xa1: {  	s23 =	simm.s32 $0x1B8B  }
0xa2: {  	_ =	swait.ge [sflag:s23], $0x1  }
0xa3: {  	[sflag:s23] =	ssyncset.done $0x0  }
0xa4: {  	s25 =	simm.s32 $0x1B8E;
	s24 =	sld [smem:$0x3FFE];
	[sflag:s23] =	ssyncadd.s32 $0xFFFFFFFF  }
0xa5: {  	s26 =	simm.s32 $execute0_lowered;
	[smem:$0x3FD2] =	sst s25  }
0xa6: {  	s5 =	sshll.u32 s26, $0x1;
	_ =	strace $0x80000049;
	[dreg:$0x1] =	wrdreg $0xFFFFFFFF  }
0xa7: {  	s28 =	simm.s32 $_size_execute0_lowered;
	s3 =	sadd.s32 s3, s5;
	[dreg:$0x0] =	wrdreg $0x0  }
0xa8: {  	s5 =	sshll.u32 s28, $0x1;
	[dreg:$0x2] =	wrdreg s3  }
0xa9: {  	[dreg:$0x3] =	wrdreg s5  }
0xaa: {  	[dreg:$0x4] =	wrdreg $0xC0  }
0xab: {  	_ =	task [dreg:s7], $0x5FFFF  }
0xac: {  	[dreg:$0x1] =	wrdreg $0xFFFFFFFF  }
0xad: {  	[dreg:$0x0] =	wrdreg $0x60  }
0xae: {  	[dreg:$0x2] =	wrdreg s24  }
0xaf: {  	[dreg:$0x3] =	wrdreg s2  }
0xb0: {  	[dreg:$0x4] =	wrdreg $0xC6200  }
0xb1: {  	[dreg:$0x5] =	wrdreg $0x9  }
0xb2: {  	_ =	task.clear_ibuf [dreg:s7], $0x6FFFF;
	_ =	strace $0x90000049  }
0xb3: {  	s29 =	simm.s32 $0x9;
	_ =	strace $0x8000004B  }
0xb4: {  	_ =	swait.ge [sflag:s29], $0x1  }
0xb5: {  	[sflag:s29] =	ssyncadd.s32 $0xFFFFFFFF  }
0xb6: {  	_ =	strace $0x9000004B  }
0xb7: {  	_ =	sfence  }
0xb8: {  	s30 =	sld [smem:$0x0];
	_ =	sdelay $0x2  }
0xb9: {  	s31 =	sshll.u32 s1, $0xD;
	s1 =	sshrl.u32 s1, $0x2  }
0xba: {  	s3 =	sand.u32 $0x4000, s31;
	s1 =	sadd.s32 s1, s30  }
0xbb: {  	s0 =	sor.u32 s3, s0;
	s1 =	sshll.u32 s1, $0x11  }
0xbc: {  	s0 =	sor.u32 s1, s0  }
0xbd: {  	s0 =	sadd.s32 $0x8F2B, s0  }
0xbe: {  	[sflag:s0] =	ssyncadd.remote.s32 $0x1  }
0xbf: {  	_ =	sfence.sel $0xFFFF  }
0xc0: {  	[dreg:$0x0] =	wrdreg $0xFFFFFFFF;
	(pc) =	sbr.abs _section_cstart, $3  }
0xc1: {  	[dreg:$0x1] =	wrdreg $0xFFFFFFFF  }
0xc2: {  	_ =	task.clear_ibuf [dreg:s7], $0x2FFFF;
	_ =	strace $0x9FFFFFFF  }
0xc3: {  	(tm) =	ssettm $0x7FFFFFFF  }
tec
execute0_lowered:
.L_overlay_start_1:
0x0: {  	(tag) =	ssettag $0x1  }
0x1: {  	s0 =	rddreg [dreg:$0x0]  }
0x2: {  	s5 =	rddreg [dreg:$0x1]  }
0x3: {  	s2 =	rddreg [dreg:$0x2]  }
0x4: {  	s3 =	srdreg.scid;
	s1 =	stileid.u32;
	s14 =	simm.s32 $0x50  }
0x5: {  	s15 =	simm.s32 $0x4E20;
	s16 =	simm.s32 $0x7620;
	s17 =	simm.s32 $0xA0  }
0x6: {  	s18 =	simm.s32 $0x9E20;
	s19 =	simm.s32 $0x1;
	s20 =	simm.s32 $0x2  }
0x7: {  	s21 =	simm.s32 $0x3;
	s22 =	simm.s32 $0x4C90;
	s23 =	simm.s32 $0x2670  }
0x8: {  	s24 =	simm.s32 $0x4CE0;
	s28 =	simm.s32 $0x4D80;
	s29 =	simm.s32 $0x4DD0  }
0x9: {  	s30 =	simm.s32 $0x0;
	s7 =	sand.u32 $0x1, s3;
	s3 =	simm.s32 $0x0  }
0xa: {  	s8 =	smul.u32 $0x13880, s1;
	s10 =	sadd.s32 $0x2A600, s0;
	s31 =	sshll.u32 s1, $0x6  }
0xb: {  	s4 =	sshll.u32 s7, $0x4;
	[smem:$0x7FF] =	sst s3;
	s6 =	smul.u32 $0x138800, s7  }
0xc: {  	s11 =	ssub.s32 $0x2, s7;
	p0 =	seq.s32 s7, $0x1;
	s4 =	sor.u32 s1, s4  }
0xd: {  	_ =	strace $0x8000004A;
	s25 =	sshrl.u32 s11, $0x1;
	s13 =	sadd.s32 s8, s2  }
0xe: {  	s12 =	sshrl.u32 s8, $0x3;
	s9 =	smul.u32 $0x2710, s4;
	s4 =	sadd.s32 $0x3400, s0  }
0xf: {  	s6 =	sadd.s32 s8, s6;
	s26 =	ssub.s32 s11, s25;
	s13 =	sshrl.u32 s13, $0x3  }
0x10: {  	s25 =	simm.s32 $0x26C0;
	s6 =	sshrl.u32 s6, $0x3;
	s11 =	smov.u32 s4  }
0x11: {  	s8 =	smax.u32 s26, $0x1;
	s26 =	simm.s32 $0x4D30;
	s9 =	sshrl.u32 s9, $0x3  }
0x12: {  	s0 =	sadd.s32 s6, s0;
	s11 =	smov.u32 @p0 s10;
	s10 =	simm.s32 $0x4  }
0x13: {  	s5 =	sadd.s32 s5, s9;
	s7 =	sadd.s32 $0x51800, s0;
	s9 =	sadd.s32 s11, s12  }
0x14: {  	s11 =	simm.s32 $0x2710;
	s12 =	sor.u32 $0x1C04, s31;
	s6 =	sadd.s32 $0x9C40, s5  }
.LBB2_1:
0x15: {  	[tilespmem:s3], [sflag:$0x4] =	stream.linear.gather [hbm4b:s5+s3], $0x2710, $0x38;
	[tilespmem:$0x1FEA0] =	vst v63  }
0x16: {  	_ =	swait.ge [sflag:s10], $0x2710  }
0x17: {  	[sflag:s10] =	ssyncset.done $0x0  }
0x18: {  	[sflag:s10] =	ssyncadd.s32 $0xFFFFD8F0  }
0x19: {  	[tilespmem:s11], [sflag:$0x4] =	stream.linear.gather [hbm4b:s6+s3], $0x2710, $0x38;
	[tilespmem:$0x1FEA0] =	vst v63  }
0x1a: {  	_ =	swait.ge [sflag:s10], $0x2710  }
0x1b: {  	[sflag:s10] =	ssyncset.done $0x0  }
0x1c: {  	[sflag:s10] =	ssyncadd.s32 $0xFFFFD8F0  }
0x1d: {  	[spmem:s13], [sflag:s12] =	dma.local [hbm:s9], $0x2710  }
0x1e: {  	_ =	swait.ge [sflag:s10], $0x2710  }
0x1f: {  	[sflag:s10] =	ssyncset.done $0x0  }
0x20: {  	[sflag:s10] =	ssyncadd.s32 $0xFFFFD8F0  }
0x21: {  	[bflag:$0x0] =	sbarrier.arrive $0xFFFF  }
0x22: {  	[tilespmem:s15], [sflag:$0x1] =	stream.indirect.gather [hbm4b:s4+s14], $0x80, s3, s14, $0xb8;
	[tilespmem:$0x1FEA0] =	vst v63  }
0x23: {  	_ = 	snop  }
0x24: {  	[tilespmem:s16], [sflag:$0x2] =	stream.indirect.gather [hbm4b:s4+s14], $0x80, s14, s14, $0xb8;
	[tilespmem:$0x1FEA0] =	vst v63  }
0x25: {  	_ = 	snop  }
0x26: {  	[tilespmem:s18], [sflag:$0x3] =	stream.indirect.gather [hbm4b:s4+s14], $0x80, s17, s14, $0xb8;
	[tilespmem:$0x1FEA0] =	vst v63  }
0x27: {  	_ =	swait.ge [sflag:s19], $0x2800  }
0x28: {  	[sflag:s19] =	ssyncset.done $0x0  }
0x29: {  	s0 =	simm.s32 $0x2710;
	[sflag:s19] =	ssyncadd.s32 $0xFFFFD800  }
0x2a: {  	[spmem:s2] =	stream.indirect.scatter.add.f32 [tilespmem:s15], [sflag:$0x4], $0x80, s0, s14, $0xb8;
	[tilespmem:$0x1FEA0] =	vst v63  }
0x2b: {  	_ =	swait.ge [sflag:s10], $0x2800  }
0x2c: {  	[sflag:s10] =	ssyncset.done $0x0  }
0x2d: {  	s1 =	simm.s32 $0xF0;
	[sflag:s10] =	ssyncadd.s32 $0xFFFFD800  }
0x2e: {  	[tilespmem:s15], [sflag:$0x1] =	stream.indirect.gather [hbm4b:s4+s14], $0x80, s1, s14, $0xb8;
	[tilespmem:$0x1FEA0] =	vst v63  }
0x2f: {  	_ =	swait.ge [sflag:s20], $0x2800  }
0x30: {  	[sflag:s20] =	ssyncset.done $0x0  }
0x31: {  	s1 =	simm.s32 $0x2760;
	[sflag:s20] =	ssyncadd.s32 $0xFFFFD800  }
0x32: {  	[spmem:s2] =	stream.indirect.scatter.add.f32 [tilespmem:s16], [sflag:$0x4], $0x80, s1, s14, $0xb8;
	[tilespmem:$0x1FEA0] =	vst v63  }
0x33: {  	_ =	swait.ge [sflag:s10], $0x2800  }
0x34: {  	[sflag:s10] =	ssyncset.done $0x0  }
0x35: {  	s1 =	simm.s32 $0x140;
	[sflag:s10] =	ssyncadd.s32 $0xFFFFD800  }
0x36: {  	[tilespmem:s16], [sflag:$0x2] =	stream.indirect.gather [hbm4b:s4+s14], $0x80, s1, s14, $0xb8;
	[tilespmem:$0x1FEA0] =	vst v63  }
0x37: {  	_ =	swait.ge [sflag:s21], $0x2800  }
0x38: {  	[sflag:s21] =	ssyncset.done $0x0  }
0x39: {  	s1 =	simm.s32 $0x27B0;
	[sflag:s21] =	ssyncadd.s32 $0xFFFFD800  }
0x3a: {  	[spmem:s2] =	stream.indirect.scatter.add.f32 [tilespmem:s18], [sflag:$0x4], $0x80, s1, s14, $0xb8;
	[tilespmem:$0x1FEA0] =	vst v63  }
0x3b: {  	_ =	swait.ge [sflag:s10], $0x2800  }
0x3c: {  	[sflag:s10] =	ssyncset.done $0x0  }
0x3d: {  	s31 =	simm.s32 $0x3C0;
	s0 =	simm.s32 $0x190;
	[sflag:s10] =	ssyncadd.s32 $0xFFFFD800  }
.LBB2_2:
0x3e: {  	[tilespmem:s18], [sflag:$0x3] =	stream.indirect.gather [hbm4b:s4+s14], $0x80, s0, s14, $0xb8;
	[tilespmem:$0x1FEA0] =	vst v63  }
0x3f: {  	s0 =	smov.u32 s31  }
0x40: {  	p0 =	sne.s32 s31, $0x9240;
	s31 =	sadd.s32 $0x3C0, s31;
	_ =	swait.ge [sflag:s19], $0x2800  }
0x41: {  	s0 =	sshra.s32 s0, $0x2;
	[sflag:s19] =	ssyncset.done $0x0  }
0x42: {  	s1 =	sadd.s32 $0x2710, s0;
	[sflag:s19] =	ssyncadd.s32 $0xFFFFD800  }
0x43: {  	[spmem:s2] =	stream.indirect.scatter.add.f32 [tilespmem:s15], [sflag:$0x4], $0x80, s1, s14, $0xb8;
	[tilespmem:$0x1FEA0] =	vst v63  }
0x44: {  	_ =	swait.ge [sflag:s10], $0x2800  }
0x45: {  	[sflag:s10] =	ssyncset.done $0x0  }
0x46: {  	s1 =	sadd.s32 $0xF0, s0;
	[sflag:s10] =	ssyncadd.s32 $0xFFFFD800  }
0x47: {  	[tilespmem:s15], [sflag:$0x1] =	stream.indirect.gather [hbm4b:s4+s14], $0x80, s1, s14, $0xb8;
	[tilespmem:$0x1FEA0] =	vst v63  }
0x48: {  	_ =	swait.ge [sflag:s20], $0x2800  }
0x49: {  	[sflag:s20] =	ssyncset.done $0x0  }
0x4a: {  	s1 =	sadd.s32 $0x2760, s0;
	[sflag:s20] =	ssyncadd.s32 $0xFFFFD800  }
0x4b: {  	[spmem:s2] =	stream.indirect.scatter.add.f32 [tilespmem:s16], [sflag:$0x4], $0x80, s1, s14, $0xb8;
	[tilespmem:$0x1FEA0] =	vst v63  }
0x4c: {  	_ =	swait.ge [sflag:s10], $0x2800  }
0x4d: {  	[sflag:s10] =	ssyncset.done $0x0  }
0x4e: {  	s1 =	sadd.s32 $0x140, s0;
	[sflag:s10] =	ssyncadd.s32 $0xFFFFD800  }
0x4f: {  	[tilespmem:s16], [sflag:$0x2] =	stream.indirect.gather [hbm4b:s4+s14], $0x80, s1, s14, $0xb8;
	[tilespmem:$0x1FEA0] =	vst v63  }
0x50: {  	_ =	swait.ge [sflag:s21], $0x2800  }
0x51: {  	[sflag:s21] =	ssyncset.done $0x0  }
.Ltmp0:
0x52: {  	s1 =	sadd.s32 $0x27B0, s0;
	[sflag:s21] =	ssyncadd.s32 $0xFFFFD800;
	(pc) =	sbr.rel @p0 .LBB2_2-.Ltmp0, $4  }
0x53: {  	[spmem:s2] =	stream.indirect.scatter.add.f32 [tilespmem:s18], [sflag:$0x4], $0x80, s1, s14, $0xb8;
	[tilespmem:$0x1FEA0] =	vst v63  }
0x54: {  	_ =	swait.ge [sflag:s10], $0x2800  }
0x55: {  	[sflag:s10] =	ssyncset.done $0x0  }
0x56: {  	s0 =	sadd.s32 $0x190, s0;
	[sflag:s10] =	ssyncadd.s32 $0xFFFFD800  }
0x57: {  	[tilespmem:s18], [sflag:$0x3] =	stream.indirect.gather [hbm4b:s4+s14], $0x80, s0, s14, $0xb8;
	[tilespmem:$0x1FEA0] =	vst v63  }
0x58: {  	_ =	swait.ge [sflag:s19], $0x2800  }
0x59: {  	[sflag:s19] =	ssyncset.done $0x0  }
0x5a: {  	[sflag:s19] =	ssyncadd.s32 $0xFFFFD800  }
0x5b: {  	[spmem:s2] =	stream.indirect.scatter.add.f32 [tilespmem:s15], [sflag:$0x4], $0x80, s22, s14, $0xb8;
	[tilespmem:$0x1FEA0] =	vst v63  }
0x5c: {  	_ =	swait.ge [sflag:s10], $0x2800  }
0x5d: {  	[sflag:s10] =	ssyncset.done $0x0  }
0x5e: {  	[sflag:s10] =	ssyncadd.s32 $0xFFFFD800  }
0x5f: {  	[tilespmem:s15], [sflag:$0x1] =	stream.indirect.gather [hbm4b:s4+s14], $0x80, s23, s14, $0xb8;
	[tilespmem:$0x1FEA0] =	vst v63  }
0x60: {  	_ =	swait.ge [sflag:s20], $0x2800  }
0x61: {  	[sflag:s20] =	ssyncset.done $0x0  }
0x62: {  	[sflag:s20] =	ssyncadd.s32 $0xFFFFD800  }
0x63: {  	[spmem:s2] =	stream.indirect.scatter.add.f32 [tilespmem:s16], [sflag:$0x4], $0x80, s24, s14, $0xb8;
	[tilespmem:$0x1FEA0] =	vst v63  }
0x64: {  	_ =	swait.ge [sflag:s10], $0x2800  }
0x65: {  	[sflag:s10] =	ssyncset.done $0x0  }
0x66: {  	[sflag:s10] =	ssyncadd.s32 $0xFFFFD800  }
0x67: {  	[tilespmem:s16], [sflag:$0x2] =	stream.indirect.gather [hbm4b:s4+s14], $0x80, s25, s14, $0xb8;
	[tilespmem:$0x1FEA0] =	vst v63  }
0x68: {  	_ =	swait.ge [sflag:s21], $0x2800  }
0x69: {  	[sflag:s21] =	ssyncset.done $0x0  }
0x6a: {  	[sflag:s21] =	ssyncadd.s32 $0xFFFFD800  }
0x6b: {  	[spmem:s2] =	stream.indirect.scatter.add.f32 [tilespmem:s18], [sflag:$0x4], $0x80, s26, s14, $0xb8;
	[tilespmem:$0x1FEA0] =	vst v63  }
0x6c: {  	_ =	swait.ge [sflag:s10], $0x2800  }
0x6d: {  	[sflag:s10] =	ssyncset.done $0x0  }
0x6e: {  	[sflag:s10] =	ssyncadd.s32 $0xFFFFD800  }
0x6f: {  	_ =	swait.ge [sflag:s19], $0x2800  }
0x70: {  	[sflag:s19] =	ssyncset.done $0x0  }
0x71: {  	[sflag:s19] =	ssyncadd.s32 $0xFFFFD800  }
0x72: {  	[spmem:s2] =	stream.indirect.scatter.add.f32 [tilespmem:s15], [sflag:$0x4], $0x80, s28, s14, $0xb8;
	[tilespmem:$0x1FEA0] =	vst v63  }
0x73: {  	_ =	swait.ge [sflag:s10], $0x2800  }
0x74: {  	[sflag:s10] =	ssyncset.done $0x0  }
0x75: {  	[sflag:s10] =	ssyncadd.s32 $0xFFFFD800  }
0x76: {  	_ =	swait.ge [sflag:s20], $0x2800  }
0x77: {  	[sflag:s20] =	ssyncset.done $0x0  }
0x78: {  	[sflag:s20] =	ssyncadd.s32 $0xFFFFD800  }
0x79: {  	[spmem:s2] =	stream.indirect.scatter.add.f32 [tilespmem:s16], [sflag:$0x4], $0x80, s29, s14, $0xb8;
	[tilespmem:$0x1FEA0] =	vst v63  }
0x7a: {  	_ =	swait.ge [sflag:s10], $0x2800  }
0x7b: {  	s30 =	sadd.s32 $0x1, s30;
	[sflag:s10] =	ssyncset.done $0x0  }
0x7c: {  	p0 =	sne.s32 s30, s8;
	[sflag:s10] =	ssyncadd.s32 $0xFFFFD800  }
.Ltmp1:
0x7d: {  	[bflag:$0x0] =	sbarrier.arrive $0xFFFF;
	(pc) =	sbr.rel @p0 .LBB2_1-.Ltmp1, $4  }
0x7e: {  	[hbm:s7], [sflag:s12] =	dma.local [spmem:s13], $0x2710  }
0x7f: {  	_ =	swait.ge [sflag:s10], $0x2710  }
0x80: {  	[sflag:s10] =	ssyncset.done $0x0  }
0x81: {  	[sflag:s10] =	ssyncadd.s32 $0xFFFFD8F0  }
0x82: {  	_ =	sfence.sel $0x180000  }
0x83: {  	[bflag:$0x0] =	sbarrier.arrive $0xFFFF  }
0x84: {  	_ =	strace $0x9000004A  }
0x85: {  	s0 =	stileid.u32;
	[bflag:$0x2] =	sbarrier.arrive $0xFFFF  }
0x86: {  	p0 =	sne.s32 s0, $0x0;
	s0 =	rddreg [dreg:$0x3]  }
0x87: {  	s0 =	sadd.s32 @!p0 $0x100000, s0  }
0x88: {  	[sflag:s0] =	ssyncadd.tile.s32 @!p0 $0x1;
	_ =	shalt  }
.Lfunc_end2:
_tile_overlayer_lowered:
.L_overlay_start_2:
0x89: {  	(tag) =	ssettag $0x2  }
0x8a: {  	s0 =	rddreg [dreg:$0x0];
	s2 =	stileid.u32  }
0x8b: {  	s1 =	rddreg [dreg:$0x1];
	p0 =	sne.s32 s2, $0x0  }
0x8c: {  	s3 =	rddreg [dreg:$0x2];
	[bflag:$0x3] =	sbarrier.arrive $0xFFFF;
	s2 =	simm.s32 @!p0 $0x1C04  }
0x8d: {  	[timem:s3], [sflag:s2] =	dma.local @!p0 [hbm:s0], s1  }
0x8e: {  	s0 =	simm.s32 @!p0 $0x4  }
0x8f: {  	_ =	swait.ge @!p0 [sflag:s0], s1  }
0x90: {  	s1 =	ssub.s32 @!p0 $0x0, s1;
	[sflag:s0] =	ssyncset.done @!p0 $0x0  }
0x91: {  	[sflag:s0] =	ssyncadd.s32 @!p0 s1  }
0x92: {  	[bflag:$0x3] =	sbarrier.arrive $0xFFFF  }
0x93: {  	_ =	shalt  }

// kernel: kernel.16.cloned.1.call-start
scs
__scs_entry_jumppad:
0x0: {  	(pc) =	sbr.rel $0x88, $3  }
0x1: {  	(tag) =	ssettag $0x0;
	lr =	simm.s32 $0x1  }
0x2: {  	[smem:$0x3F95] =	sst lr;
	_ =	strace $0xD0000000  }
0x3: {  	_ = 	snop  }
0x4: {  	_ = 	snop  }
0x5: {  	_ = 	snop  }
0x6: {  	_ = 	snop  }
0x7: {  	_ = 	snop  }
__scs_overlays_trampoline_lowered:
0x8: {  	[smem:$0x3FA4] =	sst s0  }
0x9: {  	[smem:$0x3FA5] =	sst s1  }
0xa: {  	[smem:$0x3FA6] =	sst s2  }
0xb: {  	[smem:$0x3FA7] =	sst s3  }
0xc: {  	[smem:$0x3FA8] =	sst s4  }
0xd: {  	[smem:$0x3FA9] =	sst s5  }
0xe: {  	[smem:$0x3FAA] =	sst s6  }
0xf: {  	[smem:$0x3FAB] =	sst s7  }
0x10: {  	[smem:$0x3FAC] =	sst s8  }
0x11: {  	[smem:$0x3FAD] =	sst s9;
	s0 =	simm.s32 @!p0 $0x0  }
0x12: {  	s1 =	sld [smem:$0x3F93];
	s0 =	simm.s32 @p0 $0x1  }
0x13: {  	[smem:$0x3FAE] =	sst s0;
	s0 =	simm.s32 @!p1 $0x0  }
0x14: {  	s2 =	sld [smem:$0x3F92];
	s0 =	simm.s32 @p1 $0x1  }
0x15: {  	[smem:$0x3FAF] =	sst s0;
	s0 =	simm.s32 @!p2 $0x0  }
0x16: {  	s3 =	sld [smem:$0x3FDB];
	s0 =	simm.s32 @p2 $0x1  }
0x17: {  	s4 =	simm.s32 $0x1BF5;
	[smem:$0x3FB1] =	sst s0  }
0x18: {  	s0 =	sld [smem:$0x3F94];
	_ =	swait.ge [sflag:s4], $0x0  }
0x19: {  	s7 =	sld [smem:$0x3F95]  }
0x1a: {  	s8 =	sadd.s32 $0xFFFFE003, lr  }
0x1b: {  	s9 =	sadd.s32 $0xFFFFFEF7, lr;
	s5 =	simm.s32 $0xFFFFFFFF;
	p2 =	slt.u32 s8, $0xFFFFF086  }
0x1c: {  	p1 =	slt.u32 s9, $0xF7A;
	s5 =	simm.s32 @!p2 $0x0  }
0x1d: {  	s5 =	simm.s32 @p1 $0x1;
	p0 =	seq.s32 s7, s2  }
0x1e: {  	s7 =	smul.u32 @!p0 $0xF7A, s2;
	p2 =	seq.s32 @!p0 s5, $0x0  }
0x1f: {  	s9 =	smul.u32 $0xF7A, s1;
	s8 =	simm.s32 @!p0 $0x1BF5;
	p2 =	por !p2, p0  }
0x20: {  	[sflag:s8] =	ssyncset.s32 @!p0 $0xFFFFF086;
	s6 =	sadd.s32 @!p0 s3, s7;
	s7 =	simm.s32 @!p0 $0x108  }
0x21: {  	s3 =	sadd.s32 s3, s9;
	s6 =	sadd.s32 @!p0 $0x88, s6;
	s7 =	simm.s32 @p2 $0x1082  }
0x22: {  	[simem:s7], [sflag:s8] =	dma.local @!p0 [hbm:s6], $0xF7A  }
0x23: {  	s9 =	sor.u32 $0xD0000000, s2;
	s6 =	simm.s32 $0x108;
	_ =	swait.ge @!p0 [sflag:s8], $0x0  }
0x24: {  	s3 =	sadd.s32 $0x88, s3;
	s6 =	simm.s32 @!p1 $0x1082;
	[sflag:s4] =	ssyncset.s32 $0xFFFFF086  }
0x25: {  	[simem:s6], [sflag:s4] =	dma.local [hbm:s3], $0xF7A  }
0x26: {  	[smem:$0x3F95] =	sst s1;
	(tag) =	ssettag s2;
	_ =	strace s9  }
0x27: {  	s1 =	sld [smem:$0x3FA5]  }
0x28: {  	s2 =	sld [smem:$0x3FA6]  }
0x29: {  	s4 =	sld [smem:$0x3FA8]  }
0x2a: {  	p0 =	seq.s32 s5, $0x0;
	s5 =	sld [smem:$0x3FA9]  }
0x2b: {  	s6 =	sld [smem:$0x3FAA]  }
0x2c: {  	s7 =	sld [smem:$0x3FAB]  }
0x2d: {  	s3 =	simm.s32 $0x108;
	s8 =	sld [smem:$0x3FAC]  }
0x2e: {  	s3 =	simm.s32 @!p0 $0x1082;
	s9 =	sld [smem:$0x3FAD]  }
0x2f: {  	lr =	sadd.s32 s0, s3;
	s0 =	sld [smem:$0x3FA4]  }
0x30: {  	s3 =	sld [smem:$0x3FA7]  }
0x31: {  	[smem:$0x3FB0] =	sst s10  }
0x32: {  	s10 =	sld [smem:$0x3FAE];
	_ =	sdelay $0x3  }
0x33: {  	p0 =	seq.s32 s10, $0x1;
	s10 =	sld [smem:$0x3FB0];
	_ =	sdelay $0x3  }
0x34: {  	[smem:$0x3FB0] =	sst s10  }
0x35: {  	s10 =	sld [smem:$0x3FAF];
	_ =	sdelay $0x3  }
0x36: {  	p1 =	seq.s32 s10, $0x1;
	s10 =	sld [smem:$0x3FB0];
	_ =	sdelay $0x3  }
0x37: {  	[smem:$0x3FB0] =	sst s10  }
0x38: {  	s10 =	sld [smem:$0x3FB1]  }
0x39: {  	_ = 	snop;
	(pc) =	sbr.ind lr, $3  }
0x3a: {  	_ = 	snop  }
0x3b: {  	_ = 	snop  }
0x3c: {  	p2 =	seq.s32 s10, $0x1;
	s10 =	sld [smem:$0x3FB0]  }
0x3d: {  	_ =	shalt  }
0x3e: {  	_ =	shalt  }
0x3f: {  	_ =	shalt  }
0x40: {  	_ =	shalt  }
0x41: {  	_ =	shalt  }
0x42: {  	_ =	shalt  }
0x43: {  	_ =	shalt  }
0x44: {  	_ =	shalt  }
0x45: {  	_ =	shalt  }
0x46: {  	_ =	shalt  }
0x47: {  	_ =	shalt  }
0x48: {  	_ =	shalt  }
0x49: {  	_ =	shalt  }
0x4a: {  	_ =	shalt  }
0x4b: {  	_ =	shalt  }
0x4c: {  	_ =	shalt  }
0x4d: {  	_ =	shalt  }
0x4e: {  	_ =	shalt  }
0x4f: {  	_ =	shalt  }
0x50: {  	_ =	shalt  }
0x51: {  	_ =	shalt  }
0x52: {  	_ =	shalt  }
0x53: {  	_ =	shalt  }
0x54: {  	_ =	shalt  }
0x55: {  	_ =	shalt  }
0x56: {  	_ =	shalt  }
0x57: {  	_ =	shalt  }
0x58: {  	_ =	shalt  }
0x59: {  	_ =	shalt  }
0x5a: {  	_ =	shalt  }
0x5b: {  	_ =	shalt  }
0x5c: {  	_ =	shalt  }
0x5d: {  	_ =	shalt  }
0x5e: {  	_ =	shalt  }
0x5f: {  	_ =	shalt  }
0x60: {  	_ =	shalt  }
0x61: {  	_ =	shalt  }
0x62: {  	_ =	shalt  }
0x63: {  	_ =	shalt  }
0x64: {  	_ =	shalt  }
0x65: {  	_ =	shalt  }
0x66: {  	_ =	shalt  }
0x67: {  	_ =	shalt  }
0x68: {  	_ =	shalt  }
0x69: {  	_ =	shalt  }
0x6a: {  	_ =	shalt  }
0x6b: {  	_ =	shalt  }
0x6c: {  	_ =	shalt  }
0x6d: {  	_ =	shalt  }
0x6e: {  	_ =	shalt  }
0x6f: {  	_ =	shalt  }
0x70: {  	_ =	shalt  }
0x71: {  	_ =	shalt  }
0x72: {  	_ =	shalt  }
0x73: {  	_ =	shalt  }
0x74: {  	_ =	shalt  }
0x75: {  	_ =	shalt  }
0x76: {  	_ =	shalt  }
0x77: {  	_ =	shalt  }
0x78: {  	_ =	shalt  }
0x79: {  	_ =	shalt  }
0x7a: {  	_ =	shalt  }
0x7b: {  	_ =	shalt  }
0x7c: {  	_ =	shalt  }
0x7d: {  	_ =	shalt  }
0x7e: {  	_ =	shalt  }
0x7f: {  	_ =	shalt  }
0x80: {  	_ =	shalt  }
0x81: {  	_ =	shalt  }
0x82: {  	_ =	shalt  }
0x83: {  	_ =	shalt  }
0x84: {  	_ =	shalt  }
0x85: {  	_ =	shalt  }
0x86: {  	_ =	shalt  }
0x87: {  	_ =	shalt  }
.Lfunc_end0:
.L_simem_size_0:
called_computation.2_lowered:
.L_overlay_start_0:
0x88: {  	s2 =	sld [smem:$0x3FD9]  }
0x89: {  	s3 =	sld [smem:$0x3FFE];
	_ =	sdelay $0x1  }
0x8a: {  	s1 =	srdreg.scid  }
0x8b: {  	s0 =	sand.u32 $0x1, s1  }
0x8c: {  	s17 =	sshll.u32 s0, $0xA;
	s2 =	sadd.s32 s3, s2  }
0x8d: {  	s2 =	sadd.s32 s2, s17  }
0x8e: {  	[smem:$0x3FBC] =	sst s2  }
0x8f: {  	_ = 	snop  }
0x90: {  	s2 =	sld [smem:$0x3FD0];
	(tm) =	ssettm $0x1  }
0x91: {  	s18 =	sld [smem:$0x3FFB];
	_ =	sdelay $0x3  }
0x92: {  	_ =	strace s18  }
0x93: {  	s3 =	sld [smem:$0x3FFC];
	_ =	sdelay $0x3  }
0x94: {  	_ =	strace s3  }
0x95: {  	s3 =	sld [smem:$0x3FFD];
	_ =	sdelay $0x3  }
0x96: {  	_ =	strace s3  }
0x97: {  	_ =	strace $0x8FFFFFFF  }
0x98: {  	s19 =	sld [smem:$0x3FDB];
	_ =	sdelay $0x1  }
0x99: {  	s4 =	simm.s32 $_scs_section_size  }
0x9a: {  	s5 =	simm.s32 $_size__tile_overlayer_lowered;
	s6 =	simm.s32 $_tile_overlayer_lowered  }
0x9b: {  	s22 =	simm.s32 $0x1BFF;
	s21 =	sshll.u32 s6, $0x1;
	s3 =	sadd.s32 s4, s19  }
0x9c: {  	s7 =	simm.s32 $0x0;
	s20 =	sshll.u32 s5, $0x1;
	s5 =	sadd.s32 s21, s3  }
0x9d: {  	[timem:s7], [sflag:s22] =	dma.local [hbm:s5], s20  }
0x9e: {  	_ =	swait.ge [sflag:s22], s20  }
0x9f: {  	s4 =	ssub.s32 $0x0, s20;
	[sflag:s22] =	ssyncset.done $0x0  }
0xa0: {  	[sflag:s22] =	ssyncadd.s32 s4;
	_ =	sdelay $0x1  }
0xa1: {  	s23 =	simm.s32 $0x1B8B  }
0xa2: {  	_ =	swait.ge [sflag:s23], $0x1  }
0xa3: {  	[sflag:s23] =	ssyncset.done $0x0  }
0xa4: {  	s25 =	simm.s32 $0x1B8E;
	s24 =	sld [smem:$0x3FFE];
	[sflag:s23] =	ssyncadd.s32 $0xFFFFFFFF  }
0xa5: {  	s26 =	simm.s32 $execute0_lowered;
	[smem:$0x3FD2] =	sst s25  }
0xa6: {  	s5 =	sshll.u32 s26, $0x1;
	_ =	strace $0x8000004C;
	[dreg:$0x1] =	wrdreg $0xFFFFFFFF  }
0xa7: {  	s28 =	simm.s32 $_size_execute0_lowered;
	s3 =	sadd.s32 s3, s5;
	[dreg:$0x0] =	wrdreg $0x0  }
0xa8: {  	s5 =	sshll.u32 s28, $0x1;
	[dreg:$0x2] =	wrdreg s3  }
0xa9: {  	[dreg:$0x3] =	wrdreg s5  }
0xaa: {  	[dreg:$0x4] =	wrdreg $0xC0  }
0xab: {  	_ =	task [dreg:s7], $0x5FFFF  }
0xac: {  	[dreg:$0x1] =	wrdreg $0xFFFFFFFF  }
0xad: {  	[dreg:$0x0] =	wrdreg $0x60  }
0xae: {  	[dreg:$0x2] =	wrdreg s24  }
0xaf: {  	[dreg:$0x3] =	wrdreg s2  }
0xb0: {  	[dreg:$0x4] =	wrdreg $0xC6200  }
0xb1: {  	[dreg:$0x5] =	wrdreg $0x9  }
0xb2: {  	_ =	task.clear_ibuf [dreg:s7], $0x6FFFF;
	_ =	strace $0x9000004C  }
0xb3: {  	s29 =	simm.s32 $0x9;
	_ =	strace $0x8000004E  }
0xb4: {  	_ =	swait.ge [sflag:s29], $0x1  }
0xb5: {  	[sflag:s29] =	ssyncadd.s32 $0xFFFFFFFF  }
0xb6: {  	_ =	strace $0x9000004E  }
0xb7: {  	_ =	sfence  }
0xb8: {  	s30 =	sld [smem:$0x0];
	_ =	sdelay $0x2  }
0xb9: {  	s31 =	sshll.u32 s1, $0xD;
	s1 =	sshrl.u32 s1, $0x2  }
0xba: {  	s3 =	sand.u32 $0x4000, s31;
	s1 =	sadd.s32 s1, s30  }
0xbb: {  	s0 =	sor.u32 s3, s0;
	s1 =	sshll.u32 s1, $0x11  }
0xbc: {  	s0 =	sor.u32 s1, s0  }
0xbd: {  	s0 =	sadd.s32 $0x8F2B, s0  }
0xbe: {  	[sflag:s0] =	ssyncadd.remote.s32 $0x1  }
0xbf: {  	_ =	sfence.sel $0xFFFF  }
0xc0: {  	[dreg:$0x0] =	wrdreg $0xFFFFFFFF;
	(pc) =	sbr.abs _section_cstart, $3  }
0xc1: {  	[dreg:$0x1] =	wrdreg $0xFFFFFFFF  }
0xc2: {  	_ =	task.clear_ibuf [dreg:s7], $0x2FFFF;
	_ =	strace $0x9FFFFFFF  }
0xc3: {  	(tm) =	ssettm $0x7FFFFFFF  }
tec
execute0_lowered:
.L_overlay_start_1:
0x0: {  	(tag) =	ssettag $0x1  }
0x1: {  	s0 =	rddreg [dreg:$0x0]  }
0x2: {  	s5 =	rddreg [dreg:$0x1]  }
0x3: {  	s2 =	rddreg [dreg:$0x2]  }
0x4: {  	s3 =	srdreg.scid;
	s1 =	stileid.u32;
	s14 =	simm.s32 $0x50  }
0x5: {  	s15 =	simm.s32 $0x4E20;
	s16 =	simm.s32 $0x7620;
	s17 =	simm.s32 $0xA0  }
0x6: {  	s18 =	simm.s32 $0x9E20;
	s19 =	simm.s32 $0x1;
	s20 =	simm.s32 $0x2  }
0x7: {  	s21 =	simm.s32 $0x3;
	s22 =	simm.s32 $0x4C90;
	s23 =	simm.s32 $0x2670  }
0x8: {  	s24 =	simm.s32 $0x4CE0;
	s28 =	simm.s32 $0x4D80;
	s29 =	simm.s32 $0x4DD0  }
0x9: {  	s30 =	simm.s32 $0x0;
	s7 =	sand.u32 $0x1, s3;
	s3 =	simm.s32 $0x0  }
0xa: {  	s8 =	smul.u32 $0x13880, s1;
	s10 =	sadd.s32 $0x2A600, s0;
	s31 =	sshll.u32 s1, $0x6  }
0xb: {  	s4 =	sshll.u32 s7, $0x4;
	[smem:$0x7FF] =	sst s3;
	s6 =	smul.u32 $0x138800, s7  }
0xc: {  	s11 =	ssub.s32 $0x2, s7;
	p0 =	seq.s32 s7, $0x1;
	s4 =	sor.u32 s1, s4  }
0xd: {  	_ =	strace $0x8000004D;
	s25 =	sshrl.u32 s11, $0x1;
	s13 =	sadd.s32 s8, s2  }
0xe: {  	s12 =	sshrl.u32 s8, $0x3;
	s9 =	smul.u32 $0x2710, s4;
	s4 =	sadd.s32 $0x3400, s0  }
0xf: {  	s6 =	sadd.s32 s8, s6;
	s26 =	ssub.s32 s11, s25;
	s13 =	sshrl.u32 s13, $0x3  }
0x10: {  	s25 =	simm.s32 $0x26C0;
	s6 =	sshrl.u32 s6, $0x3;
	s11 =	smov.u32 s4  }
0x11: {  	s8 =	smax.u32 s26, $0x1;
	s26 =	simm.s32 $0x4D30;
	s9 =	sshrl.u32 s9, $0x3  }
0x12: {  	s0 =	sadd.s32 s6, s0;
	s11 =	smov.u32 @p0 s10;
	s10 =	simm.s32 $0x4  }
0x13: {  	s5 =	sadd.s32 s5, s9;
	s7 =	sadd.s32 $0x51800, s0;
	s9 =	sadd.s32 s11, s12  }
0x14: {  	s11 =	simm.s32 $0x2710;
	s12 =	sor.u32 $0x1C04, s31;
	s6 =	sadd.s32 $0x9C40, s5  }
.LBB2_1:
0x15: {  	[tilespmem:s3], [sflag:$0x4] =	stream.linear.gather [hbm4b:s5+s3], $0x2710, $0x38;
	[tilespmem:$0x1FEA0] =	vst v63  }
0x16: {  	_ =	swait.ge [sflag:s10], $0x2710  }
0x17: {  	[sflag:s10] =	ssyncset.done $0x0  }
0x18: {  	[sflag:s10] =	ssyncadd.s32 $0xFFFFD8F0  }
0x19: {  	[tilespmem:s11], [sflag:$0x4] =	stream.linear.gather [hbm4b:s6+s3], $0x2710, $0x38;
	[tilespmem:$0x1FEA0] =	vst v63  }
0x1a: {  	_ =	swait.ge [sflag:s10], $0x2710  }
0x1b: {  	[sflag:s10] =	ssyncset.done $0x0  }
0x1c: {  	[sflag:s10] =	ssyncadd.s32 $0xFFFFD8F0  }
0x1d: {  	[spmem:s13], [sflag:s12] =	dma.local [hbm:s9], $0x2710  }
0x1e: {  	_ =	swait.ge [sflag:s10], $0x2710  }
0x1f: {  	[sflag:s10] =	ssyncset.done $0x0  }
0x20: {  	[sflag:s10] =	ssyncadd.s32 $0xFFFFD8F0  }
0x21: {  	[bflag:$0x0] =	sbarrier.arrive $0xFFFF  }
0x22: {  	[tilespmem:s15], [sflag:$0x1] =	stream.indirect.gather [hbm4b:s4+s14], $0x80, s3, s14, $0xb8;
	[tilespmem:$0x1FEA0] =	vst v63  }
0x23: {  	_ = 	snop  }
0x24: {  	[tilespmem:s16], [sflag:$0x2] =	stream.indirect.gather [hbm4b:s4+s14], $0x80, s14, s14, $0xb8;
	[tilespmem:$0x1FEA0] =	vst v63  }
0x25: {  	_ = 	snop  }
0x26: {  	[tilespmem:s18], [sflag:$0x3] =	stream.indirect.gather [hbm4b:s4+s14], $0x80, s17, s14, $0xb8;
	[tilespmem:$0x1FEA0] =	vst v63  }
0x27: {  	_ =	swait.ge [sflag:s19], $0x2800  }
0x28: {  	[sflag:s19] =	ssyncset.done $0x0  }
0x29: {  	s0 =	simm.s32 $0x2710;
	[sflag:s19] =	ssyncadd.s32 $0xFFFFD800  }
0x2a: {  	[spmem:s2] =	stream.indirect.scatter.add.f32 [tilespmem:s15], [sflag:$0x4], $0x80, s0, s14, $0xb8;
	[tilespmem:$0x1FEA0] =	vst v63  }
0x2b: {  	_ =	swait.ge [sflag:s10], $0x2800  }
0x2c: {  	[sflag:s10] =	ssyncset.done $0x0  }
0x2d: {  	s1 =	simm.s32 $0xF0;
	[sflag:s10] =	ssyncadd.s32 $0xFFFFD800  }
0x2e: {  	[tilespmem:s15], [sflag:$0x1] =	stream.indirect.gather [hbm4b:s4+s14], $0x80, s1, s14, $0xb8;
	[tilespmem:$0x1FEA0] =	vst v63  }
0x2f: {  	_ =	swait.ge [sflag:s20], $0x2800  }
0x30: {  	[sflag:s20] =	ssyncset.done $0x0  }
0x31: {  	s1 =	simm.s32 $0x2760;
	[sflag:s20] =	ssyncadd.s32 $0xFFFFD800  }
0x32: {  	[spmem:s2] =	stream.indirect.scatter.add.f32 [tilespmem:s16], [sflag:$0x4], $0x80, s1, s14, $0xb8;
	[tilespmem:$0x1FEA0] =	vst v63  }
0x33: {  	_ =	swait.ge [sflag:s10], $0x2800  }
0x34: {  	[sflag:s10] =	ssyncset.done $0x0  }
0x35: {  	s1 =	simm.s32 $0x140;
	[sflag:s10] =	ssyncadd.s32 $0xFFFFD800  }
0x36: {  	[tilespmem:s16], [sflag:$0x2] =	stream.indirect.gather [hbm4b:s4+s14], $0x80, s1, s14, $0xb8;
	[tilespmem:$0x1FEA0] =	vst v63  }
0x37: {  	_ =	swait.ge [sflag:s21], $0x2800  }
0x38: {  	[sflag:s21] =	ssyncset.done $0x0  }
0x39: {  	s1 =	simm.s32 $0x27B0;
	[sflag:s21] =	ssyncadd.s32 $0xFFFFD800  }
0x3a: {  	[spmem:s2] =	stream.indirect.scatter.add.f32 [tilespmem:s18], [sflag:$0x4], $0x80, s1, s14, $0xb8;
	[tilespmem:$0x1FEA0] =	vst v63  }
0x3b: {  	_ =	swait.ge [sflag:s10], $0x2800  }
0x3c: {  	[sflag:s10] =	ssyncset.done $0x0  }
0x3d: {  	s31 =	simm.s32 $0x3C0;
	s0 =	simm.s32 $0x190;
	[sflag:s10] =	ssyncadd.s32 $0xFFFFD800  }
.LBB2_2:
0x3e: {  	[tilespmem:s18], [sflag:$0x3] =	stream.indirect.gather [hbm4b:s4+s14], $0x80, s0, s14, $0xb8;
	[tilespmem:$0x1FEA0] =	vst v63  }
0x3f: {  	s0 =	smov.u32 s31  }
0x40: {  	p0 =	sne.s32 s31, $0x9240;
	s31 =	sadd.s32 $0x3C0, s31;
	_ =	swait.ge [sflag:s19], $0x2800  }
0x41: {  	s0 =	sshra.s32 s0, $0x2;
	[sflag:s19] =	ssyncset.done $0x0  }
0x42: {  	s1 =	sadd.s32 $0x2710, s0;
	[sflag:s19] =	ssyncadd.s32 $0xFFFFD800  }
0x43: {  	[spmem:s2] =	stream.indirect.scatter.add.f32 [tilespmem:s15], [sflag:$0x4], $0x80, s1, s14, $0xb8;
	[tilespmem:$0x1FEA0] =	vst v63  }
0x44: {  	_ =	swait.ge [sflag:s10], $0x2800  }
0x45: {  	[sflag:s10] =	ssyncset.done $0x0  }
0x46: {  	s1 =	sadd.s32 $0xF0, s0;
	[sflag:s10] =	ssyncadd.s32 $0xFFFFD800  }
0x47: {  	[tilespmem:s15], [sflag:$0x1] =	stream.indirect.gather [hbm4b:s4+s14], $0x80, s1, s14, $0xb8;
	[tilespmem:$0x1FEA0] =	vst v63  }
0x48: {  	_ =	swait.ge [sflag:s20], $0x2800  }
0x49: {  	[sflag:s20] =	ssyncset.done $0x0  }
0x4a: {  	s1 =	sadd.s32 $0x2760, s0;
	[sflag:s20] =	ssyncadd.s32 $0xFFFFD800  }
0x4b: {  	[spmem:s2] =	stream.indirect.scatter.add.f32 [tilespmem:s16], [sflag:$0x4], $0x80, s1, s14, $0xb8;
	[tilespmem:$0x1FEA0] =	vst v63  }
0x4c: {  	_ =	swait.ge [sflag:s10], $0x2800  }
0x4d: {  	[sflag:s10] =	ssyncset.done $0x0  }
0x4e: {  	s1 =	sadd.s32 $0x140, s0;
	[sflag:s10] =	ssyncadd.s32 $0xFFFFD800  }
0x4f: {  	[tilespmem:s16], [sflag:$0x2] =	stream.indirect.gather [hbm4b:s4+s14], $0x80, s1, s14, $0xb8;
	[tilespmem:$0x1FEA0] =	vst v63  }
0x50: {  	_ =	swait.ge [sflag:s21], $0x2800  }
0x51: {  	[sflag:s21] =	ssyncset.done $0x0  }
.Ltmp0:
0x52: {  	s1 =	sadd.s32 $0x27B0, s0;
	[sflag:s21] =	ssyncadd.s32 $0xFFFFD800;
	(pc) =	sbr.rel @p0 .LBB2_2-.Ltmp0, $4  }
0x53: {  	[spmem:s2] =	stream.indirect.scatter.add.f32 [tilespmem:s18], [sflag:$0x4], $0x80, s1, s14, $0xb8;
	[tilespmem:$0x1FEA0] =	vst v63  }
0x54: {  	_ =	swait.ge [sflag:s10], $0x2800  }
0x55: {  	[sflag:s10] =	ssyncset.done $0x0  }
0x56: {  	s0 =	sadd.s32 $0x190, s0;
	[sflag:s10] =	ssyncadd.s32 $0xFFFFD800  }
0x57: {  	[tilespmem:s18], [sflag:$0x3] =	stream.indirect.gather [hbm4b:s4+s14], $0x80, s0, s14, $0xb8;
	[tilespmem:$0x1FEA0] =	vst v63  }
0x58: {  	_ =	swait.ge [sflag:s19], $0x2800  }
0x59: {  	[sflag:s19] =	ssyncset.done $0x0  }
0x5a: {  	[sflag:s19] =	ssyncadd.s32 $0xFFFFD800  }
0x5b: {  	[spmem:s2] =	stream.indirect.scatter.add.f32 [tilespmem:s15], [sflag:$0x4], $0x80, s22, s14, $0xb8;
	[tilespmem:$0x1FEA0] =	vst v63  }
0x5c: {  	_ =	swait.ge [sflag:s10], $0x2800  }
0x5d: {  	[sflag:s10] =	ssyncset.done $0x0  }
0x5e: {  	[sflag:s10] =	ssyncadd.s32 $0xFFFFD800  }
0x5f: {  	[tilespmem:s15], [sflag:$0x1] =	stream.indirect.gather [hbm4b:s4+s14], $0x80, s23, s14, $0xb8;
	[tilespmem:$0x1FEA0] =	vst v63  }
0x60: {  	_ =	swait.ge [sflag:s20], $0x2800  }
0x61: {  	[sflag:s20] =	ssyncset.done $0x0  }
0x62: {  	[sflag:s20] =	ssyncadd.s32 $0xFFFFD800  }
0x63: {  	[spmem:s2] =	stream.indirect.scatter.add.f32 [tilespmem:s16], [sflag:$0x4], $0x80, s24, s14, $0xb8;
	[tilespmem:$0x1FEA0] =	vst v63  }
0x64: {  	_ =	swait.ge [sflag:s10], $0x2800  }
0x65: {  	[sflag:s10] =	ssyncset.done $0x0  }
0x66: {  	[sflag:s10] =	ssyncadd.s32 $0xFFFFD800  }
0x67: {  	[tilespmem:s16], [sflag:$0x2] =	stream.indirect.gather [hbm4b:s4+s14], $0x80, s25, s14, $0xb8;
	[tilespmem:$0x1FEA0] =	vst v63  }
0x68: {  	_ =	swait.ge [sflag:s21], $0x2800  }
0x69: {  	[sflag:s21] =	ssyncset.done $0x0  }
0x6a: {  	[sflag:s21] =	ssyncadd.s32 $0xFFFFD800  }
0x6b: {  	[spmem:s2] =	stream.indirect.scatter.add.f32 [tilespmem:s18], [sflag:$0x4], $0x80, s26, s14, $0xb8;
	[tilespmem:$0x1FEA0] =	vst v63  }
0x6c: {  	_ =	swait.ge [sflag:s10], $0x2800  }
0x6d: {  	[sflag:s10] =	ssyncset.done $0x0  }
0x6e: {  	[sflag:s10] =	ssyncadd.s32 $0xFFFFD800  }
0x6f: {  	_ =	swait.ge [sflag:s19], $0x2800  }
0x70: {  	[sflag:s19] =	ssyncset.done $0x0  }
0x71: {  	[sflag:s19] =	ssyncadd.s32 $0xFFFFD800  }
0x72: {  	[spmem:s2] =	stream.indirect.scatter.add.f32 [tilespmem:s15], [sflag:$0x4], $0x80, s28, s14, $0xb8;
	[tilespmem:$0x1FEA0] =	vst v63  }
0x73: {  	_ =	swait.ge [sflag:s10], $0x2800  }
0x74: {  	[sflag:s10] =	ssyncset.done $0x0  }
0x75: {  	[sflag:s10] =	ssyncadd.s32 $0xFFFFD800  }
0x76: {  	_ =	swait.ge [sflag:s20], $0x2800  }
0x77: {  	[sflag:s20] =	ssyncset.done $0x0  }
0x78: {  	[sflag:s20] =	ssyncadd.s32 $0xFFFFD800  }
0x79: {  	[spmem:s2] =	stream.indirect.scatter.add.f32 [tilespmem:s16], [sflag:$0x4], $0x80, s29, s14, $0xb8;
	[tilespmem:$0x1FEA0] =	vst v63  }
0x7a: {  	_ =	swait.ge [sflag:s10], $0x2800  }
0x7b: {  	s30 =	sadd.s32 $0x1, s30;
	[sflag:s10] =	ssyncset.done $0x0  }
0x7c: {  	p0 =	sne.s32 s30, s8;
	[sflag:s10] =	ssyncadd.s32 $0xFFFFD800  }
.Ltmp1:
0x7d: {  	[bflag:$0x0] =	sbarrier.arrive $0xFFFF;
	(pc) =	sbr.rel @p0 .LBB2_1-.Ltmp1, $4  }
0x7e: {  	[hbm:s7], [sflag:s12] =	dma.local [spmem:s13], $0x2710  }
0x7f: {  	_ =	swait.ge [sflag:s10], $0x2710  }
0x80: {  	[sflag:s10] =	ssyncset.done $0x0  }
0x81: {  	[sflag:s10] =	ssyncadd.s32 $0xFFFFD8F0  }
0x82: {  	_ =	sfence.sel $0x180000  }
0x83: {  	[bflag:$0x0] =	sbarrier.arrive $0xFFFF  }
0x84: {  	_ =	strace $0x9000004D  }
0x85: {  	s0 =	stileid.u32;
	[bflag:$0x2] =	sbarrier.arrive $0xFFFF  }
0x86: {  	p0 =	sne.s32 s0, $0x0;
	s0 =	rddreg [dreg:$0x3]  }
0x87: {  	s0 =	sadd.s32 @!p0 $0x100000, s0  }
0x88: {  	[sflag:s0] =	ssyncadd.tile.s32 @!p0 $0x1;
	_ =	shalt  }
.Lfunc_end2:
_tile_overlayer_lowered:
.L_overlay_start_2:
0x89: {  	(tag) =	ssettag $0x2  }
0x8a: {  	s0 =	rddreg [dreg:$0x0];
	s2 =	stileid.u32  }
0x8b: {  	s1 =	rddreg [dreg:$0x1];
	p0 =	sne.s32 s2, $0x0  }
0x8c: {  	s3 =	rddreg [dreg:$0x2];
	[bflag:$0x3] =	sbarrier.arrive $0xFFFF;
	s2 =	simm.s32 @!p0 $0x1C04  }
0x8d: {  	[timem:s3], [sflag:s2] =	dma.local @!p0 [hbm:s0], s1  }
0x8e: {  	s0 =	simm.s32 @!p0 $0x4  }
0x8f: {  	_ =	swait.ge @!p0 [sflag:s0], s1  }
0x90: {  	s1 =	ssub.s32 @!p0 $0x0, s1;
	[sflag:s0] =	ssyncset.done @!p0 $0x0  }
0x91: {  	[sflag:s0] =	ssyncadd.s32 @!p0 s1  }
0x92: {  	[bflag:$0x3] =	sbarrier.arrive $0xFFFF  }
0x93: {  	_ =	shalt  }

// kernel: kernel.19.cloned.1.call-start
scs
__scs_entry_jumppad:
0x0: {  	(pc) =	sbr.rel $0x88, $3  }
0x1: {  	(tag) =	ssettag $0x0;
	lr =	simm.s32 $0x1  }
0x2: {  	[smem:$0x3F95] =	sst lr;
	_ =	strace $0xD0000000  }
0x3: {  	_ = 	snop  }
0x4: {  	_ = 	snop  }
0x5: {  	_ = 	snop  }
0x6: {  	_ = 	snop  }
0x7: {  	_ = 	snop  }
__scs_overlays_trampoline_lowered:
0x8: {  	[smem:$0x3FA4] =	sst s0  }
0x9: {  	[smem:$0x3FA5] =	sst s1  }
0xa: {  	[smem:$0x3FA6] =	sst s2  }
0xb: {  	[smem:$0x3FA7] =	sst s3  }
0xc: {  	[smem:$0x3FA8] =	sst s4  }
0xd: {  	[smem:$0x3FA9] =	sst s5  }
0xe: {  	[smem:$0x3FAA] =	sst s6  }
0xf: {  	[smem:$0x3FAB] =	sst s7  }
0x10: {  	[smem:$0x3FAC] =	sst s8  }
0x11: {  	[smem:$0x3FAD] =	sst s9;
	s0 =	simm.s32 @!p0 $0x0  }
0x12: {  	s1 =	sld [smem:$0x3F93];
	s0 =	simm.s32 @p0 $0x1  }
0x13: {  	[smem:$0x3FAE] =	sst s0;
	s0 =	simm.s32 @!p1 $0x0  }
0x14: {  	s2 =	sld [smem:$0x3F92];
	s0 =	simm.s32 @p1 $0x1  }
0x15: {  	[smem:$0x3FAF] =	sst s0;
	s0 =	simm.s32 @!p2 $0x0  }
0x16: {  	s3 =	sld [smem:$0x3FDB];
	s0 =	simm.s32 @p2 $0x1  }
0x17: {  	s4 =	simm.s32 $0x1BF5;
	[smem:$0x3FB1] =	sst s0  }
0x18: {  	s0 =	sld [smem:$0x3F94];
	_ =	swait.ge [sflag:s4], $0x0  }
0x19: {  	s7 =	sld [smem:$0x3F95]  }
0x1a: {  	s8 =	sadd.s32 $0xFFFFE003, lr  }
0x1b: {  	s9 =	sadd.s32 $0xFFFFFEF7, lr;
	s5 =	simm.s32 $0xFFFFFFFF;
	p2 =	slt.u32 s8, $0xFFFFF086  }
0x1c: {  	p1 =	slt.u32 s9, $0xF7A;
	s5 =	simm.s32 @!p2 $0x0  }
0x1d: {  	s5 =	simm.s32 @p1 $0x1;
	p0 =	seq.s32 s7, s2  }
0x1e: {  	s7 =	smul.u32 @!p0 $0xF7A, s2;
	p2 =	seq.s32 @!p0 s5, $0x0  }
0x1f: {  	s9 =	smul.u32 $0xF7A, s1;
	s8 =	simm.s32 @!p0 $0x1BF5;
	p2 =	por !p2, p0  }
0x20: {  	[sflag:s8] =	ssyncset.s32 @!p0 $0xFFFFF086;
	s6 =	sadd.s32 @!p0 s3, s7;
	s7 =	simm.s32 @!p0 $0x108  }
0x21: {  	s3 =	sadd.s32 s3, s9;
	s6 =	sadd.s32 @!p0 $0x88, s6;
	s7 =	simm.s32 @p2 $0x1082  }
0x22: {  	[simem:s7], [sflag:s8] =	dma.local @!p0 [hbm:s6], $0xF7A  }
0x23: {  	s9 =	sor.u32 $0xD0000000, s2;
	s6 =	simm.s32 $0x108;
	_ =	swait.ge @!p0 [sflag:s8], $0x0  }
0x24: {  	s3 =	sadd.s32 $0x88, s3;
	s6 =	simm.s32 @!p1 $0x1082;
	[sflag:s4] =	ssyncset.s32 $0xFFFFF086  }
0x25: {  	[simem:s6], [sflag:s4] =	dma.local [hbm:s3], $0xF7A  }
0x26: {  	[smem:$0x3F95] =	sst s1;
	(tag) =	ssettag s2;
	_ =	strace s9  }
0x27: {  	s1 =	sld [smem:$0x3FA5]  }
0x28: {  	s2 =	sld [smem:$0x3FA6]  }
0x29: {  	s4 =	sld [smem:$0x3FA8]  }
0x2a: {  	p0 =	seq.s32 s5, $0x0;
	s5 =	sld [smem:$0x3FA9]  }
0x2b: {  	s6 =	sld [smem:$0x3FAA]  }
0x2c: {  	s7 =	sld [smem:$0x3FAB]  }
0x2d: {  	s3 =	simm.s32 $0x108;
	s8 =	sld [smem:$0x3FAC]  }
0x2e: {  	s3 =	simm.s32 @!p0 $0x1082;
	s9 =	sld [smem:$0x3FAD]  }
0x2f: {  	lr =	sadd.s32 s0, s3;
	s0 =	sld [smem:$0x3FA4]  }
0x30: {  	s3 =	sld [smem:$0x3FA7]  }
0x31: {  	[smem:$0x3FB0] =	sst s10  }
0x32: {  	s10 =	sld [smem:$0x3FAE];
	_ =	sdelay $0x3  }
0x33: {  	p0 =	seq.s32 s10, $0x1;
	s10 =	sld [smem:$0x3FB0];
	_ =	sdelay $0x3  }
0x34: {  	[smem:$0x3FB0] =	sst s10  }
0x35: {  	s10 =	sld [smem:$0x3FAF];
	_ =	sdelay $0x3  }
0x36: {  	p1 =	seq.s32 s10, $0x1;
	s10 =	sld [smem:$0x3FB0];
	_ =	sdelay $0x3  }
0x37: {  	[smem:$0x3FB0] =	sst s10  }
0x38: {  	s10 =	sld [smem:$0x3FB1]  }
0x39: {  	_ = 	snop;
	(pc) =	sbr.ind lr, $3  }
0x3a: {  	_ = 	snop  }
0x3b: {  	_ = 	snop  }
0x3c: {  	p2 =	seq.s32 s10, $0x1;
	s10 =	sld [smem:$0x3FB0]  }
0x3d: {  	_ =	shalt  }
0x3e: {  	_ =	shalt  }
0x3f: {  	_ =	shalt  }
0x40: {  	_ =	shalt  }
0x41: {  	_ =	shalt  }
0x42: {  	_ =	shalt  }
0x43: {  	_ =	shalt  }
0x44: {  	_ =	shalt  }
0x45: {  	_ =	shalt  }
0x46: {  	_ =	shalt  }
0x47: {  	_ =	shalt  }
0x48: {  	_ =	shalt  }
0x49: {  	_ =	shalt  }
0x4a: {  	_ =	shalt  }
0x4b: {  	_ =	shalt  }
0x4c: {  	_ =	shalt  }
0x4d: {  	_ =	shalt  }
0x4e: {  	_ =	shalt  }
0x4f: {  	_ =	shalt  }
0x50: {  	_ =	shalt  }
0x51: {  	_ =	shalt  }
0x52: {  	_ =	shalt  }
0x53: {  	_ =	shalt  }
0x54: {  	_ =	shalt  }
0x55: {  	_ =	shalt  }
0x56: {  	_ =	shalt  }
0x57: {  	_ =	shalt  }
0x58: {  	_ =	shalt  }
0x59: {  	_ =	shalt  }
0x5a: {  	_ =	shalt  }
0x5b: {  	_ =	shalt  }
0x5c: {  	_ =	shalt  }
0x5d: {  	_ =	shalt  }
0x5e: {  	_ =	shalt  }
0x5f: {  	_ =	shalt  }
0x60: {  	_ =	shalt  }
0x61: {  	_ =	shalt  }
0x62: {  	_ =	shalt  }
0x63: {  	_ =	shalt  }
0x64: {  	_ =	shalt  }
0x65: {  	_ =	shalt  }
0x66: {  	_ =	shalt  }
0x67: {  	_ =	shalt  }
0x68: {  	_ =	shalt  }
0x69: {  	_ =	shalt  }
0x6a: {  	_ =	shalt  }
0x6b: {  	_ =	shalt  }
0x6c: {  	_ =	shalt  }
0x6d: {  	_ =	shalt  }
0x6e: {  	_ =	shalt  }
0x6f: {  	_ =	shalt  }
0x70: {  	_ =	shalt  }
0x71: {  	_ =	shalt  }
0x72: {  	_ =	shalt  }
0x73: {  	_ =	shalt  }
0x74: {  	_ =	shalt  }
0x75: {  	_ =	shalt  }
0x76: {  	_ =	shalt  }
0x77: {  	_ =	shalt  }
0x78: {  	_ =	shalt  }
0x79: {  	_ =	shalt  }
0x7a: {  	_ =	shalt  }
0x7b: {  	_ =	shalt  }
0x7c: {  	_ =	shalt  }
0x7d: {  	_ =	shalt  }
0x7e: {  	_ =	shalt  }
0x7f: {  	_ =	shalt  }
0x80: {  	_ =	shalt  }
0x81: {  	_ =	shalt  }
0x82: {  	_ =	shalt  }
0x83: {  	_ =	shalt  }
0x84: {  	_ =	shalt  }
0x85: {  	_ =	shalt  }
0x86: {  	_ =	shalt  }
0x87: {  	_ =	shalt  }
.Lfunc_end0:
.L_simem_size_0:
called_computation.3_lowered:
.L_overlay_start_0:
0x88: {  	s2 =	sld [smem:$0x3FD9]  }
0x89: {  	s3 =	sld [smem:$0x3FFE];
	_ =	sdelay $0x1  }
0x8a: {  	s1 =	srdreg.scid  }
0x8b: {  	s0 =	sand.u32 $0x1, s1  }
0x8c: {  	s17 =	sshll.u32 s0, $0xA;
	s2 =	sadd.s32 s3, s2  }
0x8d: {  	s2 =	sadd.s32 s2, s17  }
0x8e: {  	[smem:$0x3FBC] =	sst s2  }
0x8f: {  	_ = 	snop  }
0x90: {  	s2 =	sld [smem:$0x3FD0];
	(tm) =	ssettm $0x1  }
0x91: {  	s18 =	sld [smem:$0x3FFB];
	_ =	sdelay $0x3  }
0x92: {  	_ =	strace s18  }
0x93: {  	s3 =	sld [smem:$0x3FFC];
	_ =	sdelay $0x3  }
0x94: {  	_ =	strace s3  }
0x95: {  	s3 =	sld [smem:$0x3FFD];
	_ =	sdelay $0x3  }
0x96: {  	_ =	strace s3  }
0x97: {  	_ =	strace $0x8FFFFFFF  }
0x98: {  	s19 =	sld [smem:$0x3FDB];
	_ =	sdelay $0x1  }
0x99: {  	s4 =	simm.s32 $_scs_section_size  }
0x9a: {  	s5 =	simm.s32 $_size__tile_overlayer_lowered;
	s6 =	simm.s32 $_tile_overlayer_lowered  }
0x9b: {  	s22 =	simm.s32 $0x1BFF;
	s21 =	sshll.u32 s6, $0x1;
	s3 =	sadd.s32 s4, s19  }
0x9c: {  	s7 =	simm.s32 $0x0;
	s20 =	sshll.u32 s5, $0x1;
	s5 =	sadd.s32 s21, s3  }
0x9d: {  	[timem:s7], [sflag:s22] =	dma.local [hbm:s5], s20  }
0x9e: {  	_ =	swait.ge [sflag:s22], s20  }
0x9f: {  	s4 =	ssub.s32 $0x0, s20;
	[sflag:s22] =	ssyncset.done $0x0  }
0xa0: {  	[sflag:s22] =	ssyncadd.s32 s4;
	_ =	sdelay $0x1  }
0xa1: {  	s23 =	simm.s32 $0x1B8B  }
0xa2: {  	_ =	swait.ge [sflag:s23], $0x1  }
0xa3: {  	[sflag:s23] =	ssyncset.done $0x0  }
0xa4: {  	s25 =	simm.s32 $0x1B8E;
	s24 =	sld [smem:$0x3FFE];
	[sflag:s23] =	ssyncadd.s32 $0xFFFFFFFF  }
0xa5: {  	s26 =	simm.s32 $execute0_lowered;
	[smem:$0x3FD2] =	sst s25  }
0xa6: {  	s5 =	sshll.u32 s26, $0x1;
	_ =	strace $0x8000004F;
	[dreg:$0x1] =	wrdreg $0xFFFFFFFF  }
0xa7: {  	s28 =	simm.s32 $_size_execute0_lowered;
	s3 =	sadd.s32 s3, s5;
	[dreg:$0x0] =	wrdreg $0x0  }
0xa8: {  	s5 =	sshll.u32 s28, $0x1;
	[dreg:$0x2] =	wrdreg s3  }
0xa9: {  	[dreg:$0x3] =	wrdreg s5  }
0xaa: {  	[dreg:$0x4] =	wrdreg $0xC0  }
0xab: {  	_ =	task [dreg:s7], $0x5FFFF  }
0xac: {  	[dreg:$0x1] =	wrdreg $0xFFFFFFFF  }
0xad: {  	[dreg:$0x0] =	wrdreg $0x60  }
0xae: {  	[dreg:$0x2] =	wrdreg s24  }
0xaf: {  	[dreg:$0x3] =	wrdreg s2  }
0xb0: {  	[dreg:$0x4] =	wrdreg $0xB2200  }
0xb1: {  	[dreg:$0x5] =	wrdreg $0x9  }
0xb2: {  	_ =	task.clear_ibuf [dreg:s7], $0x6FFFF;
	_ =	strace $0x9000004F  }
0xb3: {  	s29 =	simm.s32 $0x9;
	_ =	strace $0x80000051  }
0xb4: {  	_ =	swait.ge [sflag:s29], $0x1  }
0xb5: {  	[sflag:s29] =	ssyncadd.s32 $0xFFFFFFFF  }
0xb6: {  	_ =	strace $0x90000051  }
0xb7: {  	_ =	sfence  }
0xb8: {  	s30 =	sld [smem:$0x0];
	_ =	sdelay $0x2  }
0xb9: {  	s31 =	sshll.u32 s1, $0xD;
	s1 =	sshrl.u32 s1, $0x2  }
0xba: {  	s3 =	sand.u32 $0x4000, s31;
	s1 =	sadd.s32 s1, s30  }
0xbb: {  	s0 =	sor.u32 s3, s0;
	s1 =	sshll.u32 s1, $0x11  }
0xbc: {  	s0 =	sor.u32 s1, s0  }
0xbd: {  	s0 =	sadd.s32 $0x8F2B, s0  }
0xbe: {  	[sflag:s0] =	ssyncadd.remote.s32 $0x1  }
0xbf: {  	_ =	sfence.sel $0xFFFF  }
0xc0: {  	[dreg:$0x0] =	wrdreg $0xFFFFFFFF;
	(pc) =	sbr.abs _section_cstart, $3  }
0xc1: {  	[dreg:$0x1] =	wrdreg $0xFFFFFFFF  }
0xc2: {  	_ =	task.clear_ibuf [dreg:s7], $0x2FFFF;
	_ =	strace $0x9FFFFFFF  }
0xc3: {  	(tm) =	ssettm $0x7FFFFFFF  }
tec
execute0_lowered:
.L_overlay_start_1:
0x0: {  	(tag) =	ssettag $0x1  }
0x1: {  	s0 =	rddreg [dreg:$0x0]  }
0x2: {  	s1 =	rddreg [dreg:$0x1]  }
0x3: {  	s2 =	rddreg [dreg:$0x2]  }
0x4: {  	s3 =	srdreg.scid;
	s13 =	stileid.u32;
	s14 =	simm.s32 $0x50  }
0x5: {  	s15 =	simm.s32 $0x4E20;
	s16 =	simm.s32 $0x6220;
	s18 =	simm.s32 $0x7620  }
0x6: {  	s20 =	simm.s32 $0x8A20;
	s22 =	simm.s32 $0x9E20;
	s23 =	simm.s32 $0x1  }
0x7: {  	s24 =	simm.s32 $0x2;
	s28 =	simm.s32 $0x5;
	s29 =	simm.s32 $0x4C90  }
0x8: {  	s30 =	simm.s32 $0x4CE0;
	s31 =	simm.s32 $0x4D30;
	s7 =	sand.u32 $0x1, s3  }
0x9: {  	s3 =	simm.s32 $0x0;
	s8 =	smul.u32 $0x9C40, s13;
	s9 =	sadd.s32 $0x16E00, s0  }
0xa: {  	s26 =	sshll.u32 s13, $0x6;
	s4 =	sshll.u32 s7, $0x4;
	[smem:$0x7FF] =	sst s3  }
0xb: {  	s5 =	smul.u32 $0x9C400, s7;
	s10 =	ssub.s32 $0x2, s7;
	p0 =	seq.s32 s7, $0x1  }
0xc: {  	s6 =	sor.u32 s13, s4;
	_ =	strace $0x80000050;
	s4 =	sadd.s32 $0x3400, s0  }
0xd: {  	s11 =	sshrl.u32 s10, $0x1;
	s25 =	sadd.s32 s8, s2;
	s12 =	sshrl.u32 s8, $0x3  }
0xe: {  	s6 =	smul.u32 $0x2710, s6;
	s5 =	sadd.s32 s8, s5;
	s10 =	ssub.s32 s10, s11  }
0xf: {  	s11 =	smov.u32 s4;
	s13 =	sshrl.u32 s25, $0x3;
	s25 =	simm.s32 $0x3  }
0x10: {  	s5 =	sshrl.u32 s5, $0x3;
	s11 =	smov.u32 @p0 s9;
	s8 =	smax.u32 s10, $0x1  }
0x11: {  	s10 =	simm.s32 $0x6;
	s6 =	sshrl.u32 s6, $0x3;
	s0 =	sadd.s32 s5, s0  }
0x12: {  	s9 =	sadd.s32 s11, s12;
	s12 =	sor.u32 $0x1C06, s26;
	s26 =	simm.s32 $0x4  }
0x13: {  	s11 =	simm.s32 $0x0;
	s5 =	sadd.s32 s1, s6;
	s7 =	sadd.s32 $0x2A800, s0  }
0x14: {  	s0 =	simm.s32 $0x4D80;
	s1 =	simm.s32 $0x4DD0;
	s6 =	sadd.s32 $0x9C40, s5  }
.LBB2_1:
0x15: {  	[tilespmem:s3], [sflag:$0x6] =	stream.linear.gather [hbm4b:s5+s3], $0x2710, $0x38;
	[tilespmem:$0x14E60] =	vst v63  }
0x16: {  	_ =	swait.ge [sflag:s10], $0x2710  }
0x17: {  	[sflag:s10] =	ssyncset.done $0x0  }
0x18: {  	s17 =	simm.s32 $0x2710;
	[sflag:s10] =	ssyncadd.s32 $0xFFFFD8F0  }
0x19: {  	[tilespmem:s17], [sflag:$0x6] =	stream.linear.gather [hbm4b:s6+s3], $0x2710, $0x38;
	[tilespmem:$0x14E60] =	vst v63  }
0x1a: {  	_ =	swait.ge [sflag:s10], $0x2710  }
0x1b: {  	[sflag:s10] =	ssyncset.done $0x0  }
0x1c: {  	[sflag:s10] =	ssyncadd.s32 $0xFFFFD8F0  }
0x1d: {  	[spmem:s13], [sflag:s12] =	dma.local [hbm:s9], $0x1388  }
0x1e: {  	_ =	swait.ge [sflag:s10], $0x1388  }
0x1f: {  	[sflag:s10] =	ssyncset.done $0x0  }
0x20: {  	[sflag:s10] =	ssyncadd.s32 $0xFFFFEC78  }
0x21: {  	[bflag:$0x0] =	sbarrier.arrive $0xFFFF  }
0x22: {  	[tilespmem:s15], [sflag:$0x1] =	stream.indirect.gather [hbm4b:s4+s14], $0x40, s3, s14, $0xb8;
	[tilespmem:$0x14E60] =	vst v63  }
0x23: {  	_ = 	snop  }
0x24: {  	[tilespmem:s16], [sflag:$0x2] =	stream.indirect.gather [hbm4b:s4+s14], $0x40, s14, s14, $0xb8;
	[tilespmem:$0x14E60] =	vst v63  }
0x25: {  	s19 =	simm.s32 $0xA0  }
0x26: {  	[tilespmem:s18], [sflag:$0x3] =	stream.indirect.gather [hbm4b:s4+s14], $0x40, s19, s14, $0xb8;
	[tilespmem:$0x14E60] =	vst v63  }
0x27: {  	s21 =	simm.s32 $0xF0  }
0x28: {  	[tilespmem:s20], [sflag:$0x4] =	stream.indirect.gather [hbm4b:s4+s14], $0x40, s21, s14, $0xb8;
	[tilespmem:$0x14E60] =	vst v63  }
0x29: {  	s19 =	simm.s32 $0x140  }
0x2a: {  	[tilespmem:s22], [sflag:$0x5] =	stream.indirect.gather [hbm4b:s4+s14], $0x40, s19, s14, $0xb8;
	[tilespmem:$0x14E60] =	vst v63  }
0x2b: {  	_ =	swait.ge [sflag:s23], $0x1400  }
0x2c: {  	[sflag:s23] =	ssyncset.done $0x0  }
0x2d: {  	s21 =	simm.s32 $0x2710;
	[sflag:s23] =	ssyncadd.s32 $0xFFFFEC00  }
0x2e: {  	[spmem:s2] =	stream.indirect.scatter.add.f32 [tilespmem:s15], [sflag:$0x6], $0x40, s21, s14, $0xb8;
	[tilespmem:$0x14E60] =	vst v63  }
0x2f: {  	_ =	swait.ge [sflag:s10], $0x1400  }
0x30: {  	[sflag:s10] =	ssyncset.done $0x0  }
0x31: {  	s19 =	simm.s32 $0x190;
	[sflag:s10] =	ssyncadd.s32 $0xFFFFEC00  }
0x32: {  	[tilespmem:s15], [sflag:$0x1] =	stream.indirect.gather [hbm4b:s4+s14], $0x40, s19, s14, $0xb8;
	[tilespmem:$0x14E60] =	vst v63  }
0x33: {  	_ =	swait.ge [sflag:s24], $0x1400  }
0x34: {  	[sflag:s24] =	ssyncset.done $0x0  }
0x35: {  	s21 =	simm.s32 $0x2760;
	[sflag:s24] =	ssyncadd.s32 $0xFFFFEC00  }
0x36: {  	[spmem:s2] =	stream.indirect.scatter.add.f32 [tilespmem:s16], [sflag:$0x6], $0x40, s21, s14, $0xb8;
	[tilespmem:$0x14E60] =	vst v63  }
0x37: {  	_ =	swait.ge [sflag:s10], $0x1400  }
0x38: {  	[sflag:s10] =	ssyncset.done $0x0  }
0x39: {  	s19 =	simm.s32 $0x1E0;
	[sflag:s10] =	ssyncadd.s32 $0xFFFFEC00  }
0x3a: {  	[tilespmem:s16], [sflag:$0x2] =	stream.indirect.gather [hbm4b:s4+s14], $0x40, s19, s14, $0xb8;
	[tilespmem:$0x14E60] =	vst v63  }
0x3b: {  	_ =	swait.ge [sflag:s25], $0x1400  }
0x3c: {  	[sflag:s25] =	ssyncset.done $0x0  }
0x3d: {  	s21 =	simm.s32 $0x27B0;
	[sflag:s25] =	ssyncadd.s32 $0xFFFFEC00  }
0x3e: {  	[spmem:s2] =	stream.indirect.scatter.add.f32 [tilespmem:s18], [sflag:$0x6], $0x40, s21, s14, $0xb8;
	[tilespmem:$0x14E60] =	vst v63  }
0x3f: {  	_ =	swait.ge [sflag:s10], $0x1400  }
0x40: {  	[sflag:s10] =	ssyncset.done $0x0  }
0x41: {  	s19 =	simm.s32 $0x230;
	[sflag:s10] =	ssyncadd.s32 $0xFFFFEC00  }
0x42: {  	[tilespmem:s18], [sflag:$0x3] =	stream.indirect.gather [hbm4b:s4+s14], $0x40, s19, s14, $0xb8;
	[tilespmem:$0x14E60] =	vst v63  }
0x43: {  	_ =	swait.ge [sflag:s26], $0x1400  }
0x44: {  	[sflag:s26] =	ssyncset.done $0x0  }
0x45: {  	s21 =	simm.s32 $0x2800;
	[sflag:s26] =	ssyncadd.s32 $0xFFFFEC00  }
0x46: {  	[spmem:s2] =	stream.indirect.scatter.add.f32 [tilespmem:s20], [sflag:$0x6], $0x40, s21, s14, $0xb8;
	[tilespmem:$0x14E60] =	vst v63  }
0x47: {  	_ =	swait.ge [sflag:s10], $0x1400  }
0x48: {  	[sflag:s10] =	ssyncset.done $0x0  }
0x49: {  	s19 =	simm.s32 $0x280;
	[sflag:s10] =	ssyncadd.s32 $0xFFFFEC00  }
0x4a: {  	[tilespmem:s20], [sflag:$0x4] =	stream.indirect.gather [hbm4b:s4+s14], $0x40, s19, s14, $0xb8;
	[tilespmem:$0x14E60] =	vst v63  }
0x4b: {  	_ =	swait.ge [sflag:s28], $0x1400  }
0x4c: {  	[sflag:s28] =	ssyncset.done $0x0  }
0x4d: {  	s21 =	simm.s32 $0x2850;
	[sflag:s28] =	ssyncadd.s32 $0xFFFFEC00  }
0x4e: {  	[spmem:s2] =	stream.indirect.scatter.add.f32 [tilespmem:s22], [sflag:$0x6], $0x40, s21, s14, $0xb8;
	[tilespmem:$0x14E60] =	vst v63  }
0x4f: {  	_ =	swait.ge [sflag:s10], $0x1400  }
0x50: {  	[sflag:s10] =	ssyncset.done $0x0  }
0x51: {  	s17 =	simm.s32 $0x640;
	s19 =	simm.s32 $0x2D0;
	[sflag:s10] =	ssyncadd.s32 $0xFFFFEC00  }
.LBB2_2:
0x52: {  	[tilespmem:s22], [sflag:$0x5] =	stream.indirect.gather [hbm4b:s4+s14], $0x40, s19, s14, $0xb8;
	[tilespmem:$0x14E60] =	vst v63  }
0x53: {  	s19 =	smov.u32 s17  }
0x54: {  	p0 =	sne.s32 s17, $0x8FC0;
	s17 =	sadd.s32 $0x640, s17;
	_ =	swait.ge [sflag:s23], $0x1400  }
0x55: {  	s19 =	sshra.s32 s19, $0x2;
	[sflag:s23] =	ssyncset.done $0x0  }
0x56: {  	s21 =	sadd.s32 $0x2710, s19;
	[sflag:s23] =	ssyncadd.s32 $0xFFFFEC00  }
0x57: {  	[spmem:s2] =	stream.indirect.scatter.add.f32 [tilespmem:s15], [sflag:$0x6], $0x40, s21, s14, $0xb8;
	[tilespmem:$0x14E60] =	vst v63  }
0x58: {  	_ =	swait.ge [sflag:s10], $0x1400  }
0x59: {  	[sflag:s10] =	ssyncset.done $0x0  }
0x5a: {  	s21 =	sadd.s32 $0x190, s19;
	[sflag:s10] =	ssyncadd.s32 $0xFFFFEC00  }
0x5b: {  	[tilespmem:s15], [sflag:$0x1] =	stream.indirect.gather [hbm4b:s4+s14], $0x40, s21, s14, $0xb8;
	[tilespmem:$0x14E60] =	vst v63  }
0x5c: {  	_ =	swait.ge [sflag:s24], $0x1400  }
0x5d: {  	[sflag:s24] =	ssyncset.done $0x0  }
0x5e: {  	s21 =	sadd.s32 $0x2760, s19;
	[sflag:s24] =	ssyncadd.s32 $0xFFFFEC00  }
0x5f: {  	[spmem:s2] =	stream.indirect.scatter.add.f32 [tilespmem:s16], [sflag:$0x6], $0x40, s21, s14, $0xb8;
	[tilespmem:$0x14E60] =	vst v63  }
0x60: {  	_ =	swait.ge [sflag:s10], $0x1400  }
0x61: {  	[sflag:s10] =	ssyncset.done $0x0  }
0x62: {  	s21 =	sadd.s32 $0x1E0, s19;
	[sflag:s10] =	ssyncadd.s32 $0xFFFFEC00  }
0x63: {  	[tilespmem:s16], [sflag:$0x2] =	stream.indirect.gather [hbm4b:s4+s14], $0x40, s21, s14, $0xb8;
	[tilespmem:$0x14E60] =	vst v63  }
0x64: {  	_ =	swait.ge [sflag:s25], $0x1400  }
0x65: {  	[sflag:s25] =	ssyncset.done $0x0  }
0x66: {  	s21 =	sadd.s32 $0x27B0, s19;
	[sflag:s25] =	ssyncadd.s32 $0xFFFFEC00  }
0x67: {  	[spmem:s2] =	stream.indirect.scatter.add.f32 [tilespmem:s18], [sflag:$0x6], $0x40, s21, s14, $0xb8;
	[tilespmem:$0x14E60] =	vst v63  }
0x68: {  	_ =	swait.ge [sflag:s10], $0x1400  }
0x69: {  	[sflag:s10] =	ssyncset.done $0x0  }
0x6a: {  	s21 =	sadd.s32 $0x230, s19;
	[sflag:s10] =	ssyncadd.s32 $0xFFFFEC00  }
0x6b: {  	[tilespmem:s18], [sflag:$0x3] =	stream.indirect.gather [hbm4b:s4+s14], $0x40, s21, s14, $0xb8;
	[tilespmem:$0x14E60] =	vst v63  }
0x6c: {  	_ =	swait.ge [sflag:s26], $0x1400  }
0x6d: {  	[sflag:s26] =	ssyncset.done $0x0  }
0x6e: {  	s21 =	sadd.s32 $0x2800, s19;
	[sflag:s26] =	ssyncadd.s32 $0xFFFFEC00  }
0x6f: {  	[spmem:s2] =	stream.indirect.scatter.add.f32 [tilespmem:s20], [sflag:$0x6], $0x40, s21, s14, $0xb8;
	[tilespmem:$0x14E60] =	vst v63  }
0x70: {  	_ =	swait.ge [sflag:s10], $0x1400  }
0x71: {  	[sflag:s10] =	ssyncset.done $0x0  }
0x72: {  	s21 =	sadd.s32 $0x280, s19;
	[sflag:s10] =	ssyncadd.s32 $0xFFFFEC00  }
0x73: {  	[tilespmem:s20], [sflag:$0x4] =	stream.indirect.gather [hbm4b:s4+s14], $0x40, s21, s14, $0xb8;
	[tilespmem:$0x14E60] =	vst v63  }
0x74: {  	_ =	swait.ge [sflag:s28], $0x1400  }
0x75: {  	[sflag:s28] =	ssyncset.done $0x0  }
.Ltmp0:
0x76: {  	s21 =	sadd.s32 $0x2850, s19;
	[sflag:s28] =	ssyncadd.s32 $0xFFFFEC00;
	(pc) =	sbr.rel @p0 .LBB2_2-.Ltmp0, $4  }
0x77: {  	[spmem:s2] =	stream.indirect.scatter.add.f32 [tilespmem:s22], [sflag:$0x6], $0x40, s21, s14, $0xb8;
	[tilespmem:$0x14E60] =	vst v63  }
0x78: {  	_ =	swait.ge [sflag:s10], $0x1400  }
0x79: {  	[sflag:s10] =	ssyncset.done $0x0  }
0x7a: {  	s19 =	sadd.s32 $0x2D0, s19;
	[sflag:s10] =	ssyncadd.s32 $0xFFFFEC00  }
0x7b: {  	[tilespmem:s22], [sflag:$0x5] =	stream.indirect.gather [hbm4b:s4+s14], $0x40, s19, s14, $0xb8;
	[tilespmem:$0x14E60] =	vst v63  }
0x7c: {  	_ =	swait.ge [sflag:s23], $0x1400  }
0x7d: {  	[sflag:s23] =	ssyncset.done $0x0  }
0x7e: {  	[sflag:s23] =	ssyncadd.s32 $0xFFFFEC00  }
0x7f: {  	[spmem:s2] =	stream.indirect.scatter.add.f32 [tilespmem:s15], [sflag:$0x6], $0x40, s29, s14, $0xb8;
	[tilespmem:$0x14E60] =	vst v63  }
0x80: {  	_ =	swait.ge [sflag:s10], $0x1400  }
0x81: {  	[sflag:s10] =	ssyncset.done $0x0  }
0x82: {  	[sflag:s10] =	ssyncadd.s32 $0xFFFFEC00  }
0x83: {  	_ =	swait.ge [sflag:s24], $0x1400  }
0x84: {  	[sflag:s24] =	ssyncset.done $0x0  }
0x85: {  	[sflag:s24] =	ssyncadd.s32 $0xFFFFEC00  }
0x86: {  	[spmem:s2] =	stream.indirect.scatter.add.f32 [tilespmem:s16], [sflag:$0x6], $0x40, s30, s14, $0xb8;
	[tilespmem:$0x14E60] =	vst v63  }
0x87: {  	_ =	swait.ge [sflag:s10], $0x1400  }
0x88: {  	[sflag:s10] =	ssyncset.done $0x0  }
0x89: {  	[sflag:s10] =	ssyncadd.s32 $0xFFFFEC00  }
0x8a: {  	_ =	swait.ge [sflag:s25], $0x1400  }
0x8b: {  	[sflag:s25] =	ssyncset.done $0x0  }
0x8c: {  	[sflag:s25] =	ssyncadd.s32 $0xFFFFEC00  }
0x8d: {  	[spmem:s2] =	stream.indirect.scatter.add.f32 [tilespmem:s18], [sflag:$0x6], $0x40, s31, s14, $0xb8;
	[tilespmem:$0x14E60] =	vst v63  }
0x8e: {  	_ =	swait.ge [sflag:s10], $0x1400  }
0x8f: {  	[sflag:s10] =	ssyncset.done $0x0  }
0x90: {  	[sflag:s10] =	ssyncadd.s32 $0xFFFFEC00  }
0x91: {  	_ =	swait.ge [sflag:s26], $0x1400  }
0x92: {  	[sflag:s26] =	ssyncset.done $0x0  }
0x93: {  	[sflag:s26] =	ssyncadd.s32 $0xFFFFEC00  }
0x94: {  	[spmem:s2] =	stream.indirect.scatter.add.f32 [tilespmem:s20], [sflag:$0x6], $0x40, s0, s14, $0xb8;
	[tilespmem:$0x14E60] =	vst v63  }
0x95: {  	_ =	swait.ge [sflag:s10], $0x1400  }
0x96: {  	[sflag:s10] =	ssyncset.done $0x0  }
0x97: {  	[sflag:s10] =	ssyncadd.s32 $0xFFFFEC00  }
0x98: {  	_ =	swait.ge [sflag:s28], $0x1400  }
0x99: {  	[sflag:s28] =	ssyncset.done $0x0  }
0x9a: {  	[sflag:s28] =	ssyncadd.s32 $0xFFFFEC00  }
0x9b: {  	[spmem:s2] =	stream.indirect.scatter.add.f32 [tilespmem:s22], [sflag:$0x6], $0x40, s1, s14, $0xb8;
	[tilespmem:$0x14E60] =	vst v63  }
0x9c: {  	_ =	swait.ge [sflag:s10], $0x1400  }
0x9d: {  	s11 =	sadd.s32 $0x1, s11;
	[sflag:s10] =	ssyncset.done $0x0  }
0x9e: {  	p0 =	sne.s32 s11, s8;
	[sflag:s10] =	ssyncadd.s32 $0xFFFFEC00  }
.Ltmp1:
0x9f: {  	[bflag:$0x0] =	sbarrier.arrive $0xFFFF;
	(pc) =	sbr.rel @p0 .LBB2_1-.Ltmp1, $4  }
0xa0: {  	[hbm:s7], [sflag:s12] =	dma.local [spmem:s13], $0x1388  }
0xa1: {  	_ =	swait.ge [sflag:s10], $0x1388  }
0xa2: {  	[sflag:s10] =	ssyncset.done $0x0  }
0xa3: {  	[sflag:s10] =	ssyncadd.s32 $0xFFFFEC78  }
0xa4: {  	_ =	sfence.sel $0x180000  }
0xa5: {  	[bflag:$0x0] =	sbarrier.arrive $0xFFFF  }
0xa6: {  	_ =	strace $0x90000050  }
0xa7: {  	s0 =	stileid.u32;
	[bflag:$0x2] =	sbarrier.arrive $0xFFFF  }
0xa8: {  	p0 =	sne.s32 s0, $0x0;
	s0 =	rddreg [dreg:$0x3]  }
0xa9: {  	s0 =	sadd.s32 @!p0 $0x100000, s0  }
0xaa: {  	[sflag:s0] =	ssyncadd.tile.s32 @!p0 $0x1;
	_ =	shalt  }
.Lfunc_end2:
_tile_overlayer_lowered:
.L_overlay_start_2:
0xab: {  	(tag) =	ssettag $0x2  }
0xac: {  	s0 =	rddreg [dreg:$0x0];
	s2 =	stileid.u32  }
0xad: {  	s1 =	rddreg [dreg:$0x1];
	p0 =	sne.s32 s2, $0x0  }
0xae: {  	s3 =	rddreg [dreg:$0x2];
	[bflag:$0x3] =	sbarrier.arrive $0xFFFF;
	s2 =	simm.s32 @!p0 $0x1C06  }
0xaf: {  	[timem:s3], [sflag:s2] =	dma.local @!p0 [hbm:s0], s1  }
0xb0: {  	s0 =	simm.s32 @!p0 $0x6  }
0xb1: {  	_ =	swait.ge @!p0 [sflag:s0], s1  }
0xb2: {  	s1 =	ssub.s32 @!p0 $0x0, s1;
	[sflag:s0] =	ssyncset.done @!p0 $0x0  }
0xb3: {  	[sflag:s0] =	ssyncadd.s32 @!p0 s1  }
0xb4: {  	[bflag:$0x3] =	sbarrier.arrive $0xFFFF  }
0xb5: {  	_ =	shalt  }

</sc_bundles>
